<compile_context>
chip_gen: v7x
topology: tpu7x:2x2x1
jax: 0.10.2.dev20260603
libtpu: 0.0.44.dev20260713+nightly
codegen_flags: <defaults>
</compile_context>

<pallas_src>
import functools

import jax
import jax.numpy as jnp
from jax import lax
from jax.experimental import pallas as pl
from jax.experimental.pallas import tpu as pltpu
from jax.experimental.pallas import tpu_sc as plsc

_NUM_CORES = 2
_NUM_SUBCORES = 16
_NUM_WORKERS = _NUM_CORES * _NUM_SUBCORES
_LANES = 16

_D = 64


def _lane_shuffle(v, idx):
    return lax.gather(
        v,
        idx[:, None],
        lax.GatherDimensionNumbers(
            offset_dims=(), collapsed_slice_dims=(0,), start_index_map=(0,)),
        (1,),
        mode=lax.GatherScatterMode.PROMISE_IN_BOUNDS,
    )


def _rsqrt_newton(ss):
    ib = plsc.bitcast(ss, jnp.int32)
    ib = jnp.int32(0x5F3759DF) - lax.shift_right_logical(ib, 1)
    y = plsc.bitcast(ib, jnp.float32)
    half = ss * jnp.float32(0.5)
    for _ in range(1):
        y = y * (jnp.float32(1.5) - half * y * y)
    return jnp.minimum(y, jnp.float32(1e12))


def _make_sc_lookup(batch, seq):
    assert batch % _NUM_WORKERS == 0
    rows_per_w = batch // _NUM_WORKERS
    assert rows_per_w == 128
    b_hi = batch // 128

    mesh = plsc.VectorSubcoreMesh(
        core_axis_name="c", subcore_axis_name="s")

    @functools.partial(
        pl.kernel,
        out_type=jax.ShapeDtypeStruct((seq, _D // 8, b_hi, 8, 128),
                                      jnp.float32),
        mesh=mesh,
        compiler_params=pltpu.CompilerParams(
            needs_layout_passes=False, use_tc_tiling_on_sc=False),
        scratch_types=[
            pltpu.VMEM((rows_per_w, seq), jnp.int32),
            pltpu.VMEM((2, 128), jnp.int32),
            pltpu.VMEM((128, _D), jnp.float32),
            pltpu.VMEM((128, _D), jnp.float32),
            pltpu.VMEM((_D // 8, 1, 8, 129), jnp.float32),
            pltpu.VMEM((_D // 8, 1, 8, 129), jnp.float32),
            pltpu.SemaphoreType.DMA,
            pltpu.SemaphoreType.DMA,
            pltpu.SemaphoreType.DMA,
            pltpu.SemaphoreType.DMA,
        ],
    )
    def lookup(tok_hbm, table_hbm, out_hbm, idx_all, cidx,
               g0, g1, t0, t1, gs0, gs1, ws0, ws1):
        wid = lax.axis_index("s") * _NUM_CORES + lax.axis_index("c")
        row0 = wid * rows_per_w
        lane = lax.iota(jnp.int32, _LANES)
        shuffles = [jnp.bitwise_xor(lane, jnp.int32(1 << k)) for k in range(4)]
        ehi_lane = lax.shift_right_logical(lane, 3)
        elo_lane = jnp.bitwise_and(lane, jnp.int32(7))
        zero_v = jnp.zeros((_LANES,), jnp.int32)

        pltpu.sync_copy(tok_hbm.at[pl.ds(row0, rows_per_w)], idx_all)

        gbuf, gsem = (g0, g1), (gs0, gs1)
        tbuf, wsem = (t0, t1), (ws0, ws1)

        def start_gather(s, b):
            for u in range(8):
                rv = lane + jnp.int32(u * 16)
                col = plsc.load_gather(idx_all, [rv, zero_v + s])
                cidx[b, pl.ds(u * 16, 16)] = col
            pltpu.async_copy(
                table_hbm.at[cidx.at[b]], gbuf[b], gsem[b])

        def wait_gather(b):
            pltpu.make_async_copy(
                table_hbm.at[pl.ds(0, 128)], gbuf[b], gsem[b]).wait()

        def wait_write(b):
            pltpu.make_async_copy(tbuf[b].at[:, :, :, pl.ds(0, 128)],
                                  out_hbm.at[0, :, pl.ds(0, 1)],
                                  wsem[b]).wait()

        def normalize(b):
            src, dst = gbuf[b], tbuf[b]

            @plsc.parallel_loop(0, 128, unroll=8)
            def _(r):
                row = src.at[r]
                qs = [row[pl.ds(q * _LANES, _LANES)]
                      for q in range(_D // _LANES)]
                acc = qs[0] * qs[0]
                for q in qs[1:]:
                    acc = acc + q * q
                for sh in shuffles:
                    acc = acc + _lane_shuffle(acc, sh)
                inv = _rsqrt_newton(acc)
                bv = zero_v + r
                for q_i, q in enumerate(qs):
                    plsc.store_scatter(
                        dst,
                        [ehi_lane + jnp.int32(2 * q_i), zero_v,
                         elo_lane, bv],
                        q * inv)

        start_gather(0, 0)
        start_gather(1, 1)

        def pair_body(i, carry):
            for b in range(2):
                s = 2 * i + b
                wait_gather(b)

                @pl.when(i > 0)
                def _():
                    wait_write(b)

                normalize(b)
                pltpu.async_copy(
                    tbuf[b].at[:, :, :, pl.ds(0, 128)],
                    out_hbm.at[s, :, pl.ds(wid, 1)], wsem[b])

                @pl.when(s + 2 < seq)
                def _():
                    start_gather(s + 2, b)
            return carry

        lax.fori_loop(0, seq // 2, pair_body, 0)
        wait_write(0)
        wait_write(1)

    return lookup


def kernel(token_ids, embedding_table):
    batch, seq = token_ids.shape
    vocab, d = embedding_table.shape
    assert d == _D
    tok = token_ids.astype(jnp.int32)
    out5d = _make_sc_lookup(batch, seq)(tok, embedding_table)
    out = out5d.transpose(2, 4, 0, 1, 3).reshape(batch, seq, _D)
    return out

# --- scband reference (transcript-rebuilt; emitter-appended) ---
"""Pipeline reference for scband-language-model-67095979098627 (READ-ONLY COPY).

The authoritative reference and input builder live on the scoring server;
editing this copy changes nothing except your own understanding.
"""

import jax, jax.numpy as jnp
import numpy as np

VOCAB = 1000000
EMB_DIM = 64
BATCH = 4096
SEQ = 200

def setup_inputs(seed: int = 0) -> dict:
    key = jax.random.key(seed)
    k1, k2 = jax.random.split(key)
    token_ids = jax.random.randint(k1, (BATCH, SEQ), 0, VOCAB, dtype=jnp.int64) if jax.config.jax_enable_x64 else jax.random.randint(k1, (BATCH, SEQ), 0, VOCAB, dtype=jnp.int32)
    embedding_table = jax.random.normal(k2, (VOCAB, EMB_DIM), dtype=jnp.float32) * 0.02
    return {"token_ids": token_ids, "embedding_table": embedding_table}

def reference(token_ids, embedding_table):
    # get_clean_embedding: embedding lookup followed by L2 normalization (F.normalize p=2, dim=-1)
    raw_embeddings = jnp.take(embedding_table, token_ids, axis=0)
    norm = jnp.sqrt(jnp.sum(raw_embeddings * raw_embeddings, axis=-1, keepdims=True))
    eps = 1e-12
    normalized_embeddings = raw_embeddings / jnp.maximum(norm, eps)
    return normalized_embeddings

if __name__ == "__main__":
    import jax
    _d = setup_inputs()
    print(jax.jit(kernel)(*tuple(_d.values())))

</pallas_src>

<mosaic_0001>
#map = affine_map<(d0, d1) -> (0, 0)>
#map1 = affine_map<(d0, d1) -> (0, 0, 0, 0, 0)>
module attributes {stable_mosaic.version = 14 : i64} {
  func.func @lookup(%arg0: i32, %arg1: i32, %arg2: memref<4096x200xi32, #tpu.memory_space<hbm>>, %arg3: memref<1000000x64xf32, #tpu.memory_space<hbm>>, %arg4: memref<200x8x32x8x128xf32, #tpu.memory_space<hbm>>, %arg5: memref<128x200xi32, #tpu.memory_space<vmem>>, %arg6: memref<2x128xi32, #tpu.memory_space<vmem>>, %arg7: memref<128x64xf32, #tpu.memory_space<vmem>>, %arg8: memref<128x64xf32, #tpu.memory_space<vmem>>, %arg9: memref<8x1x8x129xf32, #tpu.memory_space<vmem>>, %arg10: memref<8x1x8x129xf32, #tpu.memory_space<vmem>>, %arg11: memref<!tpu.dma_semaphore, #tpu.memory_space<semaphore_mem>>, %arg12: memref<!tpu.dma_semaphore, #tpu.memory_space<semaphore_mem>>, %arg13: memref<!tpu.dma_semaphore, #tpu.memory_space<semaphore_mem>>, %arg14: memref<!tpu.dma_semaphore, #tpu.memory_space<semaphore_mem>>) attributes {dimension_semantics = [#tpu.dimension_semantics<core_parallel>, #tpu.dimension_semantics<subcore_parallel>], iteration_bounds = array<i64: 2, 16>, scalar_prefetch = 0 : i64, scratch_operands = 10 : i64, tpu.core_type = #tpu.core_type<sc_vector_subcore>, window_params = [{transform_indices = #map}, {transform_indices = #map}, {transform_indices = #map1}]} {
    %mul3A = arith.constant 2 : i32
    %mul3A_0 = arith.muli %arg1, %mul3A : i32
    %add3A = arith.addi %mul3A_0, %arg0 : i32
    %mul3A_1 = arith.constant 128 : i32
    %mul3A_2 = arith.muli %add3A, %mul3A_1 : i32
    %iota3A = tpu.iota {dimensions = array<i32: 0>} : vector<16xi32>
    %xor3A = arith.constant 1 : i32
    %xor3A_3 = vector.broadcast %xor3A : i32 to vector<16xi32>
    %xor3A_4 = arith.xori %iota3A, %xor3A_3 : vector<16xi32>
    %xor3A_5 = arith.constant 2 : i32
    %xor3A_6 = vector.broadcast %xor3A_5 : i32 to vector<16xi32>
    %xor3A_7 = arith.xori %iota3A, %xor3A_6 : vector<16xi32>
    %xor3A_8 = arith.constant 4 : i32
    %xor3A_9 = vector.broadcast %xor3A_8 : i32 to vector<16xi32>
    %xor3A_10 = arith.xori %iota3A, %xor3A_9 : vector<16xi32>
    %xor3A_11 = arith.constant 8 : i32
    %xor3A_12 = vector.broadcast %xor3A_11 : i32 to vector<16xi32>
    %xor3A_13 = arith.xori %iota3A, %xor3A_12 : vector<16xi32>
    %shift_right_logical3A = arith.constant 3 : i32
    %shift_right_logical3A_14 = vector.broadcast %shift_right_logical3A : i32 to vector<16xi32>
    %shift_right_logical3A_15 = arith.shrui %iota3A, %shift_right_logical3A_14 : vector<16xi32>
    %and3A = arith.constant 7 : i32
    %and3A_16 = vector.broadcast %and3A : i32 to vector<16xi32>
    %and3A_17 = arith.andi %iota3A, %and3A_16 : vector<16xi32>
    %broadcast_in_dim3A = arith.constant 0 : i32
    %broadcast_in_dim3A_18 = vector.broadcast %broadcast_in_dim3A : i32 to vector<16xi32>
    "tpu.region"() ({
      %run_scoped3A = tpu.sem_alloc : memref<!tpu.dma_semaphore, #tpu.memory_space<semaphore_mem>>
      %dma_start3A_256 = arith.constant 0 : i32
      %dma_start3A_257 = tpu.memref_slice %arg2[%mul3A_2, %dma_start3A_256] : memref<4096x200xi32, #tpu.memory_space<hbm>> -> memref<128x200xi32, #tpu.memory_space<hbm>>
      %dma_start3A_258 = arith.constant 0 : i32
      %dma_start3A_259 = tpu.memref_slice %arg2[%mul3A_2, %dma_start3A_258] : memref<4096x200xi32, #tpu.memory_space<hbm>> -> memref<128x200xi32, #tpu.memory_space<hbm>>
      tpu.enqueue_dma source(%dma_start3A_259 : memref<128x200xi32, #tpu.memory_space<hbm>>) target(%arg5 : memref<128x200xi32, #tpu.memory_space<vmem>>) target_semaphore(%run_scoped3A : memref<!tpu.dma_semaphore, #tpu.memory_space<semaphore_mem>>)
      %dma_wait3A_260 = arith.constant 0 : i32
      %dma_wait3A_261 = tpu.memref_slice %arg2[%mul3A_2, %dma_wait3A_260] : memref<4096x200xi32, #tpu.memory_space<hbm>> -> memref<128x200xi32, #tpu.memory_space<hbm>>
      %dma_wait3A_262 = arith.constant 0 : i32
      %dma_wait3A_263 = tpu.memref_slice %arg2[%mul3A_2, %dma_wait3A_262] : memref<4096x200xi32, #tpu.memory_space<hbm>> -> memref<128x200xi32, #tpu.memory_space<hbm>>
      tpu.wait_dma2 semaphore(%run_scoped3A : memref<!tpu.dma_semaphore, #tpu.memory_space<semaphore_mem>>) src(%dma_wait3A_263 : memref<128x200xi32, #tpu.memory_space<hbm>>) dst(%arg5 : memref<128x200xi32, #tpu.memory_space<vmem>>)
      tpu.yield
    }) : () -> ()
    %add3A_19 = arith.constant 0 : i32
    %add3A_20 = vector.broadcast %add3A_19 : i32 to vector<16xi32>
    %add3A_21 = arith.addi %iota3A, %add3A_20 : vector<16xi32>
    %add3A_22 = arith.constant 0 : i32
    %add3A_23 = vector.broadcast %add3A_22 : i32 to vector<16xi32>
    %add3A_24 = arith.addi %broadcast_in_dim3A_18, %add3A_23 : vector<16xi32>
    %gather3A = tpu.vector_load_idx %arg5[%add3A_21, %add3A_24] : memref<128x200xi32, #tpu.memory_space<vmem>>[vector<16xi32>, vector<16xi32>], vector<16xi32>,
    %swap3A = arith.constant 0 : i32
    %swap3A_25 = arith.index_cast %swap3A : i32 to index
    %swap3A_26 = arith.constant 0 : index
    %swap3A_27 = tpu.vector_load %arg6[%swap3A_25, %swap3A_26] {strides = array<i32>} : memref<2x128xi32, #tpu.memory_space<vmem>>, vector<16xi32>,
    tpu.vector_store %arg6[%swap3A_25, %swap3A_26], %gather3A {strides = array<i32>} : memref<2x128xi32, #tpu.memory_space<vmem>>, vector<16xi32>,
    %add3A_28 = arith.constant 16 : i32
    %add3A_29 = vector.broadcast %add3A_28 : i32 to vector<16xi32>
    %add3A_30 = arith.addi %iota3A, %add3A_29 : vector<16xi32>
    %add3A_31 = arith.constant 0 : i32
    %add3A_32 = vector.broadcast %add3A_31 : i32 to vector<16xi32>
    %add3A_33 = arith.addi %broadcast_in_dim3A_18, %add3A_32 : vector<16xi32>
    %gather3A_34 = tpu.vector_load_idx %arg5[%add3A_30, %add3A_33] : memref<128x200xi32, #tpu.memory_space<vmem>>[vector<16xi32>, vector<16xi32>], vector<16xi32>,
    %swap3A_35 = arith.constant 0 : i32
    %swap3A_36 = arith.index_cast %swap3A_35 : i32 to index
    %swap3A_37 = arith.constant 16 : index
    %swap3A_38 = tpu.vector_load %arg6[%swap3A_36, %swap3A_37] {strides = array<i32>} : memref<2x128xi32, #tpu.memory_space<vmem>>, vector<16xi32>,
    tpu.vector_store %arg6[%swap3A_36, %swap3A_37], %gather3A_34 {strides = array<i32>} : memref<2x128xi32, #tpu.memory_space<vmem>>, vector<16xi32>,
    %add3A_39 = arith.constant 32 : i32
    %add3A_40 = vector.broadcast %add3A_39 : i32 to vector<16xi32>
    %add3A_41 = arith.addi %iota3A, %add3A_40 : vector<16xi32>
    %add3A_42 = arith.constant 0 : i32
    %add3A_43 = vector.broadcast %add3A_42 : i32 to vector<16xi32>
    %add3A_44 = arith.addi %broadcast_in_dim3A_18, %add3A_43 : vector<16xi32>
    %gather3A_45 = tpu.vector_load_idx %arg5[%add3A_41, %add3A_44] : memref<128x200xi32, #tpu.memory_space<vmem>>[vector<16xi32>, vector<16xi32>], vector<16xi32>,
    %swap3A_46 = arith.constant 0 : i32
    %swap3A_47 = arith.index_cast %swap3A_46 : i32 to index
    %swap3A_48 = arith.constant 32 : index
    %swap3A_49 = tpu.vector_load %arg6[%swap3A_47, %swap3A_48] {strides = array<i32>} : memref<2x128xi32, #tpu.memory_space<vmem>>, vector<16xi32>,
    tpu.vector_store %arg6[%swap3A_47, %swap3A_48], %gather3A_45 {strides = array<i32>} : memref<2x128xi32, #tpu.memory_space<vmem>>, vector<16xi32>,
    %add3A_50 = arith.constant 48 : i32
    %add3A_51 = vector.broadcast %add3A_50 : i32 to vector<16xi32>
    %add3A_52 = arith.addi %iota3A, %add3A_51 : vector<16xi32>
    %add3A_53 = arith.constant 0 : i32
    %add3A_54 = vector.broadcast %add3A_53 : i32 to vector<16xi32>
    %add3A_55 = arith.addi %broadcast_in_dim3A_18, %add3A_54 : vector<16xi32>
    %gather3A_56 = tpu.vector_load_idx %arg5[%add3A_52, %add3A_55] : memref<128x200xi32, #tpu.memory_space<vmem>>[vector<16xi32>, vector<16xi32>], vector<16xi32>,
    %swap3A_57 = arith.constant 0 : i32
    %swap3A_58 = arith.index_cast %swap3A_57 : i32 to index
    %swap3A_59 = arith.constant 48 : index
    %swap3A_60 = tpu.vector_load %arg6[%swap3A_58, %swap3A_59] {strides = array<i32>} : memref<2x128xi32, #tpu.memory_space<vmem>>, vector<16xi32>,
    tpu.vector_store %arg6[%swap3A_58, %swap3A_59], %gather3A_56 {strides = array<i32>} : memref<2x128xi32, #tpu.memory_space<vmem>>, vector<16xi32>,
    %add3A_61 = arith.constant 64 : i32
    %add3A_62 = vector.broadcast %add3A_61 : i32 to vector<16xi32>
    %add3A_63 = arith.addi %iota3A, %add3A_62 : vector<16xi32>
    %add3A_64 = arith.constant 0 : i32
    %add3A_65 = vector.broadcast %add3A_64 : i32 to vector<16xi32>
    %add3A_66 = arith.addi %broadcast_in_dim3A_18, %add3A_65 : vector<16xi32>
    %gather3A_67 = tpu.vector_load_idx %arg5[%add3A_63, %add3A_66] : memref<128x200xi32, #tpu.memory_space<vmem>>[vector<16xi32>, vector<16xi32>], vector<16xi32>,
    %swap3A_68 = arith.constant 0 : i32
    %swap3A_69 = arith.index_cast %swap3A_68 : i32 to index
    %swap3A_70 = arith.constant 64 : index
    %swap3A_71 = tpu.vector_load %arg6[%swap3A_69, %swap3A_70] {strides = array<i32>} : memref<2x128xi32, #tpu.memory_space<vmem>>, vector<16xi32>,
    tpu.vector_store %arg6[%swap3A_69, %swap3A_70], %gather3A_67 {strides = array<i32>} : memref<2x128xi32, #tpu.memory_space<vmem>>, vector<16xi32>,
    %add3A_72 = arith.constant 80 : i32
    %add3A_73 = vector.broadcast %add3A_72 : i32 to vector<16xi32>
    %add3A_74 = arith.addi %iota3A, %add3A_73 : vector<16xi32>
    %add3A_75 = arith.constant 0 : i32
    %add3A_76 = vector.broadcast %add3A_75 : i32 to vector<16xi32>
    %add3A_77 = arith.addi %broadcast_in_dim3A_18, %add3A_76 : vector<16xi32>
    %gather3A_78 = tpu.vector_load_idx %arg5[%add3A_74, %add3A_77] : memref<128x200xi32, #tpu.memory_space<vmem>>[vector<16xi32>, vector<16xi32>], vector<16xi32>,
    %swap3A_79 = arith.constant 0 : i32
    %swap3A_80 = arith.index_cast %swap3A_79 : i32 to index
    %swap3A_81 = arith.constant 80 : index
    %swap3A_82 = tpu.vector_load %arg6[%swap3A_80, %swap3A_81] {strides = array<i32>} : memref<2x128xi32, #tpu.memory_space<vmem>>, vector<16xi32>,
    tpu.vector_store %arg6[%swap3A_80, %swap3A_81], %gather3A_78 {strides = array<i32>} : memref<2x128xi32, #tpu.memory_space<vmem>>, vector<16xi32>,
    %add3A_83 = arith.constant 96 : i32
    %add3A_84 = vector.broadcast %add3A_83 : i32 to vector<16xi32>
    %add3A_85 = arith.addi %iota3A, %add3A_84 : vector<16xi32>
    %add3A_86 = arith.constant 0 : i32
    %add3A_87 = vector.broadcast %add3A_86 : i32 to vector<16xi32>
    %add3A_88 = arith.addi %broadcast_in_dim3A_18, %add3A_87 : vector<16xi32>
    %gather3A_89 = tpu.vector_load_idx %arg5[%add3A_85, %add3A_88] : memref<128x200xi32, #tpu.memory_space<vmem>>[vector<16xi32>, vector<16xi32>], vector<16xi32>,
    %swap3A_90 = arith.constant 0 : i32
    %swap3A_91 = arith.index_cast %swap3A_90 : i32 to index
    %swap3A_92 = arith.constant 96 : index
    %swap3A_93 = tpu.vector_load %arg6[%swap3A_91, %swap3A_92] {strides = array<i32>} : memref<2x128xi32, #tpu.memory_space<vmem>>, vector<16xi32>,
    tpu.vector_store %arg6[%swap3A_91, %swap3A_92], %gather3A_89 {strides = array<i32>} : memref<2x128xi32, #tpu.memory_space<vmem>>, vector<16xi32>,
    %add3A_94 = arith.constant 112 : i32
    %add3A_95 = vector.broadcast %add3A_94 : i32 to vector<16xi32>
    %add3A_96 = arith.addi %iota3A, %add3A_95 : vector<16xi32>
    %add3A_97 = arith.constant 0 : i32
    %add3A_98 = vector.broadcast %add3A_97 : i32 to vector<16xi32>
    %add3A_99 = arith.addi %broadcast_in_dim3A_18, %add3A_98 : vector<16xi32>
    %gather3A_100 = tpu.vector_load_idx %arg5[%add3A_96, %add3A_99] : memref<128x200xi32, #tpu.memory_space<vmem>>[vector<16xi32>, vector<16xi32>], vector<16xi32>,
    %swap3A_101 = arith.constant 0 : i32
    %swap3A_102 = arith.index_cast %swap3A_101 : i32 to index
    %swap3A_103 = arith.constant 112 : index
    %swap3A_104 = tpu.vector_load %arg6[%swap3A_102, %swap3A_103] {strides = array<i32>} : memref<2x128xi32, #tpu.memory_space<vmem>>, vector<16xi32>,
    tpu.vector_store %arg6[%swap3A_102, %swap3A_103], %gather3A_100 {strides = array<i32>} : memref<2x128xi32, #tpu.memory_space<vmem>>, vector<16xi32>,
    %dma_start3A = arith.constant 0 : i32
    %dma_start3A_105 = arith.constant 0 : i32
    %dma_start3A_106 = tpu.memref_slice %arg6[%dma_start3A, %dma_start3A_105] : memref<2x128xi32, #tpu.memory_space<vmem>> -> memref<1x128xi32, #tpu.memory_space<vmem>>
    %dma_start3A_107 = tpu.memref_squeeze %dma_start3A_106 : memref<1x128xi32, #tpu.memory_space<vmem>> -> memref<128xi32, #tpu.memory_space<vmem>>
    %dma_start3A_108 = arith.constant 0 : i32
    %dma_start3A_109 = arith.constant 0 : i32
    %dma_start3A_110 = tpu.memref_slice %arg3[%dma_start3A_108, %dma_start3A_109] : memref<1000000x64xf32, #tpu.memory_space<hbm>> -> memref<1000000x64xf32, #tpu.memory_space<hbm>>
    tpu.enqueue_indirect_dma source(%dma_start3A_110 : memref<1000000x64xf32, #tpu.memory_space<hbm>>) target(%arg7 : memref<128x64xf32, #tpu.memory_space<vmem>>) offsets(%dma_start3A_107 : memref<128xi32, #tpu.memory_space<vmem>>) semaphore(%arg11 : memref<!tpu.dma_semaphore, #tpu.memory_space<semaphore_mem>>)
    %add3A_111 = arith.constant 0 : i32
    %add3A_112 = vector.broadcast %add3A_111 : i32 to vector<16xi32>
    %add3A_113 = arith.addi %iota3A, %add3A_112 : vector<16xi32>
    %add3A_114 = arith.constant 1 : i32
    %add3A_115 = vector.broadcast %add3A_114 : i32 to vector<16xi32>
    %add3A_116 = arith.addi %broadcast_in_dim3A_18, %add3A_115 : vector<16xi32>
    %gather3A_117 = tpu.vector_load_idx %arg5[%add3A_113, %add3A_116] : memref<128x200xi32, #tpu.memory_space<vmem>>[vector<16xi32>, vector<16xi32>], vector<16xi32>,
    %swap3A_118 = arith.constant 1 : i32
    %swap3A_119 = arith.index_cast %swap3A_118 : i32 to index
    %swap3A_120 = arith.constant 0 : index
    %swap3A_121 = tpu.vector_load %arg6[%swap3A_119, %swap3A_120] {strides = array<i32>} : memref<2x128xi32, #tpu.memory_space<vmem>>, vector<16xi32>,
    tpu.vector_store %arg6[%swap3A_119, %swap3A_120], %gather3A_117 {strides = array<i32>} : memref<2x128xi32, #tpu.memory_space<vmem>>, vector<16xi32>,
    %add3A_122 = arith.constant 16 : i32
    %add3A_123 = vector.broadcast %add3A_122 : i32 to vector<16xi32>
    %add3A_124 = arith.addi %iota3A, %add3A_123 : vector<16xi32>
    %add3A_125 = arith.constant 1 : i32
    %add3A_126 = vector.broadcast %add3A_125 : i32 to vector<16xi32>
    %add3A_127 = arith.addi %broadcast_in_dim3A_18, %add3A_126 : vector<16xi32>
    %gather3A_128 = tpu.vector_load_idx %arg5[%add3A_124, %add3A_127] : memref<128x200xi32, #tpu.memory_space<vmem>>[vector<16xi32>, vector<16xi32>], vector<16xi32>,
    %swap3A_129 = arith.constant 1 : i32
    %swap3A_130 = arith.index_cast %swap3A_129 : i32 to index
    %swap3A_131 = arith.constant 16 : index
    %swap3A_132 = tpu.vector_load %arg6[%swap3A_130, %swap3A_131] {strides = array<i32>} : memref<2x128xi32, #tpu.memory_space<vmem>>, vector<16xi32>,
    tpu.vector_store %arg6[%swap3A_130, %swap3A_131], %gather3A_128 {strides = array<i32>} : memref<2x128xi32, #tpu.memory_space<vmem>>, vector<16xi32>,
    %add3A_133 = arith.constant 32 : i32
    %add3A_134 = vector.broadcast %add3A_133 : i32 to vector<16xi32>
    %add3A_135 = arith.addi %iota3A, %add3A_134 : vector<16xi32>
    %add3A_136 = arith.constant 1 : i32
    %add3A_137 = vector.broadcast %add3A_136 : i32 to vector<16xi32>
    %add3A_138 = arith.addi %broadcast_in_dim3A_18, %add3A_137 : vector<16xi32>
    %gather3A_139 = tpu.vector_load_idx %arg5[%add3A_135, %add3A_138] : memref<128x200xi32, #tpu.memory_space<vmem>>[vector<16xi32>, vector<16xi32>], vector<16xi32>,
    %swap3A_140 = arith.constant 1 : i32
    %swap3A_141 = arith.index_cast %swap3A_140 : i32 to index
    %swap3A_142 = arith.constant 32 : index
    %swap3A_143 = tpu.vector_load %arg6[%swap3A_141, %swap3A_142] {strides = array<i32>} : memref<2x128xi32, #tpu.memory_space<vmem>>, vector<16xi32>,
    tpu.vector_store %arg6[%swap3A_141, %swap3A_142], %gather3A_139 {strides = array<i32>} : memref<2x128xi32, #tpu.memory_space<vmem>>, vector<16xi32>,
    %add3A_144 = arith.constant 48 : i32
    %add3A_145 = vector.broadcast %add3A_144 : i32 to vector<16xi32>
    %add3A_146 = arith.addi %iota3A, %add3A_145 : vector<16xi32>
    %add3A_147 = arith.constant 1 : i32
    %add3A_148 = vector.broadcast %add3A_147 : i32 to vector<16xi32>
    %add3A_149 = arith.addi %broadcast_in_dim3A_18, %add3A_148 : vector<16xi32>
    %gather3A_150 = tpu.vector_load_idx %arg5[%add3A_146, %add3A_149] : memref<128x200xi32, #tpu.memory_space<vmem>>[vector<16xi32>, vector<16xi32>], vector<16xi32>,
    %swap3A_151 = arith.constant 1 : i32
    %swap3A_152 = arith.index_cast %swap3A_151 : i32 to index
    %swap3A_153 = arith.constant 48 : index
    %swap3A_154 = tpu.vector_load %arg6[%swap3A_152, %swap3A_153] {strides = array<i32>} : memref<2x128xi32, #tpu.memory_space<vmem>>, vector<16xi32>,
    tpu.vector_store %arg6[%swap3A_152, %swap3A_153], %gather3A_150 {strides = array<i32>} : memref<2x128xi32, #tpu.memory_space<vmem>>, vector<16xi32>,
    %add3A_155 = arith.constant 64 : i32
    %add3A_156 = vector.broadcast %add3A_155 : i32 to vector<16xi32>
    %add3A_157 = arith.addi %iota3A, %add3A_156 : vector<16xi32>
    %add3A_158 = arith.constant 1 : i32
    %add3A_159 = vector.broadcast %add3A_158 : i32 to vector<16xi32>
    %add3A_160 = arith.addi %broadcast_in_dim3A_18, %add3A_159 : vector<16xi32>
    %gather3A_161 = tpu.vector_load_idx %arg5[%add3A_157, %add3A_160] : memref<128x200xi32, #tpu.memory_space<vmem>>[vector<16xi32>, vector<16xi32>], vector<16xi32>,
    %swap3A_162 = arith.constant 1 : i32
    %swap3A_163 = arith.index_cast %swap3A_162 : i32 to index
    %swap3A_164 = arith.constant 64 : index
    %swap3A_165 = tpu.vector_load %arg6[%swap3A_163, %swap3A_164] {strides = array<i32>} : memref<2x128xi32, #tpu.memory_space<vmem>>, vector<16xi32>,
    tpu.vector_store %arg6[%swap3A_163, %swap3A_164], %gather3A_161 {strides = array<i32>} : memref<2x128xi32, #tpu.memory_space<vmem>>, vector<16xi32>,
    %add3A_166 = arith.constant 80 : i32
    %add3A_167 = vector.broadcast %add3A_166 : i32 to vector<16xi32>
    %add3A_168 = arith.addi %iota3A, %add3A_167 : vector<16xi32>
    %add3A_169 = arith.constant 1 : i32
    %add3A_170 = vector.broadcast %add3A_169 : i32 to vector<16xi32>
    %add3A_171 = arith.addi %broadcast_in_dim3A_18, %add3A_170 : vector<16xi32>
    %gather3A_172 = tpu.vector_load_idx %arg5[%add3A_168, %add3A_171] : memref<128x200xi32, #tpu.memory_space<vmem>>[vector<16xi32>, vector<16xi32>], vector<16xi32>,
    %swap3A_173 = arith.constant 1 : i32
    %swap3A_174 = arith.index_cast %swap3A_173 : i32 to index
    %swap3A_175 = arith.constant 80 : index
    %swap3A_176 = tpu.vector_load %arg6[%swap3A_174, %swap3A_175] {strides = array<i32>} : memref<2x128xi32, #tpu.memory_space<vmem>>, vector<16xi32>,
    tpu.vector_store %arg6[%swap3A_174, %swap3A_175], %gather3A_172 {strides = array<i32>} : memref<2x128xi32, #tpu.memory_space<vmem>>, vector<16xi32>,
    %add3A_177 = arith.constant 96 : i32
    %add3A_178 = vector.broadcast %add3A_177 : i32 to vector<16xi32>
    %add3A_179 = arith.addi %iota3A, %add3A_178 : vector<16xi32>
    %add3A_180 = arith.constant 1 : i32
    %add3A_181 = vector.broadcast %add3A_180 : i32 to vector<16xi32>
    %add3A_182 = arith.addi %broadcast_in_dim3A_18, %add3A_181 : vector<16xi32>
    %gather3A_183 = tpu.vector_load_idx %arg5[%add3A_179, %add3A_182] : memref<128x200xi32, #tpu.memory_space<vmem>>[vector<16xi32>, vector<16xi32>], vector<16xi32>,
    %swap3A_184 = arith.constant 1 : i32
    %swap3A_185 = arith.index_cast %swap3A_184 : i32 to index
    %swap3A_186 = arith.constant 96 : index
    %swap3A_187 = tpu.vector_load %arg6[%swap3A_185, %swap3A_186] {strides = array<i32>} : memref<2x128xi32, #tpu.memory_space<vmem>>, vector<16xi32>,
    tpu.vector_store %arg6[%swap3A_185, %swap3A_186], %gather3A_183 {strides = array<i32>} : memref<2x128xi32, #tpu.memory_space<vmem>>, vector<16xi32>,
    %add3A_188 = arith.constant 112 : i32
    %add3A_189 = vector.broadcast %add3A_188 : i32 to vector<16xi32>
    %add3A_190 = arith.addi %iota3A, %add3A_189 : vector<16xi32>
    %add3A_191 = arith.constant 1 : i32
    %add3A_192 = vector.broadcast %add3A_191 : i32 to vector<16xi32>
    %add3A_193 = arith.addi %broadcast_in_dim3A_18, %add3A_192 : vector<16xi32>
    %gather3A_194 = tpu.vector_load_idx %arg5[%add3A_190, %add3A_193] : memref<128x200xi32, #tpu.memory_space<vmem>>[vector<16xi32>, vector<16xi32>], vector<16xi32>,
    %swap3A_195 = arith.constant 1 : i32
    %swap3A_196 = arith.index_cast %swap3A_195 : i32 to index
    %swap3A_197 = arith.constant 112 : index
    %swap3A_198 = tpu.vector_load %arg6[%swap3A_196, %swap3A_197] {strides = array<i32>} : memref<2x128xi32, #tpu.memory_space<vmem>>, vector<16xi32>,
    tpu.vector_store %arg6[%swap3A_196, %swap3A_197], %gather3A_194 {strides = array<i32>} : memref<2x128xi32, #tpu.memory_space<vmem>>, vector<16xi32>,
    %dma_start3A_199 = arith.constant 1 : i32
    %dma_start3A_200 = arith.constant 0 : i32
    %dma_start3A_201 = tpu.memref_slice %arg6[%dma_start3A_199, %dma_start3A_200] : memref<2x128xi32, #tpu.memory_space<vmem>> -> memref<1x128xi32, #tpu.memory_space<vmem>>
    %dma_start3A_202 = tpu.memref_squeeze %dma_start3A_201 : memref<1x128xi32, #tpu.memory_space<vmem>> -> memref<128xi32, #tpu.memory_space<vmem>>
    %dma_start3A_203 = arith.constant 0 : i32
    %dma_start3A_204 = arith.constant 0 : i32
    %dma_start3A_205 = tpu.memref_slice %arg3[%dma_start3A_203, %dma_start3A_204] : memref<1000000x64xf32, #tpu.memory_space<hbm>> -> memref<1000000x64xf32, #tpu.memory_space<hbm>>
    tpu.enqueue_indirect_dma source(%dma_start3A_205 : memref<1000000x64xf32, #tpu.memory_space<hbm>>) target(%arg8 : memref<128x64xf32, #tpu.memory_space<vmem>>) offsets(%dma_start3A_202 : memref<128xi32, #tpu.memory_space<vmem>>) semaphore(%arg12 : memref<!tpu.dma_semaphore, #tpu.memory_space<semaphore_mem>>)
    %scan3A = arith.constant 0 : i32
    %scan3A_206 = arith.constant 0 : i32
    %scan3A_207 = arith.constant 100 : i32
    %scan3A_208 = arith.addi %scan3A_206, %scan3A_207 : i32
    %scan3A_209 = arith.constant 1 : i32
    scf.for %scan3A_256 = %scan3A_206 to %scan3A_208 step %scan3A_209  : i32 {
      %mul3A_257 = arith.constant 2 : i32
      %mul3A_258 = arith.muli %mul3A_257, %scan3A_256 : i32
      %add3A_259 = arith.constant 0 : i32
      %add3A_260 = arith.addi %mul3A_258, %add3A_259 : i32
      %dma_wait3A_261 = arith.constant 0 : i32
      %dma_wait3A_262 = arith.constant 0 : i32
      %dma_wait3A_263 = tpu.memref_slice %arg3[%dma_wait3A_261, %dma_wait3A_262] : memref<1000000x64xf32, #tpu.memory_space<hbm>> -> memref<128x64xf32, #tpu.memory_space<hbm>>
      %dma_wait3A_264 = arith.constant 0 : i32
      %dma_wait3A_265 = arith.constant 0 : i32
      %dma_wait3A_266 = tpu.memref_slice %arg3[%dma_wait3A_264, %dma_wait3A_265] : memref<1000000x64xf32, #tpu.memory_space<hbm>> -> memref<128x64xf32, #tpu.memory_space<hbm>>
      tpu.wait_dma2 semaphore(%arg11 : memref<!tpu.dma_semaphore, #tpu.memory_space<semaphore_mem>>) src(%dma_wait3A_266 : memref<128x64xf32, #tpu.memory_space<hbm>>) dst(%arg7 : memref<128x64xf32, #tpu.memory_space<vmem>>)
      %gt3A = arith.constant 0 : i32
      %gt3A_267 = arith.cmpi sgt, %scan3A_256, %gt3A : i32
      %convert_element_type3A = arith.extui %gt3A_267 : i1 to i32
      %cond3A = arith.constant 0 : i32
      %cond3A_268 = arith.cmpi ne, %convert_element_type3A, %cond3A : i32
      scf.if %cond3A_268 {
        %dma_wait3A_342 = arith.constant 0 : i32
        %dma_wait3A_343 = arith.constant 0 : i32
        %dma_wait3A_344 = arith.constant 0 : i32
        %dma_wait3A_345 = arith.constant 0 : i32
        %dma_wait3A_346 = arith.constant 0 : i32
        %dma_wait3A_347 = tpu.memref_slice %arg9[%dma_wait3A_343, %dma_wait3A_344, %dma_wait3A_345, %dma_wait3A_346] : memref<8x1x8x129xf32, #tpu.memory_space<vmem>> -> memref<8x1x8x128xf32, #tpu.memory_space<vmem>>
        %dma_wait3A_348 = arith.constant 0 : i32
        %dma_wait3A_349 = arith.constant 0 : i32
        %dma_wait3A_350 = arith.constant 0 : i32
        %dma_wait3A_351 = arith.constant 0 : i32
        %dma_wait3A_352 = tpu.memref_slice %arg4[%dma_wait3A_342, %dma_wait3A_348, %dma_wait3A_349, %dma_wait3A_350, %dma_wait3A_351] : memref<200x8x32x8x128xf32, #tpu.memory_space<hbm>> -> memref<1x8x1x8x128xf32, #tpu.memory_space<hbm>>
        %dma_wait3A_353 = tpu.memref_squeeze %dma_wait3A_352 : memref<1x8x1x8x128xf32, #tpu.memory_space<hbm>> -> memref<8x1x8x128xf32, #tpu.memory_space<hbm>>
        %dma_wait3A_354 = arith.constant 0 : i32
        %dma_wait3A_355 = arith.constant 0 : i32
        %dma_wait3A_356 = arith.constant 0 : i32
        %dma_wait3A_357 = arith.constant 0 : i32
        %dma_wait3A_358 = tpu.memref_slice %arg4[%dma_wait3A_342, %dma_wait3A_354, %dma_wait3A_355, %dma_wait3A_356, %dma_wait3A_357] : memref<200x8x32x8x128xf32, #tpu.memory_space<hbm>> -> memref<1x8x1x8x128xf32, #tpu.memory_space<hbm>>
        %dma_wait3A_359 = tpu.memref_squeeze %dma_wait3A_358 : memref<1x8x1x8x128xf32, #tpu.memory_space<hbm>> -> memref<8x1x8x128xf32, #tpu.memory_space<hbm>>
        %dma_wait3A_360 = arith.constant 0 : i32
        %dma_wait3A_361 = arith.constant 0 : i32
        %dma_wait3A_362 = arith.constant 0 : i32
        %dma_wait3A_363 = arith.constant 0 : i32
        %dma_wait3A_364 = tpu.memref_slice %arg9[%dma_wait3A_360, %dma_wait3A_361, %dma_wait3A_362, %dma_wait3A_363] : memref<8x1x8x129xf32, #tpu.memory_space<vmem>> -> memref<8x1x8x128xf32, #tpu.memory_space<vmem>>
        tpu.wait_dma2 semaphore(%arg13 : memref<!tpu.dma_semaphore, #tpu.memory_space<semaphore_mem>>) src(%dma_wait3A_364 : memref<8x1x8x128xf32, #tpu.memory_space<vmem>>) dst(%dma_wait3A_359 : memref<8x1x8x128xf32, #tpu.memory_space<hbm>>)
      } else {
      }
      %parallel_loop3A = arith.constant 0 : i32
      %parallel_loop3A_269 = arith.constant 128 : i32
      %parallel_loop3A_270 = arith.constant 1 : i32
      scf.for %parallel_loop3A_342 = %parallel_loop3A to %parallel_loop3A_269 step %parallel_loop3A_270  : i32 {
        %parallel_loop3A_343 = arith.constant 0 : i32
        %parallel_loop3A_344 = tpu.memref_slice %arg7[%parallel_loop3A_342, %parallel_loop3A_343] : memref<128x64xf32, #tpu.memory_space<vmem>> -> memref<1x64xf32, #tpu.memory_space<vmem>>
        %parallel_loop3A_345 = tpu.memref_squeeze %parallel_loop3A_344 : memref<1x64xf32, #tpu.memory_space<vmem>> -> memref<64xf32, #tpu.memory_space<vmem>>
        %parallel_loop3A_346 = arith.constant 0 : index
        %parallel_loop3A_347 = tpu.vector_load %parallel_loop3A_345[%parallel_loop3A_346] {strides = array<i32>} : memref<64xf32, #tpu.memory_space<vmem>>, vector<16xf32>,
        %parallel_loop3A_348 = arith.constant 0 : i32
        %parallel_loop3A_349 = tpu.memref_slice %arg7[%parallel_loop3A_342, %parallel_loop3A_348] : memref<128x64xf32, #tpu.memory_space<vmem>> -> memref<1x64xf32, #tpu.memory_space<vmem>>
        %parallel_loop3A_350 = tpu.memref_squeeze %parallel_loop3A_349 : memref<1x64xf32, #tpu.memory_space<vmem>> -> memref<64xf32, #tpu.memory_space<vmem>>
        %parallel_loop3A_351 = arith.constant 16 : index
        %parallel_loop3A_352 = tpu.vector_load %parallel_loop3A_350[%parallel_loop3A_351] {strides = array<i32>} : memref<64xf32, #tpu.memory_space<vmem>>, vector<16xf32>,
        %parallel_loop3A_353 = arith.constant 0 : i32
        %parallel_loop3A_354 = tpu.memref_slice %arg7[%parallel_loop3A_342, %parallel_loop3A_353] : memref<128x64xf32, #tpu.memory_space<vmem>> -> memref<1x64xf32, #tpu.memory_space<vmem>>
        %parallel_loop3A_355 = tpu.memref_squeeze %parallel_loop3A_354 : memref<1x64xf32, #tpu.memory_space<vmem>> -> memref<64xf32, #tpu.memory_space<vmem>>
        %parallel_loop3A_356 = arith.constant 32 : index
        %parallel_loop3A_357 = tpu.vector_load %parallel_loop3A_355[%parallel_loop3A_356] {strides = array<i32>} : memref<64xf32, #tpu.memory_space<vmem>>, vector<16xf32>,
        %parallel_loop3A_358 = arith.constant 0 : i32
        %parallel_loop3A_359 = tpu.memref_slice %arg7[%parallel_loop3A_342, %parallel_loop3A_358] : memref<128x64xf32, #tpu.memory_space<vmem>> -> memref<1x64xf32, #tpu.memory_space<vmem>>
        %parallel_loop3A_360 = tpu.memref_squeeze %parallel_loop3A_359 : memref<1x64xf32, #tpu.memory_space<vmem>> -> memref<64xf32, #tpu.memory_space<vmem>>
        %parallel_loop3A_361 = arith.constant 48 : index
        %parallel_loop3A_362 = tpu.vector_load %parallel_loop3A_360[%parallel_loop3A_361] {strides = array<i32>} : memref<64xf32, #tpu.memory_space<vmem>>, vector<16xf32>,
        %parallel_loop3A_363 = arith.mulf %parallel_loop3A_347, %parallel_loop3A_347 : vector<16xf32>
        %parallel_loop3A_364 = arith.mulf %parallel_loop3A_352, %parallel_loop3A_352 : vector<16xf32>
        %parallel_loop3A_365 = arith.addf %parallel_loop3A_363, %parallel_loop3A_364 : vector<16xf32>
        %parallel_loop3A_366 = arith.mulf %parallel_loop3A_357, %parallel_loop3A_357 : vector<16xf32>
        %parallel_loop3A_367 = arith.addf %parallel_loop3A_365, %parallel_loop3A_366 : vector<16xf32>
        %parallel_loop3A_368 = arith.mulf %parallel_loop3A_362, %parallel_loop3A_362 : vector<16xf32>
        %parallel_loop3A_369 = arith.addf %parallel_loop3A_367, %parallel_loop3A_368 : vector<16xf32>
        %parallel_loop3A_370 = vector.shape_cast %xor3A_4 : vector<16xi32> to vector<16x1xi32>
        %parallel_loop3A_371 = vector.shape_cast %parallel_loop3A_370 : vector<16x1xi32> to vector<16xi32>
        %parallel_loop3A_372 = tpu.dynamic_gather %parallel_loop3A_369[%parallel_loop3A_371] in [0] : vector<16xf32>, vector<16xi32> -> vector<16xf32>
        %parallel_loop3A_373 = arith.addf %parallel_loop3A_369, %parallel_loop3A_372 : vector<16xf32>
        %parallel_loop3A_374 = vector.shape_cast %xor3A_7 : vector<16xi32> to vector<16x1xi32>
        %parallel_loop3A_375 = vector.shape_cast %parallel_loop3A_374 : vector<16x1xi32> to vector<16xi32>
        %parallel_loop3A_376 = tpu.dynamic_gather %parallel_loop3A_373[%parallel_loop3A_375] in [0] : vector<16xf32>, vector<16xi32> -> vector<16xf32>
        %parallel_loop3A_377 = arith.addf %parallel_loop3A_373, %parallel_loop3A_376 : vector<16xf32>
        %parallel_loop3A_378 = vector.shape_cast %xor3A_10 : vector<16xi32> to vector<16x1xi32>
        %parallel_loop3A_379 = vector.shape_cast %parallel_loop3A_378 : vector<16x1xi32> to vector<16xi32>
        %parallel_loop3A_380 = tpu.dynamic_gather %parallel_loop3A_377[%parallel_loop3A_379] in [0] : vector<16xf32>, vector<16xi32> -> vector<16xf32>
        %parallel_loop3A_381 = arith.addf %parallel_loop3A_377, %parallel_loop3A_380 : vector<16xf32>
        %parallel_loop3A_382 = vector.shape_cast %xor3A_13 : vector<16xi32> to vector<16x1xi32>
        %parallel_loop3A_383 = vector.shape_cast %parallel_loop3A_382 : vector<16x1xi32> to vector<16xi32>
        %parallel_loop3A_384 = tpu.dynamic_gather %parallel_loop3A_381[%parallel_loop3A_383] in [0] : vector<16xf32>, vector<16xi32> -> vector<16xf32>
        %parallel_loop3A_385 = arith.addf %parallel_loop3A_381, %parallel_loop3A_384 : vector<16xf32>
        %parallel_loop3A_386 = vector.bitcast %parallel_loop3A_385 : vector<16xf32> to vector<16xi32>
        %parallel_loop3A_387 = arith.constant 1 : i32
        %parallel_loop3A_388 = vector.broadcast %parallel_loop3A_387 : i32 to vector<16xi32>
        %parallel_loop3A_389 = arith.shrui %parallel_loop3A_386, %parallel_loop3A_388 : vector<16xi32>
        %parallel_loop3A_390 = arith.constant 1597463007 : i32
        %parallel_loop3A_391 = vector.broadcast %parallel_loop3A_390 : i32 to vector<16xi32>
        %parallel_loop3A_392 = arith.subi %parallel_loop3A_391, %parallel_loop3A_389 : vector<16xi32>
        %parallel_loop3A_393 = vector.bitcast %parallel_loop3A_392 : vector<16xi32> to vector<16xf32>
        %parallel_loop3A_394 = arith.constant 5.000000e-01 : f32
        %parallel_loop3A_395 = vector.broadcast %parallel_loop3A_394 : f32 to vector<16xf32>
        %parallel_loop3A_396 = arith.mulf %parallel_loop3A_385, %parallel_loop3A_395 : vector<16xf32>
        %parallel_loop3A_397 = arith.mulf %parallel_loop3A_396, %parallel_loop3A_393 : vector<16xf32>
        %parallel_loop3A_398 = arith.mulf %parallel_loop3A_397, %parallel_loop3A_393 : vector<16xf32>
        %parallel_loop3A_399 = arith.constant 1.500000e+00 : f32
        %parallel_loop3A_400 = vector.broadcast %parallel_loop3A_399 : f32 to vector<16xf32>
        %parallel_loop3A_401 = arith.subf %parallel_loop3A_400, %parallel_loop3A_398 : vector<16xf32>
        %parallel_loop3A_402 = arith.mulf %parallel_loop3A_393, %parallel_loop3A_401 : vector<16xf32>
        %parallel_loop3A_403 = arith.constant 9.99999995E+11 : f32
        %parallel_loop3A_404 = vector.broadcast %parallel_loop3A_403 : f32 to vector<16xf32>
        %parallel_loop3A_405 = arith.minimumf %parallel_loop3A_402, %parallel_loop3A_404 : vector<16xf32>
        %parallel_loop3A_406 = vector.broadcast %parallel_loop3A_342 : i32 to vector<16xi32>
        %parallel_loop3A_407 = arith.addi %broadcast_in_dim3A_18, %parallel_loop3A_406 : vector<16xi32>
        %parallel_loop3A_408 = arith.constant 0 : i32
        %parallel_loop3A_409 = vector.broadcast %parallel_loop3A_408 : i32 to vector<16xi32>
        %parallel_loop3A_410 = arith.addi %shift_right_logical3A_15, %parallel_loop3A_409 : vector<16xi32>
        %parallel_loop3A_411 = arith.mulf %parallel_loop3A_347, %parallel_loop3A_405 : vector<16xf32>
        tpu.vector_store_idx %arg9[%parallel_loop3A_410, %broadcast_in_dim3A_18, %and3A_17, %parallel_loop3A_407], %parallel_loop3A_411 : memref<8x1x8x129xf32, #tpu.memory_space<vmem>>[vector<16xi32>, vector<16xi32>, vector<16xi32>, vector<16xi32>], vector<16xf32>,
        %parallel_loop3A_412 = arith.constant 2 : i32
        %parallel_loop3A_413 = vector.broadcast %parallel_loop3A_412 : i32 to vector<16xi32>
        %parallel_loop3A_414 = arith.addi %shift_right_logical3A_15, %parallel_loop3A_413 : vector<16xi32>
        %parallel_loop3A_415 = arith.mulf %parallel_loop3A_352, %parallel_loop3A_405 : vector<16xf32>
        tpu.vector_store_idx %arg9[%parallel_loop3A_414, %broadcast_in_dim3A_18, %and3A_17, %parallel_loop3A_407], %parallel_loop3A_415 : memref<8x1x8x129xf32, #tpu.memory_space<vmem>>[vector<16xi32>, vector<16xi32>, vector<16xi32>, vector<16xi32>], vector<16xf32>,
        %parallel_loop3A_416 = arith.constant 4 : i32
        %parallel_loop3A_417 = vector.broadcast %parallel_loop3A_416 : i32 to vector<16xi32>
        %parallel_loop3A_418 = arith.addi %shift_right_logical3A_15, %parallel_loop3A_417 : vector<16xi32>
        %parallel_loop3A_419 = arith.mulf %parallel_loop3A_357, %parallel_loop3A_405 : vector<16xf32>
        tpu.vector_store_idx %arg9[%parallel_loop3A_418, %broadcast_in_dim3A_18, %and3A_17, %parallel_loop3A_407], %parallel_loop3A_419 : memref<8x1x8x129xf32, #tpu.memory_space<vmem>>[vector<16xi32>, vector<16xi32>, vector<16xi32>, vector<16xi32>], vector<16xf32>,
        %parallel_loop3A_420 = arith.constant 6 : i32
        %parallel_loop3A_421 = vector.broadcast %parallel_loop3A_420 : i32 to vector<16xi32>
        %parallel_loop3A_422 = arith.addi %shift_right_logical3A_15, %parallel_loop3A_421 : vector<16xi32>
        %parallel_loop3A_423 = arith.mulf %parallel_loop3A_362, %parallel_loop3A_405 : vector<16xf32>
        tpu.vector_store_idx %arg9[%parallel_loop3A_422, %broadcast_in_dim3A_18, %and3A_17, %parallel_loop3A_407], %parallel_loop3A_423 : memref<8x1x8x129xf32, #tpu.memory_space<vmem>>[vector<16xi32>, vector<16xi32>, vector<16xi32>, vector<16xi32>], vector<16xf32>,
      } {sc.loop_unroll_factor = 8 : i64, sc.parallel_access}
      %dma_start3A_271 = arith.constant 0 : i32
      %dma_start3A_272 = arith.constant 0 : i32
      %dma_start3A_273 = arith.constant 0 : i32
      %dma_start3A_274 = arith.constant 0 : i32
      %dma_start3A_275 = tpu.memref_slice %arg9[%dma_start3A_271, %dma_start3A_272, %dma_start3A_273, %dma_start3A_274] : memref<8x1x8x129xf32, #tpu.memory_space<vmem>> -> memref<8x1x8x128xf32, #tpu.memory_space<vmem>>
      %dma_start3A_276 = arith.constant 0 : i32
      %dma_start3A_277 = arith.constant 0 : i32
      %dma_start3A_278 = arith.constant 0 : i32
      %dma_start3A_279 = tpu.memref_slice %arg4[%add3A_260, %dma_start3A_276, %add3A, %dma_start3A_277, %dma_start3A_278] : memref<200x8x32x8x128xf32, #tpu.memory_space<hbm>> -> memref<1x8x1x8x128xf32, #tpu.memory_space<hbm>>
      %dma_start3A_280 = tpu.memref_squeeze %dma_start3A_279 : memref<1x8x1x8x128xf32, #tpu.memory_space<hbm>> -> memref<8x1x8x128xf32, #tpu.memory_space<hbm>>
      %dma_start3A_281 = arith.constant 0 : i32
      %dma_start3A_282 = arith.constant 0 : i32
      %dma_start3A_283 = arith.constant 0 : i32
      %dma_start3A_284 = tpu.memref_slice %arg4[%add3A_260, %dma_start3A_281, %add3A, %dma_start3A_282, %dma_start3A_283] : memref<200x8x32x8x128xf32, #tpu.memory_space<hbm>> -> memref<1x8x1x8x128xf32, #tpu.memory_space<hbm>>
      %dma_start3A_285 = tpu.memref_squeeze %dma_start3A_284 : memref<1x8x1x8x128xf32, #tpu.memory_space<hbm>> -> memref<8x1x8x128xf32, #tpu.memory_space<hbm>>
      %dma_start3A_286 = arith.constant 0 : i32
      %dma_start3A_287 = arith.constant 0 : i32
      %dma_start3A_288 = arith.constant 0 : i32
      %dma_start3A_289 = arith.constant 0 : i32
      %dma_start3A_290 = tpu.memref_slice %arg9[%dma_start3A_286, %dma_start3A_287, %dma_start3A_288, %dma_start3A_289] : memref<8x1x8x129xf32, #tpu.memory_space<vmem>> -> memref<8x1x8x128xf32, #tpu.memory_space<vmem>>
      tpu.enqueue_dma source(%dma_start3A_290 : memref<8x1x8x128xf32, #tpu.memory_space<vmem>>) target(%dma_start3A_285 : memref<8x1x8x128xf32, #tpu.memory_space<hbm>>) target_semaphore(%arg13 : memref<!tpu.dma_semaphore, #tpu.memory_space<semaphore_mem>>)
      %add3A_291 = arith.constant 2 : i32
      %add3A_292 = arith.addi %add3A_260, %add3A_291 : i32
      %lt3A = arith.constant 200 : i32
      %lt3A_293 = arith.cmpi slt, %add3A_292, %lt3A : i32
      %convert_element_type3A_294 = arith.extui %lt3A_293 : i1 to i32
      %cond3A_295 = arith.constant 0 : i32
      %cond3A_296 = arith.cmpi ne, %convert_element_type3A_294, %cond3A_295 : i32
      scf.if %cond3A_296 {
        %add3A_342 = arith.constant 2 : i32
        %add3A_343 = arith.addi %add3A_260, %add3A_342 : i32
        %add3A_344 = arith.constant 0 : i32
        %add3A_345 = vector.broadcast %add3A_344 : i32 to vector<16xi32>
        %add3A_346 = arith.addi %iota3A, %add3A_345 : vector<16xi32>
        %add3A_347 = vector.broadcast %add3A_343 : i32 to vector<16xi32>
        %add3A_348 = arith.addi %broadcast_in_dim3A_18, %add3A_347 : vector<16xi32>
        %gather3A_349 = tpu.vector_load_idx %arg5[%add3A_346, %add3A_348] : memref<128x200xi32, #tpu.memory_space<vmem>>[vector<16xi32>, vector<16xi32>], vector<16xi32>,
        %swap3A_350 = arith.constant 0 : i32
        %swap3A_351 = arith.index_cast %swap3A_350 : i32 to index
        %swap3A_352 = arith.constant 0 : index
        %swap3A_353 = tpu.vector_load %arg6[%swap3A_351, %swap3A_352] {strides = array<i32>} : memref<2x128xi32, #tpu.memory_space<vmem>>, vector<16xi32>,
        tpu.vector_store %arg6[%swap3A_351, %swap3A_352], %gather3A_349 {strides = array<i32>} : memref<2x128xi32, #tpu.memory_space<vmem>>, vector<16xi32>,
        %add3A_354 = arith.constant 16 : i32
        %add3A_355 = vector.broadcast %add3A_354 : i32 to vector<16xi32>
        %add3A_356 = arith.addi %iota3A, %add3A_355 : vector<16xi32>
        %add3A_357 = vector.broadcast %add3A_343 : i32 to vector<16xi32>
        %add3A_358 = arith.addi %broadcast_in_dim3A_18, %add3A_357 : vector<16xi32>
        %gather3A_359 = tpu.vector_load_idx %arg5[%add3A_356, %add3A_358] : memref<128x200xi32, #tpu.memory_space<vmem>>[vector<16xi32>, vector<16xi32>], vector<16xi32>,
        %swap3A_360 = arith.constant 0 : i32
        %swap3A_361 = arith.index_cast %swap3A_360 : i32 to index
        %swap3A_362 = arith.constant 16 : index
        %swap3A_363 = tpu.vector_load %arg6[%swap3A_361, %swap3A_362] {strides = array<i32>} : memref<2x128xi32, #tpu.memory_space<vmem>>, vector<16xi32>,
        tpu.vector_store %arg6[%swap3A_361, %swap3A_362], %gather3A_359 {strides = array<i32>} : memref<2x128xi32, #tpu.memory_space<vmem>>, vector<16xi32>,
        %add3A_364 = arith.constant 32 : i32
        %add3A_365 = vector.broadcast %add3A_364 : i32 to vector<16xi32>
        %add3A_366 = arith.addi %iota3A, %add3A_365 : vector<16xi32>
        %add3A_367 = vector.broadcast %add3A_343 : i32 to vector<16xi32>
        %add3A_368 = arith.addi %broadcast_in_dim3A_18, %add3A_367 : vector<16xi32>
        %gather3A_369 = tpu.vector_load_idx %arg5[%add3A_366, %add3A_368] : memref<128x200xi32, #tpu.memory_space<vmem>>[vector<16xi32>, vector<16xi32>], vector<16xi32>,
        %swap3A_370 = arith.constant 0 : i32
        %swap3A_371 = arith.index_cast %swap3A_370 : i32 to index
        %swap3A_372 = arith.constant 32 : index
        %swap3A_373 = tpu.vector_load %arg6[%swap3A_371, %swap3A_372] {strides = array<i32>} : memref<2x128xi32, #tpu.memory_space<vmem>>, vector<16xi32>,
        tpu.vector_store %arg6[%swap3A_371, %swap3A_372], %gather3A_369 {strides = array<i32>} : memref<2x128xi32, #tpu.memory_space<vmem>>, vector<16xi32>,
        %add3A_374 = arith.constant 48 : i32
        %add3A_375 = vector.broadcast %add3A_374 : i32 to vector<16xi32>
        %add3A_376 = arith.addi %iota3A, %add3A_375 : vector<16xi32>
        %add3A_377 = vector.broadcast %add3A_343 : i32 to vector<16xi32>
        %add3A_378 = arith.addi %broadcast_in_dim3A_18, %add3A_377 : vector<16xi32>
        %gather3A_379 = tpu.vector_load_idx %arg5[%add3A_376, %add3A_378] : memref<128x200xi32, #tpu.memory_space<vmem>>[vector<16xi32>, vector<16xi32>], vector<16xi32>,
        %swap3A_380 = arith.constant 0 : i32
        %swap3A_381 = arith.index_cast %swap3A_380 : i32 to index
        %swap3A_382 = arith.constant 48 : index
        %swap3A_383 = tpu.vector_load %arg6[%swap3A_381, %swap3A_382] {strides = array<i32>} : memref<2x128xi32, #tpu.memory_space<vmem>>, vector<16xi32>,
        tpu.vector_store %arg6[%swap3A_381, %swap3A_382], %gather3A_379 {strides = array<i32>} : memref<2x128xi32, #tpu.memory_space<vmem>>, vector<16xi32>,
        %add3A_384 = arith.constant 64 : i32
        %add3A_385 = vector.broadcast %add3A_384 : i32 to vector<16xi32>
        %add3A_386 = arith.addi %iota3A, %add3A_385 : vector<16xi32>
        %add3A_387 = vector.broadcast %add3A_343 : i32 to vector<16xi32>
        %add3A_388 = arith.addi %broadcast_in_dim3A_18, %add3A_387 : vector<16xi32>
        %gather3A_389 = tpu.vector_load_idx %arg5[%add3A_386, %add3A_388] : memref<128x200xi32, #tpu.memory_space<vmem>>[vector<16xi32>, vector<16xi32>], vector<16xi32>,
        %swap3A_390 = arith.constant 0 : i32
        %swap3A_391 = arith.index_cast %swap3A_390 : i32 to index
        %swap3A_392 = arith.constant 64 : index
        %swap3A_393 = tpu.vector_load %arg6[%swap3A_391, %swap3A_392] {strides = array<i32>} : memref<2x128xi32, #tpu.memory_space<vmem>>, vector<16xi32>,
        tpu.vector_store %arg6[%swap3A_391, %swap3A_392], %gather3A_389 {strides = array<i32>} : memref<2x128xi32, #tpu.memory_space<vmem>>, vector<16xi32>,
        %add3A_394 = arith.constant 80 : i32
        %add3A_395 = vector.broadcast %add3A_394 : i32 to vector<16xi32>
        %add3A_396 = arith.addi %iota3A, %add3A_395 : vector<16xi32>
        %add3A_397 = vector.broadcast %add3A_343 : i32 to vector<16xi32>
        %add3A_398 = arith.addi %broadcast_in_dim3A_18, %add3A_397 : vector<16xi32>
        %gather3A_399 = tpu.vector_load_idx %arg5[%add3A_396, %add3A_398] : memref<128x200xi32, #tpu.memory_space<vmem>>[vector<16xi32>, vector<16xi32>], vector<16xi32>,
        %swap3A_400 = arith.constant 0 : i32
        %swap3A_401 = arith.index_cast %swap3A_400 : i32 to index
        %swap3A_402 = arith.constant 80 : index
        %swap3A_403 = tpu.vector_load %arg6[%swap3A_401, %swap3A_402] {strides = array<i32>} : memref<2x128xi32, #tpu.memory_space<vmem>>, vector<16xi32>,
        tpu.vector_store %arg6[%swap3A_401, %swap3A_402], %gather3A_399 {strides = array<i32>} : memref<2x128xi32, #tpu.memory_space<vmem>>, vector<16xi32>,
        %add3A_404 = arith.constant 96 : i32
        %add3A_405 = vector.broadcast %add3A_404 : i32 to vector<16xi32>
        %add3A_406 = arith.addi %iota3A, %add3A_405 : vector<16xi32>
        %add3A_407 = vector.broadcast %add3A_343 : i32 to vector<16xi32>
        %add3A_408 = arith.addi %broadcast_in_dim3A_18, %add3A_407 : vector<16xi32>
        %gather3A_409 = tpu.vector_load_idx %arg5[%add3A_406, %add3A_408] : memref<128x200xi32, #tpu.memory_space<vmem>>[vector<16xi32>, vector<16xi32>], vector<16xi32>,
        %swap3A_410 = arith.constant 0 : i32
        %swap3A_411 = arith.index_cast %swap3A_410 : i32 to index
        %swap3A_412 = arith.constant 96 : index
        %swap3A_413 = tpu.vector_load %arg6[%swap3A_411, %swap3A_412] {strides = array<i32>} : memref<2x128xi32, #tpu.memory_space<vmem>>, vector<16xi32>,
        tpu.vector_store %arg6[%swap3A_411, %swap3A_412], %gather3A_409 {strides = array<i32>} : memref<2x128xi32, #tpu.memory_space<vmem>>, vector<16xi32>,
        %add3A_414 = arith.constant 112 : i32
        %add3A_415 = vector.broadcast %add3A_414 : i32 to vector<16xi32>
        %add3A_416 = arith.addi %iota3A, %add3A_415 : vector<16xi32>
        %add3A_417 = vector.broadcast %add3A_343 : i32 to vector<16xi32>
        %add3A_418 = arith.addi %broadcast_in_dim3A_18, %add3A_417 : vector<16xi32>
        %gather3A_419 = tpu.vector_load_idx %arg5[%add3A_416, %add3A_418] : memref<128x200xi32, #tpu.memory_space<vmem>>[vector<16xi32>, vector<16xi32>], vector<16xi32>,
        %swap3A_420 = arith.constant 0 : i32
        %swap3A_421 = arith.index_cast %swap3A_420 : i32 to index
        %swap3A_422 = arith.constant 112 : index
        %swap3A_423 = tpu.vector_load %arg6[%swap3A_421, %swap3A_422] {strides = array<i32>} : memref<2x128xi32, #tpu.memory_space<vmem>>, vector<16xi32>,
        tpu.vector_store %arg6[%swap3A_421, %swap3A_422], %gather3A_419 {strides = array<i32>} : memref<2x128xi32, #tpu.memory_space<vmem>>, vector<16xi32>,
        %dma_start3A_424 = arith.constant 0 : i32
        %dma_start3A_425 = arith.constant 0 : i32
        %dma_start3A_426 = tpu.memref_slice %arg6[%dma_start3A_424, %dma_start3A_425] : memref<2x128xi32, #tpu.memory_space<vmem>> -> memref<1x128xi32, #tpu.memory_space<vmem>>
        %dma_start3A_427 = tpu.memref_squeeze %dma_start3A_426 : memref<1x128xi32, #tpu.memory_space<vmem>> -> memref<128xi32, #tpu.memory_space<vmem>>
        %dma_start3A_428 = arith.constant 0 : i32
        %dma_start3A_429 = arith.constant 0 : i32
        %dma_start3A_430 = tpu.memref_slice %arg3[%dma_start3A_428, %dma_start3A_429] : memref<1000000x64xf32, #tpu.memory_space<hbm>> -> memref<1000000x64xf32, #tpu.memory_space<hbm>>
        tpu.enqueue_indirect_dma source(%dma_start3A_430 : memref<1000000x64xf32, #tpu.memory_space<hbm>>) target(%arg7 : memref<128x64xf32, #tpu.memory_space<vmem>>) offsets(%dma_start3A_427 : memref<128xi32, #tpu.memory_space<vmem>>) semaphore(%arg11 : memref<!tpu.dma_semaphore, #tpu.memory_space<semaphore_mem>>)
      } else {
      }
      %mul3A_297 = arith.constant 2 : i32
      %mul3A_298 = arith.muli %mul3A_297, %scan3A_256 : i32
      %add3A_299 = arith.constant 1 : i32
      %add3A_300 = arith.addi %mul3A_298, %add3A_299 : i32
      %dma_wait3A_301 = arith.constant 0 : i32
      %dma_wait3A_302 = arith.constant 0 : i32
      %dma_wait3A_303 = tpu.memref_slice %arg3[%dma_wait3A_301, %dma_wait3A_302] : memref<1000000x64xf32, #tpu.memory_space<hbm>> -> memref<128x64xf32, #tpu.memory_space<hbm>>
      %dma_wait3A_304 = arith.constant 0 : i32
      %dma_wait3A_305 = arith.constant 0 : i32
      %dma_wait3A_306 = tpu.memref_slice %arg3[%dma_wait3A_304, %dma_wait3A_305] : memref<1000000x64xf32, #tpu.memory_space<hbm>> -> memref<128x64xf32, #tpu.memory_space<hbm>>
      tpu.wait_dma2 semaphore(%arg12 : memref<!tpu.dma_semaphore, #tpu.memory_space<semaphore_mem>>) src(%dma_wait3A_306 : memref<128x64xf32, #tpu.memory_space<hbm>>) dst(%arg8 : memref<128x64xf32, #tpu.memory_space<vmem>>)
      %gt3A_307 = arith.constant 0 : i32
      %gt3A_308 = arith.cmpi sgt, %scan3A_256, %gt3A_307 : i32
      %convert_element_type3A_309 = arith.extui %gt3A_308 : i1 to i32
      %cond3A_310 = arith.constant 0 : i32
      %cond3A_311 = arith.cmpi ne, %convert_element_type3A_309, %cond3A_310 : i32
      scf.if %cond3A_311 {
        %dma_wait3A_342 = arith.constant 0 : i32
        %dma_wait3A_343 = arith.constant 0 : i32
        %dma_wait3A_344 = arith.constant 0 : i32
        %dma_wait3A_345 = arith.constant 0 : i32
        %dma_wait3A_346 = arith.constant 0 : i32
        %dma_wait3A_347 = tpu.memref_slice %arg10[%dma_wait3A_343, %dma_wait3A_344, %dma_wait3A_345, %dma_wait3A_346] : memref<8x1x8x129xf32, #tpu.memory_space<vmem>> -> memref<8x1x8x128xf32, #tpu.memory_space<vmem>>
        %dma_wait3A_348 = arith.constant 0 : i32
        %dma_wait3A_349 = arith.constant 0 : i32
        %dma_wait3A_350 = arith.constant 0 : i32
        %dma_wait3A_351 = arith.constant 0 : i32
        %dma_wait3A_352 = tpu.memref_slice %arg4[%dma_wait3A_342, %dma_wait3A_348, %dma_wait3A_349, %dma_wait3A_350, %dma_wait3A_351] : memref<200x8x32x8x128xf32, #tpu.memory_space<hbm>> -> memref<1x8x1x8x128xf32, #tpu.memory_space<hbm>>
        %dma_wait3A_353 = tpu.memref_squeeze %dma_wait3A_352 : memref<1x8x1x8x128xf32, #tpu.memory_space<hbm>> -> memref<8x1x8x128xf32, #tpu.memory_space<hbm>>
        %dma_wait3A_354 = arith.constant 0 : i32
        %dma_wait3A_355 = arith.constant 0 : i32
        %dma_wait3A_356 = arith.constant 0 : i32
        %dma_wait3A_357 = arith.constant 0 : i32
        %dma_wait3A_358 = tpu.memref_slice %arg4[%dma_wait3A_342, %dma_wait3A_354, %dma_wait3A_355, %dma_wait3A_356, %dma_wait3A_357] : memref<200x8x32x8x128xf32, #tpu.memory_space<hbm>> -> memref<1x8x1x8x128xf32, #tpu.memory_space<hbm>>
        %dma_wait3A_359 = tpu.memref_squeeze %dma_wait3A_358 : memref<1x8x1x8x128xf32, #tpu.memory_space<hbm>> -> memref<8x1x8x128xf32, #tpu.memory_space<hbm>>
        %dma_wait3A_360 = arith.constant 0 : i32
        %dma_wait3A_361 = arith.constant 0 : i32
        %dma_wait3A_362 = arith.constant 0 : i32
        %dma_wait3A_363 = arith.constant 0 : i32
        %dma_wait3A_364 = tpu.memref_slice %arg10[%dma_wait3A_360, %dma_wait3A_361, %dma_wait3A_362, %dma_wait3A_363] : memref<8x1x8x129xf32, #tpu.memory_space<vmem>> -> memref<8x1x8x128xf32, #tpu.memory_space<vmem>>
        tpu.wait_dma2 semaphore(%arg14 : memref<!tpu.dma_semaphore, #tpu.memory_space<semaphore_mem>>) src(%dma_wait3A_364 : memref<8x1x8x128xf32, #tpu.memory_space<vmem>>) dst(%dma_wait3A_359 : memref<8x1x8x128xf32, #tpu.memory_space<hbm>>)
      } else {
      }
      %parallel_loop3A_312 = arith.constant 0 : i32
      %parallel_loop3A_313 = arith.constant 128 : i32
      %parallel_loop3A_314 = arith.constant 1 : i32
      scf.for %parallel_loop3A_342 = %parallel_loop3A_312 to %parallel_loop3A_313 step %parallel_loop3A_314  : i32 {
        %parallel_loop3A_343 = arith.constant 0 : i32
        %parallel_loop3A_344 = tpu.memref_slice %arg8[%parallel_loop3A_342, %parallel_loop3A_343] : memref<128x64xf32, #tpu.memory_space<vmem>> -> memref<1x64xf32, #tpu.memory_space<vmem>>
        %parallel_loop3A_345 = tpu.memref_squeeze %parallel_loop3A_344 : memref<1x64xf32, #tpu.memory_space<vmem>> -> memref<64xf32, #tpu.memory_space<vmem>>
        %parallel_loop3A_346 = arith.constant 0 : index
        %parallel_loop3A_347 = tpu.vector_load %parallel_loop3A_345[%parallel_loop3A_346] {strides = array<i32>} : memref<64xf32, #tpu.memory_space<vmem>>, vector<16xf32>,
        %parallel_loop3A_348 = arith.constant 0 : i32
        %parallel_loop3A_349 = tpu.memref_slice %arg8[%parallel_loop3A_342, %parallel_loop3A_348] : memref<128x64xf32, #tpu.memory_space<vmem>> -> memref<1x64xf32, #tpu.memory_space<vmem>>
        %parallel_loop3A_350 = tpu.memref_squeeze %parallel_loop3A_349 : memref<1x64xf32, #tpu.memory_space<vmem>> -> memref<64xf32, #tpu.memory_space<vmem>>
        %parallel_loop3A_351 = arith.constant 16 : index
        %parallel_loop3A_352 = tpu.vector_load %parallel_loop3A_350[%parallel_loop3A_351] {strides = array<i32>} : memref<64xf32, #tpu.memory_space<vmem>>, vector<16xf32>,
        %parallel_loop3A_353 = arith.constant 0 : i32
        %parallel_loop3A_354 = tpu.memref_slice %arg8[%parallel_loop3A_342, %parallel_loop3A_353] : memref<128x64xf32, #tpu.memory_space<vmem>> -> memref<1x64xf32, #tpu.memory_space<vmem>>
        %parallel_loop3A_355 = tpu.memref_squeeze %parallel_loop3A_354 : memref<1x64xf32, #tpu.memory_space<vmem>> -> memref<64xf32, #tpu.memory_space<vmem>>
        %parallel_loop3A_356 = arith.constant 32 : index
        %parallel_loop3A_357 = tpu.vector_load %parallel_loop3A_355[%parallel_loop3A_356] {strides = array<i32>} : memref<64xf32, #tpu.memory_space<vmem>>, vector<16xf32>,
        %parallel_loop3A_358 = arith.constant 0 : i32
        %parallel_loop3A_359 = tpu.memref_slice %arg8[%parallel_loop3A_342, %parallel_loop3A_358] : memref<128x64xf32, #tpu.memory_space<vmem>> -> memref<1x64xf32, #tpu.memory_space<vmem>>
        %parallel_loop3A_360 = tpu.memref_squeeze %parallel_loop3A_359 : memref<1x64xf32, #tpu.memory_space<vmem>> -> memref<64xf32, #tpu.memory_space<vmem>>
        %parallel_loop3A_361 = arith.constant 48 : index
        %parallel_loop3A_362 = tpu.vector_load %parallel_loop3A_360[%parallel_loop3A_361] {strides = array<i32>} : memref<64xf32, #tpu.memory_space<vmem>>, vector<16xf32>,
        %parallel_loop3A_363 = arith.mulf %parallel_loop3A_347, %parallel_loop3A_347 : vector<16xf32>
        %parallel_loop3A_364 = arith.mulf %parallel_loop3A_352, %parallel_loop3A_352 : vector<16xf32>
        %parallel_loop3A_365 = arith.addf %parallel_loop3A_363, %parallel_loop3A_364 : vector<16xf32>
        %parallel_loop3A_366 = arith.mulf %parallel_loop3A_357, %parallel_loop3A_357 : vector<16xf32>
        %parallel_loop3A_367 = arith.addf %parallel_loop3A_365, %parallel_loop3A_366 : vector<16xf32>
        %parallel_loop3A_368 = arith.mulf %parallel_loop3A_362, %parallel_loop3A_362 : vector<16xf32>
        %parallel_loop3A_369 = arith.addf %parallel_loop3A_367, %parallel_loop3A_368 : vector<16xf32>
        %parallel_loop3A_370 = vector.shape_cast %xor3A_4 : vector<16xi32> to vector<16x1xi32>
        %parallel_loop3A_371 = vector.shape_cast %parallel_loop3A_370 : vector<16x1xi32> to vector<16xi32>
        %parallel_loop3A_372 = tpu.dynamic_gather %parallel_loop3A_369[%parallel_loop3A_371] in [0] : vector<16xf32>, vector<16xi32> -> vector<16xf32>
        %parallel_loop3A_373 = arith.addf %parallel_loop3A_369, %parallel_loop3A_372 : vector<16xf32>
        %parallel_loop3A_374 = vector.shape_cast %xor3A_7 : vector<16xi32> to vector<16x1xi32>
        %parallel_loop3A_375 = vector.shape_cast %parallel_loop3A_374 : vector<16x1xi32> to vector<16xi32>
        %parallel_loop3A_376 = tpu.dynamic_gather %parallel_loop3A_373[%parallel_loop3A_375] in [0] : vector<16xf32>, vector<16xi32> -> vector<16xf32>
        %parallel_loop3A_377 = arith.addf %parallel_loop3A_373, %parallel_loop3A_376 : vector<16xf32>
        %parallel_loop3A_378 = vector.shape_cast %xor3A_10 : vector<16xi32> to vector<16x1xi32>
        %parallel_loop3A_379 = vector.shape_cast %parallel_loop3A_378 : vector<16x1xi32> to vector<16xi32>
        %parallel_loop3A_380 = tpu.dynamic_gather %parallel_loop3A_377[%parallel_loop3A_379] in [0] : vector<16xf32>, vector<16xi32> -> vector<16xf32>
        %parallel_loop3A_381 = arith.addf %parallel_loop3A_377, %parallel_loop3A_380 : vector<16xf32>
        %parallel_loop3A_382 = vector.shape_cast %xor3A_13 : vector<16xi32> to vector<16x1xi32>
        %parallel_loop3A_383 = vector.shape_cast %parallel_loop3A_382 : vector<16x1xi32> to vector<16xi32>
        %parallel_loop3A_384 = tpu.dynamic_gather %parallel_loop3A_381[%parallel_loop3A_383] in [0] : vector<16xf32>, vector<16xi32> -> vector<16xf32>
        %parallel_loop3A_385 = arith.addf %parallel_loop3A_381, %parallel_loop3A_384 : vector<16xf32>
        %parallel_loop3A_386 = vector.bitcast %parallel_loop3A_385 : vector<16xf32> to vector<16xi32>
        %parallel_loop3A_387 = arith.constant 1 : i32
        %parallel_loop3A_388 = vector.broadcast %parallel_loop3A_387 : i32 to vector<16xi32>
        %parallel_loop3A_389 = arith.shrui %parallel_loop3A_386, %parallel_loop3A_388 : vector<16xi32>
        %parallel_loop3A_390 = arith.constant 1597463007 : i32
        %parallel_loop3A_391 = vector.broadcast %parallel_loop3A_390 : i32 to vector<16xi32>
        %parallel_loop3A_392 = arith.subi %parallel_loop3A_391, %parallel_loop3A_389 : vector<16xi32>
        %parallel_loop3A_393 = vector.bitcast %parallel_loop3A_392 : vector<16xi32> to vector<16xf32>
        %parallel_loop3A_394 = arith.constant 5.000000e-01 : f32
        %parallel_loop3A_395 = vector.broadcast %parallel_loop3A_394 : f32 to vector<16xf32>
        %parallel_loop3A_396 = arith.mulf %parallel_loop3A_385, %parallel_loop3A_395 : vector<16xf32>
        %parallel_loop3A_397 = arith.mulf %parallel_loop3A_396, %parallel_loop3A_393 : vector<16xf32>
        %parallel_loop3A_398 = arith.mulf %parallel_loop3A_397, %parallel_loop3A_393 : vector<16xf32>
        %parallel_loop3A_399 = arith.constant 1.500000e+00 : f32
        %parallel_loop3A_400 = vector.broadcast %parallel_loop3A_399 : f32 to vector<16xf32>
        %parallel_loop3A_401 = arith.subf %parallel_loop3A_400, %parallel_loop3A_398 : vector<16xf32>
        %parallel_loop3A_402 = arith.mulf %parallel_loop3A_393, %parallel_loop3A_401 : vector<16xf32>
        %parallel_loop3A_403 = arith.constant 9.99999995E+11 : f32
        %parallel_loop3A_404 = vector.broadcast %parallel_loop3A_403 : f32 to vector<16xf32>
        %parallel_loop3A_405 = arith.minimumf %parallel_loop3A_402, %parallel_loop3A_404 : vector<16xf32>
        %parallel_loop3A_406 = vector.broadcast %parallel_loop3A_342 : i32 to vector<16xi32>
        %parallel_loop3A_407 = arith.addi %broadcast_in_dim3A_18, %parallel_loop3A_406 : vector<16xi32>
        %parallel_loop3A_408 = arith.constant 0 : i32
        %parallel_loop3A_409 = vector.broadcast %parallel_loop3A_408 : i32 to vector<16xi32>
        %parallel_loop3A_410 = arith.addi %shift_right_logical3A_15, %parallel_loop3A_409 : vector<16xi32>
        %parallel_loop3A_411 = arith.mulf %parallel_loop3A_347, %parallel_loop3A_405 : vector<16xf32>
        tpu.vector_store_idx %arg10[%parallel_loop3A_410, %broadcast_in_dim3A_18, %and3A_17, %parallel_loop3A_407], %parallel_loop3A_411 : memref<8x1x8x129xf32, #tpu.memory_space<vmem>>[vector<16xi32>, vector<16xi32>, vector<16xi32>, vector<16xi32>], vector<16xf32>,
        %parallel_loop3A_412 = arith.constant 2 : i32
        %parallel_loop3A_413 = vector.broadcast %parallel_loop3A_412 : i32 to vector<16xi32>
        %parallel_loop3A_414 = arith.addi %shift_right_logical3A_15, %parallel_loop3A_413 : vector<16xi32>
        %parallel_loop3A_415 = arith.mulf %parallel_loop3A_352, %parallel_loop3A_405 : vector<16xf32>
        tpu.vector_store_idx %arg10[%parallel_loop3A_414, %broadcast_in_dim3A_18, %and3A_17, %parallel_loop3A_407], %parallel_loop3A_415 : memref<8x1x8x129xf32, #tpu.memory_space<vmem>>[vector<16xi32>, vector<16xi32>, vector<16xi32>, vector<16xi32>], vector<16xf32>,
        %parallel_loop3A_416 = arith.constant 4 : i32
        %parallel_loop3A_417 = vector.broadcast %parallel_loop3A_416 : i32 to vector<16xi32>
        %parallel_loop3A_418 = arith.addi %shift_right_logical3A_15, %parallel_loop3A_417 : vector<16xi32>
        %parallel_loop3A_419 = arith.mulf %parallel_loop3A_357, %parallel_loop3A_405 : vector<16xf32>
        tpu.vector_store_idx %arg10[%parallel_loop3A_418, %broadcast_in_dim3A_18, %and3A_17, %parallel_loop3A_407], %parallel_loop3A_419 : memref<8x1x8x129xf32, #tpu.memory_space<vmem>>[vector<16xi32>, vector<16xi32>, vector<16xi32>, vector<16xi32>], vector<16xf32>,
        %parallel_loop3A_420 = arith.constant 6 : i32
        %parallel_loop3A_421 = vector.broadcast %parallel_loop3A_420 : i32 to vector<16xi32>
        %parallel_loop3A_422 = arith.addi %shift_right_logical3A_15, %parallel_loop3A_421 : vector<16xi32>
        %parallel_loop3A_423 = arith.mulf %parallel_loop3A_362, %parallel_loop3A_405 : vector<16xf32>
        tpu.vector_store_idx %arg10[%parallel_loop3A_422, %broadcast_in_dim3A_18, %and3A_17, %parallel_loop3A_407], %parallel_loop3A_423 : memref<8x1x8x129xf32, #tpu.memory_space<vmem>>[vector<16xi32>, vector<16xi32>, vector<16xi32>, vector<16xi32>], vector<16xf32>,
      } {sc.loop_unroll_factor = 8 : i64, sc.parallel_access}
      %dma_start3A_315 = arith.constant 0 : i32
      %dma_start3A_316 = arith.constant 0 : i32
      %dma_start3A_317 = arith.constant 0 : i32
      %dma_start3A_318 = arith.constant 0 : i32
      %dma_start3A_319 = tpu.memref_slice %arg10[%dma_start3A_315, %dma_start3A_316, %dma_start3A_317, %dma_start3A_318] : memref<8x1x8x129xf32, #tpu.memory_space<vmem>> -> memref<8x1x8x128xf32, #tpu.memory_space<vmem>>
      %dma_start3A_320 = arith.constant 0 : i32
      %dma_start3A_321 = arith.constant 0 : i32
      %dma_start3A_322 = arith.constant 0 : i32
      %dma_start3A_323 = tpu.memref_slice %arg4[%add3A_300, %dma_start3A_320, %add3A, %dma_start3A_321, %dma_start3A_322] : memref<200x8x32x8x128xf32, #tpu.memory_space<hbm>> -> memref<1x8x1x8x128xf32, #tpu.memory_space<hbm>>
      %dma_start3A_324 = tpu.memref_squeeze %dma_start3A_323 : memref<1x8x1x8x128xf32, #tpu.memory_space<hbm>> -> memref<8x1x8x128xf32, #tpu.memory_space<hbm>>
      %dma_start3A_325 = arith.constant 0 : i32
      %dma_start3A_326 = arith.constant 0 : i32
      %dma_start3A_327 = arith.constant 0 : i32
      %dma_start3A_328 = tpu.memref_slice %arg4[%add3A_300, %dma_start3A_325, %add3A, %dma_start3A_326, %dma_start3A_327] : memref<200x8x32x8x128xf32, #tpu.memory_space<hbm>> -> memref<1x8x1x8x128xf32, #tpu.memory_space<hbm>>
      %dma_start3A_329 = tpu.memref_squeeze %dma_start3A_328 : memref<1x8x1x8x128xf32, #tpu.memory_space<hbm>> -> memref<8x1x8x128xf32, #tpu.memory_space<hbm>>
      %dma_start3A_330 = arith.constant 0 : i32
      %dma_start3A_331 = arith.constant 0 : i32
      %dma_start3A_332 = arith.constant 0 : i32
      %dma_start3A_333 = arith.constant 0 : i32
      %dma_start3A_334 = tpu.memref_slice %arg10[%dma_start3A_330, %dma_start3A_331, %dma_start3A_332, %dma_start3A_333] : memref<8x1x8x129xf32, #tpu.memory_space<vmem>> -> memref<8x1x8x128xf32, #tpu.memory_space<vmem>>
      tpu.enqueue_dma source(%dma_start3A_334 : memref<8x1x8x128xf32, #tpu.memory_space<vmem>>) target(%dma_start3A_329 : memref<8x1x8x128xf32, #tpu.memory_space<hbm>>) target_semaphore(%arg14 : memref<!tpu.dma_semaphore, #tpu.memory_space<semaphore_mem>>)
      %add3A_335 = arith.constant 2 : i32
      %add3A_336 = arith.addi %add3A_300, %add3A_335 : i32
      %lt3A_337 = arith.constant 200 : i32
      %lt3A_338 = arith.cmpi slt, %add3A_336, %lt3A_337 : i32
      %convert_element_type3A_339 = arith.extui %lt3A_338 : i1 to i32
      %cond3A_340 = arith.constant 0 : i32
      %cond3A_341 = arith.cmpi ne, %convert_element_type3A_339, %cond3A_340 : i32
      scf.if %cond3A_341 {
        %add3A_342 = arith.constant 2 : i32
        %add3A_343 = arith.addi %add3A_300, %add3A_342 : i32
        %add3A_344 = arith.constant 0 : i32
        %add3A_345 = vector.broadcast %add3A_344 : i32 to vector<16xi32>
        %add3A_346 = arith.addi %iota3A, %add3A_345 : vector<16xi32>
        %add3A_347 = vector.broadcast %add3A_343 : i32 to vector<16xi32>
        %add3A_348 = arith.addi %broadcast_in_dim3A_18, %add3A_347 : vector<16xi32>
        %gather3A_349 = tpu.vector_load_idx %arg5[%add3A_346, %add3A_348] : memref<128x200xi32, #tpu.memory_space<vmem>>[vector<16xi32>, vector<16xi32>], vector<16xi32>,
        %swap3A_350 = arith.constant 1 : i32
        %swap3A_351 = arith.index_cast %swap3A_350 : i32 to index
        %swap3A_352 = arith.constant 0 : index
        %swap3A_353 = tpu.vector_load %arg6[%swap3A_351, %swap3A_352] {strides = array<i32>} : memref<2x128xi32, #tpu.memory_space<vmem>>, vector<16xi32>,
        tpu.vector_store %arg6[%swap3A_351, %swap3A_352], %gather3A_349 {strides = array<i32>} : memref<2x128xi32, #tpu.memory_space<vmem>>, vector<16xi32>,
        %add3A_354 = arith.constant 16 : i32
        %add3A_355 = vector.broadcast %add3A_354 : i32 to vector<16xi32>
        %add3A_356 = arith.addi %iota3A, %add3A_355 : vector<16xi32>
        %add3A_357 = vector.broadcast %add3A_343 : i32 to vector<16xi32>
        %add3A_358 = arith.addi %broadcast_in_dim3A_18, %add3A_357 : vector<16xi32>
        %gather3A_359 = tpu.vector_load_idx %arg5[%add3A_356, %add3A_358] : memref<128x200xi32, #tpu.memory_space<vmem>>[vector<16xi32>, vector<16xi32>], vector<16xi32>,
        %swap3A_360 = arith.constant 1 : i32
        %swap3A_361 = arith.index_cast %swap3A_360 : i32 to index
        %swap3A_362 = arith.constant 16 : index
        %swap3A_363 = tpu.vector_load %arg6[%swap3A_361, %swap3A_362] {strides = array<i32>} : memref<2x128xi32, #tpu.memory_space<vmem>>, vector<16xi32>,
        tpu.vector_store %arg6[%swap3A_361, %swap3A_362], %gather3A_359 {strides = array<i32>} : memref<2x128xi32, #tpu.memory_space<vmem>>, vector<16xi32>,
        %add3A_364 = arith.constant 32 : i32
        %add3A_365 = vector.broadcast %add3A_364 : i32 to vector<16xi32>
        %add3A_366 = arith.addi %iota3A, %add3A_365 : vector<16xi32>
        %add3A_367 = vector.broadcast %add3A_343 : i32 to vector<16xi32>
        %add3A_368 = arith.addi %broadcast_in_dim3A_18, %add3A_367 : vector<16xi32>
        %gather3A_369 = tpu.vector_load_idx %arg5[%add3A_366, %add3A_368] : memref<128x200xi32, #tpu.memory_space<vmem>>[vector<16xi32>, vector<16xi32>], vector<16xi32>,
        %swap3A_370 = arith.constant 1 : i32
        %swap3A_371 = arith.index_cast %swap3A_370 : i32 to index
        %swap3A_372 = arith.constant 32 : index
        %swap3A_373 = tpu.vector_load %arg6[%swap3A_371, %swap3A_372] {strides = array<i32>} : memref<2x128xi32, #tpu.memory_space<vmem>>, vector<16xi32>,
        tpu.vector_store %arg6[%swap3A_371, %swap3A_372], %gather3A_369 {strides = array<i32>} : memref<2x128xi32, #tpu.memory_space<vmem>>, vector<16xi32>,
        %add3A_374 = arith.constant 48 : i32
        %add3A_375 = vector.broadcast %add3A_374 : i32 to vector<16xi32>
        %add3A_376 = arith.addi %iota3A, %add3A_375 : vector<16xi32>
        %add3A_377 = vector.broadcast %add3A_343 : i32 to vector<16xi32>
        %add3A_378 = arith.addi %broadcast_in_dim3A_18, %add3A_377 : vector<16xi32>
        %gather3A_379 = tpu.vector_load_idx %arg5[%add3A_376, %add3A_378] : memref<128x200xi32, #tpu.memory_space<vmem>>[vector<16xi32>, vector<16xi32>], vector<16xi32>,
        %swap3A_380 = arith.constant 1 : i32
        %swap3A_381 = arith.index_cast %swap3A_380 : i32 to index
        %swap3A_382 = arith.constant 48 : index
        %swap3A_383 = tpu.vector_load %arg6[%swap3A_381, %swap3A_382] {strides = array<i32>} : memref<2x128xi32, #tpu.memory_space<vmem>>, vector<16xi32>,
        tpu.vector_store %arg6[%swap3A_381, %swap3A_382], %gather3A_379 {strides = array<i32>} : memref<2x128xi32, #tpu.memory_space<vmem>>, vector<16xi32>,
        %add3A_384 = arith.constant 64 : i32
        %add3A_385 = vector.broadcast %add3A_384 : i32 to vector<16xi32>
        %add3A_386 = arith.addi %iota3A, %add3A_385 : vector<16xi32>
        %add3A_387 = vector.broadcast %add3A_343 : i32 to vector<16xi32>
        %add3A_388 = arith.addi %broadcast_in_dim3A_18, %add3A_387 : vector<16xi32>
        %gather3A_389 = tpu.vector_load_idx %arg5[%add3A_386, %add3A_388] : memref<128x200xi32, #tpu.memory_space<vmem>>[vector<16xi32>, vector<16xi32>], vector<16xi32>,
        %swap3A_390 = arith.constant 1 : i32
        %swap3A_391 = arith.index_cast %swap3A_390 : i32 to index
        %swap3A_392 = arith.constant 64 : index
        %swap3A_393 = tpu.vector_load %arg6[%swap3A_391, %swap3A_392] {strides = array<i32>} : memref<2x128xi32, #tpu.memory_space<vmem>>, vector<16xi32>,
        tpu.vector_store %arg6[%swap3A_391, %swap3A_392], %gather3A_389 {strides = array<i32>} : memref<2x128xi32, #tpu.memory_space<vmem>>, vector<16xi32>,
        %add3A_394 = arith.constant 80 : i32
        %add3A_395 = vector.broadcast %add3A_394 : i32 to vector<16xi32>
        %add3A_396 = arith.addi %iota3A, %add3A_395 : vector<16xi32>
        %add3A_397 = vector.broadcast %add3A_343 : i32 to vector<16xi32>
        %add3A_398 = arith.addi %broadcast_in_dim3A_18, %add3A_397 : vector<16xi32>
        %gather3A_399 = tpu.vector_load_idx %arg5[%add3A_396, %add3A_398] : memref<128x200xi32, #tpu.memory_space<vmem>>[vector<16xi32>, vector<16xi32>], vector<16xi32>,
        %swap3A_400 = arith.constant 1 : i32
        %swap3A_401 = arith.index_cast %swap3A_400 : i32 to index
        %swap3A_402 = arith.constant 80 : index
        %swap3A_403 = tpu.vector_load %arg6[%swap3A_401, %swap3A_402] {strides = array<i32>} : memref<2x128xi32, #tpu.memory_space<vmem>>, vector<16xi32>,
        tpu.vector_store %arg6[%swap3A_401, %swap3A_402], %gather3A_399 {strides = array<i32>} : memref<2x128xi32, #tpu.memory_space<vmem>>, vector<16xi32>,
        %add3A_404 = arith.constant 96 : i32
        %add3A_405 = vector.broadcast %add3A_404 : i32 to vector<16xi32>
        %add3A_406 = arith.addi %iota3A, %add3A_405 : vector<16xi32>
        %add3A_407 = vector.broadcast %add3A_343 : i32 to vector<16xi32>
        %add3A_408 = arith.addi %broadcast_in_dim3A_18, %add3A_407 : vector<16xi32>
        %gather3A_409 = tpu.vector_load_idx %arg5[%add3A_406, %add3A_408] : memref<128x200xi32, #tpu.memory_space<vmem>>[vector<16xi32>, vector<16xi32>], vector<16xi32>,
        %swap3A_410 = arith.constant 1 : i32
        %swap3A_411 = arith.index_cast %swap3A_410 : i32 to index
        %swap3A_412 = arith.constant 96 : index
        %swap3A_413 = tpu.vector_load %arg6[%swap3A_411, %swap3A_412] {strides = array<i32>} : memref<2x128xi32, #tpu.memory_space<vmem>>, vector<16xi32>,
        tpu.vector_store %arg6[%swap3A_411, %swap3A_412], %gather3A_409 {strides = array<i32>} : memref<2x128xi32, #tpu.memory_space<vmem>>, vector<16xi32>,
        %add3A_414 = arith.constant 112 : i32
        %add3A_415 = vector.broadcast %add3A_414 : i32 to vector<16xi32>
        %add3A_416 = arith.addi %iota3A, %add3A_415 : vector<16xi32>
        %add3A_417 = vector.broadcast %add3A_343 : i32 to vector<16xi32>
        %add3A_418 = arith.addi %broadcast_in_dim3A_18, %add3A_417 : vector<16xi32>
        %gather3A_419 = tpu.vector_load_idx %arg5[%add3A_416, %add3A_418] : memref<128x200xi32, #tpu.memory_space<vmem>>[vector<16xi32>, vector<16xi32>], vector<16xi32>,
        %swap3A_420 = arith.constant 1 : i32
        %swap3A_421 = arith.index_cast %swap3A_420 : i32 to index
        %swap3A_422 = arith.constant 112 : index
        %swap3A_423 = tpu.vector_load %arg6[%swap3A_421, %swap3A_422] {strides = array<i32>} : memref<2x128xi32, #tpu.memory_space<vmem>>, vector<16xi32>,
        tpu.vector_store %arg6[%swap3A_421, %swap3A_422], %gather3A_419 {strides = array<i32>} : memref<2x128xi32, #tpu.memory_space<vmem>>, vector<16xi32>,
        %dma_start3A_424 = arith.constant 1 : i32
        %dma_start3A_425 = arith.constant 0 : i32
        %dma_start3A_426 = tpu.memref_slice %arg6[%dma_start3A_424, %dma_start3A_425] : memref<2x128xi32, #tpu.memory_space<vmem>> -> memref<1x128xi32, #tpu.memory_space<vmem>>
        %dma_start3A_427 = tpu.memref_squeeze %dma_start3A_426 : memref<1x128xi32, #tpu.memory_space<vmem>> -> memref<128xi32, #tpu.memory_space<vmem>>
        %dma_start3A_428 = arith.constant 0 : i32
        %dma_start3A_429 = arith.constant 0 : i32
        %dma_start3A_430 = tpu.memref_slice %arg3[%dma_start3A_428, %dma_start3A_429] : memref<1000000x64xf32, #tpu.memory_space<hbm>> -> memref<1000000x64xf32, #tpu.memory_space<hbm>>
        tpu.enqueue_indirect_dma source(%dma_start3A_430 : memref<1000000x64xf32, #tpu.memory_space<hbm>>) target(%arg8 : memref<128x64xf32, #tpu.memory_space<vmem>>) offsets(%dma_start3A_427 : memref<128xi32, #tpu.memory_space<vmem>>) semaphore(%arg12 : memref<!tpu.dma_semaphore, #tpu.memory_space<semaphore_mem>>)
      } else {
      }
    }
    %scan3A_210 = arith.constant 100 : i32
    %dma_wait3A = arith.constant 0 : i32
    %dma_wait3A_211 = arith.constant 0 : i32
    %dma_wait3A_212 = arith.constant 0 : i32
    %dma_wait3A_213 = arith.constant 0 : i32
    %dma_wait3A_214 = arith.constant 0 : i32
    %dma_wait3A_215 = tpu.memref_slice %arg9[%dma_wait3A_211, %dma_wait3A_212, %dma_wait3A_213, %dma_wait3A_214] : memref<8x1x8x129xf32, #tpu.memory_space<vmem>> -> memref<8x1x8x128xf32, #tpu.memory_space<vmem>>
    %dma_wait3A_216 = arith.constant 0 : i32
    %dma_wait3A_217 = arith.constant 0 : i32
    %dma_wait3A_218 = arith.constant 0 : i32
    %dma_wait3A_219 = arith.constant 0 : i32
    %dma_wait3A_220 = tpu.memref_slice %arg4[%dma_wait3A, %dma_wait3A_216, %dma_wait3A_217, %dma_wait3A_218, %dma_wait3A_219] : memref<200x8x32x8x128xf32, #tpu.memory_space<hbm>> -> memref<1x8x1x8x128xf32, #tpu.memory_space<hbm>>
    %dma_wait3A_221 = tpu.memref_squeeze %dma_wait3A_220 : memref<1x8x1x8x128xf32, #tpu.memory_space<hbm>> -> memref<8x1x8x128xf32, #tpu.memory_space<hbm>>
    %dma_wait3A_222 = arith.constant 0 : i32
    %dma_wait3A_223 = arith.constant 0 : i32
    %dma_wait3A_224 = arith.constant 0 : i32
    %dma_wait3A_225 = arith.constant 0 : i32
    %dma_wait3A_226 = tpu.memref_slice %arg4[%dma_wait3A, %dma_wait3A_222, %dma_wait3A_223, %dma_wait3A_224, %dma_wait3A_225] : memref<200x8x32x8x128xf32, #tpu.memory_space<hbm>> -> memref<1x8x1x8x128xf32, #tpu.memory_space<hbm>>
    %dma_wait3A_227 = tpu.memref_squeeze %dma_wait3A_226 : memref<1x8x1x8x128xf32, #tpu.memory_space<hbm>> -> memref<8x1x8x128xf32, #tpu.memory_space<hbm>>
    %dma_wait3A_228 = arith.constant 0 : i32
    %dma_wait3A_229 = arith.constant 0 : i32
    %dma_wait3A_230 = arith.constant 0 : i32
    %dma_wait3A_231 = arith.constant 0 : i32
    %dma_wait3A_232 = tpu.memref_slice %arg9[%dma_wait3A_228, %dma_wait3A_229, %dma_wait3A_230, %dma_wait3A_231] : memref<8x1x8x129xf32, #tpu.memory_space<vmem>> -> memref<8x1x8x128xf32, #tpu.memory_space<vmem>>
    tpu.wait_dma2 semaphore(%arg13 : memref<!tpu.dma_semaphore, #tpu.memory_space<semaphore_mem>>) src(%dma_wait3A_232 : memref<8x1x8x128xf32, #tpu.memory_space<vmem>>) dst(%dma_wait3A_227 : memref<8x1x8x128xf32, #tpu.memory_space<hbm>>)
    %dma_wait3A_233 = arith.constant 0 : i32
    %dma_wait3A_234 = arith.constant 0 : i32
    %dma_wait3A_235 = arith.constant 0 : i32
    %dma_wait3A_236 = arith.constant 0 : i32
    %dma_wait3A_237 = arith.constant 0 : i32
    %dma_wait3A_238 = tpu.memref_slice %arg10[%dma_wait3A_234, %dma_wait3A_235, %dma_wait3A_236, %dma_wait3A_237] : memref<8x1x8x129xf32, #tpu.memory_space<vmem>> -> memref<8x1x8x128xf32, #tpu.memory_space<vmem>>
    %dma_wait3A_239 = arith.constant 0 : i32
    %dma_wait3A_240 = arith.constant 0 : i32
    %dma_wait3A_241 = arith.constant 0 : i32
    %dma_wait3A_242 = arith.constant 0 : i32
    %dma_wait3A_243 = tpu.memref_slice %arg4[%dma_wait3A_233, %dma_wait3A_239, %dma_wait3A_240, %dma_wait3A_241, %dma_wait3A_242] : memref<200x8x32x8x128xf32, #tpu.memory_space<hbm>> -> memref<1x8x1x8x128xf32, #tpu.memory_space<hbm>>
    %dma_wait3A_244 = tpu.memref_squeeze %dma_wait3A_243 : memref<1x8x1x8x128xf32, #tpu.memory_space<hbm>> -> memref<8x1x8x128xf32, #tpu.memory_space<hbm>>
    %dma_wait3A_245 = arith.constant 0 : i32
    %dma_wait3A_246 = arith.constant 0 : i32
    %dma_wait3A_247 = arith.constant 0 : i32
    %dma_wait3A_248 = arith.constant 0 : i32
    %dma_wait3A_249 = tpu.memref_slice %arg4[%dma_wait3A_233, %dma_wait3A_245, %dma_wait3A_246, %dma_wait3A_247, %dma_wait3A_248] : memref<200x8x32x8x128xf32, #tpu.memory_space<hbm>> -> memref<1x8x1x8x128xf32, #tpu.memory_space<hbm>>
    %dma_wait3A_250 = tpu.memref_squeeze %dma_wait3A_249 : memref<1x8x1x8x128xf32, #tpu.memory_space<hbm>> -> memref<8x1x8x128xf32, #tpu.memory_space<hbm>>
    %dma_wait3A_251 = arith.constant 0 : i32
    %dma_wait3A_252 = arith.constant 0 : i32
    %dma_wait3A_253 = arith.constant 0 : i32
    %dma_wait3A_254 = arith.constant 0 : i32
    %dma_wait3A_255 = tpu.memref_slice %arg10[%dma_wait3A_251, %dma_wait3A_252, %dma_wait3A_253, %dma_wait3A_254] : memref<8x1x8x129xf32, #tpu.memory_space<vmem>> -> memref<8x1x8x128xf32, #tpu.memory_space<vmem>>
    tpu.wait_dma2 semaphore(%arg14 : memref<!tpu.dma_semaphore, #tpu.memory_space<semaphore_mem>>) src(%dma_wait3A_255 : memref<8x1x8x128xf32, #tpu.memory_space<vmem>>) dst(%dma_wait3A_250 : memref<8x1x8x128xf32, #tpu.memory_space<hbm>>)
    return
  }
}

</mosaic_0001>

<sc_bundles>
// kernel: kernel.3.cloned.1.call-start
scs
__scs_entry_jumppad:
0x0: {  	(pc) =	sbr.rel $0x88, $3  }
0x1: {  	(tag) =	ssettag $0x0;
	lr =	simm.s32 $0x1  }
0x2: {  	[smem:$0x3F9F] =	sst lr;
	_ =	strace $0xD0000000  }
0x3: {  	_ = 	snop  }
0x4: {  	_ = 	snop  }
0x5: {  	_ = 	snop  }
0x6: {  	_ = 	snop  }
0x7: {  	_ = 	snop  }
__scs_overlays_trampoline_lowered:
0x8: {  	[smem:$0x3FAE] =	sst s0  }
0x9: {  	[smem:$0x3FAF] =	sst s1  }
0xa: {  	[smem:$0x3FB0] =	sst s2  }
0xb: {  	[smem:$0x3FB1] =	sst s3  }
0xc: {  	[smem:$0x3FB2] =	sst s4  }
0xd: {  	[smem:$0x3FB3] =	sst s5  }
0xe: {  	[smem:$0x3FB4] =	sst s6  }
0xf: {  	[smem:$0x3FB5] =	sst s7  }
0x10: {  	[smem:$0x3FB6] =	sst s8  }
0x11: {  	[smem:$0x3FB7] =	sst s9;
	s0 =	simm.s32 @!p0 $0x0  }
0x12: {  	s1 =	sld [smem:$0x3F9D];
	s0 =	simm.s32 @p0 $0x1  }
0x13: {  	[smem:$0x3FB8] =	sst s0;
	s0 =	simm.s32 @!p1 $0x0  }
0x14: {  	s2 =	sld [smem:$0x3F9C];
	s0 =	simm.s32 @p1 $0x1  }
0x15: {  	[smem:$0x3FB9] =	sst s0;
	s0 =	simm.s32 @!p2 $0x0  }
0x16: {  	s3 =	sld [smem:$0x3FDB];
	s0 =	simm.s32 @p2 $0x1  }
0x17: {  	s4 =	simm.s32 $0x1BF5;
	[smem:$0x3FBB] =	sst s0  }
0x18: {  	s0 =	sld [smem:$0x3F9E];
	_ =	swait.ge [sflag:s4], $0x0  }
0x19: {  	s7 =	sld [smem:$0x3F9F]  }
0x1a: {  	s8 =	sadd.s32 $0xFFFFE003, lr  }
0x1b: {  	s9 =	sadd.s32 $0xFFFFFEF7, lr;
	s5 =	simm.s32 $0xFFFFFFFF;
	p2 =	slt.u32 s8, $0xFFFFF086  }
0x1c: {  	p1 =	slt.u32 s9, $0xF7A;
	s5 =	simm.s32 @!p2 $0x0  }
0x1d: {  	s5 =	simm.s32 @p1 $0x1;
	p0 =	seq.s32 s7, s2  }
0x1e: {  	s7 =	smul.u32 @!p0 $0xF7A, s2;
	p2 =	seq.s32 @!p0 s5, $0x0  }
0x1f: {  	s9 =	smul.u32 $0xF7A, s1;
	s8 =	simm.s32 @!p0 $0x1BF5;
	p2 =	por !p2, p0  }
0x20: {  	[sflag:s8] =	ssyncset.s32 @!p0 $0xFFFFF086;
	s6 =	sadd.s32 @!p0 s3, s7;
	s7 =	simm.s32 @!p0 $0x108  }
0x21: {  	s3 =	sadd.s32 s3, s9;
	s6 =	sadd.s32 @!p0 $0x88, s6;
	s7 =	simm.s32 @p2 $0x1082  }
0x22: {  	[simem:s7], [sflag:s8] =	dma.local @!p0 [hbm:s6], $0xF7A  }
0x23: {  	s9 =	sor.u32 $0xD0000000, s2;
	s6 =	simm.s32 $0x108;
	_ =	swait.ge @!p0 [sflag:s8], $0x0  }
0x24: {  	s3 =	sadd.s32 $0x88, s3;
	s6 =	simm.s32 @!p1 $0x1082;
	[sflag:s4] =	ssyncset.s32 $0xFFFFF086  }
0x25: {  	[simem:s6], [sflag:s4] =	dma.local [hbm:s3], $0xF7A  }
0x26: {  	[smem:$0x3F9F] =	sst s1;
	(tag) =	ssettag s2;
	_ =	strace s9  }
0x27: {  	s1 =	sld [smem:$0x3FAF]  }
0x28: {  	s2 =	sld [smem:$0x3FB0]  }
0x29: {  	s4 =	sld [smem:$0x3FB2]  }
0x2a: {  	p0 =	seq.s32 s5, $0x0;
	s5 =	sld [smem:$0x3FB3]  }
0x2b: {  	s6 =	sld [smem:$0x3FB4]  }
0x2c: {  	s7 =	sld [smem:$0x3FB5]  }
0x2d: {  	s3 =	simm.s32 $0x108;
	s8 =	sld [smem:$0x3FB6]  }
0x2e: {  	s3 =	simm.s32 @!p0 $0x1082;
	s9 =	sld [smem:$0x3FB7]  }
0x2f: {  	lr =	sadd.s32 s0, s3;
	s0 =	sld [smem:$0x3FAE]  }
0x30: {  	s3 =	sld [smem:$0x3FB1]  }
0x31: {  	[smem:$0x3FBA] =	sst s10  }
0x32: {  	s10 =	sld [smem:$0x3FB8];
	_ =	sdelay $0x3  }
0x33: {  	p0 =	seq.s32 s10, $0x1;
	s10 =	sld [smem:$0x3FBA];
	_ =	sdelay $0x3  }
0x34: {  	[smem:$0x3FBA] =	sst s10  }
0x35: {  	s10 =	sld [smem:$0x3FB9];
	_ =	sdelay $0x3  }
0x36: {  	p1 =	seq.s32 s10, $0x1;
	s10 =	sld [smem:$0x3FBA];
	_ =	sdelay $0x3  }
0x37: {  	[smem:$0x3FBA] =	sst s10  }
0x38: {  	s10 =	sld [smem:$0x3FBB]  }
0x39: {  	_ = 	snop;
	(pc) =	sbr.ind lr, $3  }
0x3a: {  	_ = 	snop  }
0x3b: {  	_ = 	snop  }
0x3c: {  	p2 =	seq.s32 s10, $0x1;
	s10 =	sld [smem:$0x3FBA]  }
0x3d: {  	_ =	shalt  }
0x3e: {  	_ =	shalt  }
0x3f: {  	_ =	shalt  }
0x40: {  	_ =	shalt  }
0x41: {  	_ =	shalt  }
0x42: {  	_ =	shalt  }
0x43: {  	_ =	shalt  }
0x44: {  	_ =	shalt  }
0x45: {  	_ =	shalt  }
0x46: {  	_ =	shalt  }
0x47: {  	_ =	shalt  }
0x48: {  	_ =	shalt  }
0x49: {  	_ =	shalt  }
0x4a: {  	_ =	shalt  }
0x4b: {  	_ =	shalt  }
0x4c: {  	_ =	shalt  }
0x4d: {  	_ =	shalt  }
0x4e: {  	_ =	shalt  }
0x4f: {  	_ =	shalt  }
0x50: {  	_ =	shalt  }
0x51: {  	_ =	shalt  }
0x52: {  	_ =	shalt  }
0x53: {  	_ =	shalt  }
0x54: {  	_ =	shalt  }
0x55: {  	_ =	shalt  }
0x56: {  	_ =	shalt  }
0x57: {  	_ =	shalt  }
0x58: {  	_ =	shalt  }
0x59: {  	_ =	shalt  }
0x5a: {  	_ =	shalt  }
0x5b: {  	_ =	shalt  }
0x5c: {  	_ =	shalt  }
0x5d: {  	_ =	shalt  }
0x5e: {  	_ =	shalt  }
0x5f: {  	_ =	shalt  }
0x60: {  	_ =	shalt  }
0x61: {  	_ =	shalt  }
0x62: {  	_ =	shalt  }
0x63: {  	_ =	shalt  }
0x64: {  	_ =	shalt  }
0x65: {  	_ =	shalt  }
0x66: {  	_ =	shalt  }
0x67: {  	_ =	shalt  }
0x68: {  	_ =	shalt  }
0x69: {  	_ =	shalt  }
0x6a: {  	_ =	shalt  }
0x6b: {  	_ =	shalt  }
0x6c: {  	_ =	shalt  }
0x6d: {  	_ =	shalt  }
0x6e: {  	_ =	shalt  }
0x6f: {  	_ =	shalt  }
0x70: {  	_ =	shalt  }
0x71: {  	_ =	shalt  }
0x72: {  	_ =	shalt  }
0x73: {  	_ =	shalt  }
0x74: {  	_ =	shalt  }
0x75: {  	_ =	shalt  }
0x76: {  	_ =	shalt  }
0x77: {  	_ =	shalt  }
0x78: {  	_ =	shalt  }
0x79: {  	_ =	shalt  }
0x7a: {  	_ =	shalt  }
0x7b: {  	_ =	shalt  }
0x7c: {  	_ =	shalt  }
0x7d: {  	_ =	shalt  }
0x7e: {  	_ =	shalt  }
0x7f: {  	_ =	shalt  }
0x80: {  	_ =	shalt  }
0x81: {  	_ =	shalt  }
0x82: {  	_ =	shalt  }
0x83: {  	_ =	shalt  }
0x84: {  	_ =	shalt  }
0x85: {  	_ =	shalt  }
0x86: {  	_ =	shalt  }
0x87: {  	_ =	shalt  }
.Lfunc_end0:
.L_simem_size_0:
called_computation_lowered:
.L_overlay_start_0:
0x88: {  	s2 =	sld [smem:$0x3FD9]  }
0x89: {  	s3 =	sld [smem:$0x3FFE];
	_ =	sdelay $0x1  }
0x8a: {  	s1 =	srdreg.scid  }
0x8b: {  	s0 =	sand.u32 $0x1, s1  }
0x8c: {  	s17 =	sshll.u32 s0, $0xA;
	s2 =	sadd.s32 s3, s2  }
0x8d: {  	s2 =	sadd.s32 s2, s17  }
0x8e: {  	[smem:$0x3FC6] =	sst s2  }
0x8f: {  	_ = 	snop  }
0x90: {  	s2 =	sld [smem:$0x3FD0];
	(tm) =	ssettm $0x1  }
0x91: {  	s18 =	sld [smem:$0x3FFB];
	_ =	sdelay $0x3  }
0x92: {  	_ =	strace s18  }
0x93: {  	s3 =	sld [smem:$0x3FFC];
	_ =	sdelay $0x3  }
0x94: {  	_ =	strace s3  }
0x95: {  	s3 =	sld [smem:$0x3FFD];
	_ =	sdelay $0x3  }
0x96: {  	_ =	strace s3  }
0x97: {  	_ =	strace $0x8FFFFFFF  }
0x98: {  	s19 =	sld [smem:$0x3FDB];
	_ =	sdelay $0x1  }
0x99: {  	s4 =	simm.s32 $_scs_section_size  }
0x9a: {  	s5 =	simm.s32 $_size__tile_overlayer_lowered;
	s6 =	simm.s32 $_tile_overlayer_lowered  }
0x9b: {  	s22 =	simm.s32 $0x1BFF;
	s21 =	sshll.u32 s6, $0x1;
	s3 =	sadd.s32 s4, s19  }
0x9c: {  	s7 =	simm.s32 $0x0;
	s20 =	sshll.u32 s5, $0x1;
	s5 =	sadd.s32 s21, s3  }
0x9d: {  	[timem:s7], [sflag:s22] =	dma.local [hbm:s5], s20  }
0x9e: {  	_ =	swait.ge [sflag:s22], s20  }
0x9f: {  	s4 =	ssub.s32 $0x0, s20;
	[sflag:s22] =	ssyncset.done $0x0  }
0xa0: {  	[sflag:s22] =	ssyncadd.s32 s4;
	_ =	sdelay $0x1  }
0xa1: {  	s23 =	simm.s32 $0x1B8B  }
0xa2: {  	_ =	swait.ge [sflag:s23], $0x1  }
0xa3: {  	[sflag:s23] =	ssyncset.done $0x0  }
0xa4: {  	s25 =	simm.s32 $0x1B8E;
	s24 =	sld [smem:$0x3FFE];
	[sflag:s23] =	ssyncadd.s32 $0xFFFFFFFF  }
0xa5: {  	s26 =	simm.s32 $execute0_lowered;
	[smem:$0x3FD2] =	sst s25  }
0xa6: {  	s5 =	sshll.u32 s26, $0x1;
	_ =	strace $0x80000046;
	[dreg:$0x1] =	wrdreg $0xFFFFFFFF  }
0xa7: {  	s28 =	simm.s32 $_size_execute0_lowered;
	s3 =	sadd.s32 s3, s5;
	[dreg:$0x0] =	wrdreg $0x0  }
0xa8: {  	s5 =	sshll.u32 s28, $0x1;
	[dreg:$0x2] =	wrdreg s3  }
0xa9: {  	[dreg:$0x3] =	wrdreg s5  }
0xaa: {  	[dreg:$0x4] =	wrdreg $0xC0  }
0xab: {  	_ =	task [dreg:s7], $0x5FFFF  }
0xac: {  	[dreg:$0x1] =	wrdreg $0xFFFFFFFF  }
0xad: {  	[dreg:$0x0] =	wrdreg $0x60  }
0xae: {  	[dreg:$0x2] =	wrdreg s24  }
0xaf: {  	[dreg:$0x3] =	wrdreg s2  }
0xb0: {  	[dreg:$0x4] =	wrdreg $0x9  }
0xb1: {  	_ =	task.clear_ibuf [dreg:s7], $0x5FFFF;
	_ =	strace $0x90000046  }
0xb2: {  	s29 =	simm.s32 $0x9;
	_ =	strace $0x80000048  }
0xb3: {  	_ =	swait.ge [sflag:s29], $0x1  }
0xb4: {  	[sflag:s29] =	ssyncadd.s32 $0xFFFFFFFF  }
0xb5: {  	_ =	strace $0x90000048  }
0xb6: {  	_ =	sfence  }
0xb7: {  	s30 =	sld [smem:$0x0];
	_ =	sdelay $0x2  }
0xb8: {  	s31 =	sshll.u32 s1, $0xD;
	s1 =	sshrl.u32 s1, $0x2  }
0xb9: {  	s3 =	sand.u32 $0x4000, s31;
	s1 =	sadd.s32 s1, s30  }
0xba: {  	s0 =	sor.u32 s3, s0;
	s1 =	sshll.u32 s1, $0x11  }
0xbb: {  	s0 =	sor.u32 s1, s0  }
0xbc: {  	s0 =	sadd.s32 $0x8F2B, s0  }
0xbd: {  	[sflag:s0] =	ssyncadd.remote.s32 $0x1  }
0xbe: {  	_ =	sfence.sel $0xFFFF  }
0xbf: {  	[dreg:$0x0] =	wrdreg $0xFFFFFFFF;
	(pc) =	sbr.abs _section_cstart, $3  }
0xc0: {  	[dreg:$0x1] =	wrdreg $0xFFFFFFFF  }
0xc1: {  	_ =	task.clear_ibuf [dreg:s7], $0x2FFFF;
	_ =	strace $0x9FFFFFFF  }
0xc2: {  	(tm) =	ssettm $0x7FFFFFFF  }
0xc3: {  	_ =	shalt  }
tec
execute0_lowered:
.L_overlay_start_1:
0x0: {  	(tag) =	ssettag $0x1  }
0x1: {  	v0 =	vlaneseq.u32  }
0x2: {  	v7 =	vmul.u32 $0xC8, v0;
	_ =	sdelay $0x1  }
0x3: {  	v1 =	vadd.s32 $0xC80, v7;
	[tilespmem:$0x1FDA0] =	vst v7  }
0x4: {  	v6 =	vadd.s32 $0x1900, v7;
	[tilespmem:$0x1FCC0] =	vst v1  }
0x5: {  	v8 =	vadd.s32 $0x2580, v7;
	[tilespmem:$0x1FCD0] =	vst v6  }
0x6: {  	v9 =	vadd.s32 $0x3200, v7;
	[tilespmem:$0x1FCE0] =	vst v8  }
0x7: {  	v10 =	vadd.s32 $0x3E80, v7;
	[tilespmem:$0x1FCF0] =	vst v9  }
0x8: {  	v11 =	vadd.s32 $0x4B00, v7;
	[tilespmem:$0x1FD00] =	vst v10  }
0x9: {  	v12 =	vadd.s32 $0x5780, v7;
	[tilespmem:$0x1FD10] =	vst v11  }
0xa: {  	v13 =	vor.u32 $0x1, v7;
	[tilespmem:$0x1FD20] =	vst v12  }
0xb: {  	v14 =	vadd.s32 $0xC81, v7;
	[tilespmem:$0x1FD30] =	vst v13  }
0xc: {  	v2 =	vadd.s32 $0x1901, v7;
	[tilespmem:$0x1FD40] =	vst v14  }
0xd: {  	v3 =	vadd.s32 $0x2581, v7;
	[tilespmem:$0x1FD50] =	vst v2  }
0xe: {  	v30 =	vadd.s32 $0x3201, v7;
	[tilespmem:$0x1FD60] =	vst v3  }
0xf: {  	v31 =	vadd.s32 $0x3E81, v7;
	[tilespmem:$0x1FD70] =	vst v30  }
0x10: {  	s4 =	rddreg [dreg:$0x0];
	v49 =	vmul.u32 $0x88, v0;
	[tilespmem:$0x1FD80] =	vst v31;
	v8 =	vadd.s32 $0x4B01, v7  }
0x11: {  	s2 =	rddreg [dreg:$0x1];
	s3 =	simm.s32 $0x0;
	v7 =	vadd.s32 $0x5781, v7;
	[tilespmem:$0x1FD90] =	vst v8  }
0x12: {  	s1 =	srdreg.scid;
	[smem:$0x7FF] =	sst s3;
	v54 =	vadd.s32 $0x1104, v49;
	[tilespmem:$0x1FDB0] =	vst v7  }
0x13: {  	v42 =	vimm.s32 $0x0;
	vm0 =	vcmask $0x300;
	s5 =	sand.u32 $0x1, s1;
	s1 =	rddreg [dreg:$0x2];
	v21 =	vor.u32 $0x1, v49;
	_ =	strace $0x80000047;
	[tilespmem:$0x1FDC0] =	vst v54  }
0x14: {  	v50 =	vsel vm0, $0x3, v42;
	v42 =	vadd.s32 $0x881, v49;
	[tilespmem:$0x1FDD0] =	vst v21  }
0x15: {  	v25 =	vadd.s32 $0x1101, v49;
	[tilespmem:$0x1FDE0] =	vst v42  }
0x16: {  	v44 =	vadd.s32 $0x1981, v49;
	[tilespmem:$0x1FDF0] =	vst v25  }
0x17: {  	v45 =	vor.u32 $0x3, v49;
	[tilespmem:$0x1FE00] =	vst v44  }
0x18: {  	[tilespmem:$0x1FE50] =	vst v45  }
0x19: {  	v43 =	vadd.s32 $0x883, v49;
	[tilespmem:$0x1FE70] =	vst v50  }
0x1a: {  	v46 =	vadd.s32 $0x1103, v49;
	[tilespmem:$0x1FE80] =	vst v43  }
0x1b: {  	v47 =	vadd.s32 $0x1983, v49;
	[tilespmem:$0x1FE90] =	vst v46  }
0x1c: {  	v48 =	vor.u32 $0x4, v49;
	[tilespmem:$0x1FEA0] =	vst v47  }
0x1d: {  	v53 =	vadd.s32 $0x884, v49;
	[tilespmem:$0x1FEB0] =	vst v48  }
0x1e: {  	v55 =	vadd.s32 $0x1984, v49;
	[tilespmem:$0x1FEC0] =	vst v53  }
0x1f: {  	v60 =	vor.u32 $0x5, v49;
	[tilespmem:$0x1FED0] =	vst v55  }
0x20: {  	v61 =	vadd.s32 $0x885, v49;
	[tilespmem:$0x1FEE0] =	vst v60  }
0x21: {  	v62 =	vadd.s32 $0x1105, v49;
	[tilespmem:$0x1FEF0] =	vst v61  }
0x22: {  	v9 =	vadd.s32 $0x1985, v49;
	[tilespmem:$0x1FF00] =	vst v62  }
0x23: {  	v10 =	vor.u32 $0x6, v49;
	[tilespmem:$0x1FF10] =	vst v9  }
0x24: {  	v28 =	vimm.s32 $0xEFCDAB89;
	v29 =	vimm.s32 $0x67452301;
	v11 =	vadd.s32 $0x886, v49;
	[tilespmem:$0x1FF20] =	vst v10  }
0x25: {  	v32 =	vimm.s32 $0xDCFE98BA;
	v4 =	vimm.s32 $0x54761032;
	v12 =	vadd.s32 $0x1106, v49;
	[tilespmem:$0x1FF30] =	vst v11  }
0x26: {  	v5 =	vimm.s32 $0xBA98FEDC;
	v4 =	vunpack.c.l.s4.s8 v4;
	v58 =	vadd.s32 $0x1986, v49;
	[tilespmem:$0x1FF40] =	vst v12  }
0x27: {  	v37 =	vimm.s32 $0xFEDCBA98;
	v5 =	vunpack.c.l.s4.s8 v5;
	v14 =	vor.u32 $0x7, v49;
	[tilespmem:$0x1FF50] =	vst v58  }
0x28: {  	v38 =	vimm.s32 $0x76543210;
	v34 =	vunpack.c.0.s8.s32 v4;
	v15 =	vadd.s32 $0x887, v49;
	[tilespmem:$0x1FF60] =	vst v14  }
0x29: {  	v35 =	vunpack.c.0.s8.s32 v5;
	v19 =	vadd.s32 $0x1107, v49;
	v22 =	vadd.s32 $0x1987, v49;
	[tilespmem:$0x1FF70] =	vst v15  }
0x2a: {  	v1 =	vunpack.c.l.s4.s8 v28;
	v2 =	vunpack.c.l.s4.s8 v29;
	v6 =	vimm.s32 $0x32107654;
	[tilespmem:$0x1FF80] =	vst v19  }
0x2b: {  	v18 =	vadd.s32 $0x880, v49;
	v3 =	vunpack.c.l.s4.s8 v32;
	v6 =	vunpack.c.l.s4.s8 v6;
	[tilespmem:$0x1FF90] =	vst v22  }
0x2c: {  	v63 =	vadd.s32 $0x1100, v49;
	v1 =	vunpack.c.0.s8.s32 v1;
	v2 =	vunpack.c.0.s8.s32 v2;
	[tilespmem:$0x1FFC0] =	vst v18  }
0x2d: {  	v33 =	vunpack.c.0.s8.s32 v3;
	v3 =	vunpack.c.l.s4.s8 v38;
	[tilespmem:$0x1FFD0] =	vst v49;
	v36 =	vunpack.c.0.s8.s32 v6  }
0x2e: {  	s0 =	stileid.u32;
	s9 =	simm.s32 $0x5;
	s10 =	simm.s32 $0x80;
	v38 =	vor.u32 $0x2, v49;
	[tilespmem:$0x1FFE0] =	vst v63;
	v6 =	vunpack.c.l.s4.s8 v37;
	v1 =	vcombine.low v2, v1  }
0x2f: {  	s11 =	simm.s32 $0x6400;
	s12 =	simm.s32 $0x6500;
	s13 =	simm.s32 $0x6480;
	[tilespmem:$0x1FE10] =	vst v38;
	v2 =	vcombine.low v34, v33;
	v4 =	vcombine.low v36, v35;
	v35 =	vadd.s32 $0x1102, v49  }
0x30: {  	s14 =	simm.s32 $0x8500;
	s15 =	simm.s32 $0x1;
	s16 =	simm.s32 $0xA500;
	v39 =	vunpack.c.0.s8.s32 v6;
	v36 =	vadd.s32 $0x1982, v49;
	[tilespmem:$0x1FE30] =	vst v35  }
0x31: {  	s17 =	simm.s32 $0x2;
	s18 =	simm.s32 $0x4;
	s6 =	sshll.u32 s0, $0x1;
	v52 =	vand.u32 $0xF, v2;
	[tilespmem:$0x1FE40] =	vst v36  }
.Ltmp0:
0x32: {  	s19 =	simm.s32 $0xC700;
	s6 =	sor.u32 s5, s6;
	v40 =	vunpack.c.0.s8.s32 v3;
	v41 =	vand.u32 $0xF, v39;
	v39 =	vadd.s32 $0x882, v49;
	[tilespmem:$0x1FE60] =	vst v52;
	(pc) =	sbr.rel .LBB2_1-.Ltmp0, $4  }
0x33: {  	s20 =	simm.s32 $0x3;
	s5 =	ssub.s32 $0x2, s5;
	s7 =	smul.u32 $0xC80, s6;
	v16 =	vand.u32 $0xF, v4;
	[tilespmem:$0x1FE20] =	vst v39  }
0x34: {  	s21 =	simm.s32 $0x0;
	s8 =	sshrl.u32 s5, $0x1;
	s6 =	sshll.u32 s6, $0x7;
	v17 =	vcombine.low v41, v40;
	v40 =	vadd.s32 $0x1980, v49;
	[tilespmem:$0x1FFA0] =	vst v16  }
0x35: {  	s8 =	ssub.s32 s5, s8;
	s7 =	sadd.s32 s7, s4;
	s4 =	sadd.s32 $0xF42A00, s4;
	[tilespmem:$0x1FFF0] =	vst v40  }
0x36: {  	s8 =	smax.u32 s8, $0x1;
	s5 =	sadd.s32 $0x600, s7;
	s7 =	sadd.s32 $0x8000, s2;
	v51 =	vand.u32 $0xF, v1;
	[tilespmem:$0x1FFB0] =	vst v17  }
.LBB2_16:
0x37: {  	s21 =	sadd.s32 $0x1, s21  }
0x38: {  	_ =	swait.ge [sflag:s20], $0x2000;
	p0 =	sne.s32 s21, s8  }
.Ltmp1:
0x39: {  	[sflag:s20] =	ssyncset.done $0x0;
	(pc) =	sbr.rel @!p0 .LBB2_17-.Ltmp1, $4  }
0x3a: {  	[sflag:s20] =	ssyncadd.s32 $0xFFFFE000  }
0x3b: {  	_ =	swait.ge [sflag:s18], $0x2000  }
0x3c: {  	[sflag:s18] =	ssyncset.done $0x0  }
0x3d: {  	[sflag:s18] =	ssyncadd.s32 $0xFFFFE000  }
.LBB2_1:
0x3e: {  	[tilespmem:s3], [sflag:$0x5] =	stream.linear.gather [hbm4b:s5+s3], $0x6400, $0x38;
	[tilespmem:$0xE900] =	vst v63  }
0x3f: {  	_ =	swait.ge [sflag:s9], $0x6400  }
0x40: {  	v0 =	vld [tilespmem:$0x1FDA0];
	_ =	sdelay $0x5  }
0x41: {  	[sflag:s9] =	ssyncset.done $0x0;
	v41 =	vld [tilespmem:$0x1FCC0]  }
0x42: {  	[sflag:s9] =	ssyncadd.s32 $0xFFFF9C00  }
0x43: {  	v0 =	vld.idx.msk [tilespmem:v0+s3+$0x0], $0xffff;
	_ =	sdelay $0x3  }
0x44: {  	v43 =	vld [tilespmem:$0x1FCD0]  }
0x45: {  	[tilespmem:$0x6400] =	vst v0  }
0x46: {  	v0 =	vld.idx.msk [tilespmem:v41+s3+$0x0], $0xffff;
	_ =	sdelay $0x3  }
0x47: {  	v46 =	vld [tilespmem:$0x1FCE0]  }
0x48: {  	[tilespmem:$0x6410] =	vst v0  }
0x49: {  	v0 =	vld.idx.msk [tilespmem:v43+s3+$0x0], $0xffff;
	_ =	sdelay $0x3  }
0x4a: {  	v47 =	vld [tilespmem:$0x1FCF0]  }
0x4b: {  	[tilespmem:$0x6420] =	vst v0  }
0x4c: {  	v0 =	vld.idx.msk [tilespmem:v46+s3+$0x0], $0xffff;
	_ =	sdelay $0x3  }
0x4d: {  	v48 =	vld [tilespmem:$0x1FD00]  }
0x4e: {  	[tilespmem:$0x6430] =	vst v0  }
0x4f: {  	v0 =	vld.idx.msk [tilespmem:v47+s3+$0x0], $0xffff;
	_ =	sdelay $0x3  }
0x50: {  	v53 =	vld [tilespmem:$0x1FD10]  }
0x51: {  	[tilespmem:$0x6440] =	vst v0  }
0x52: {  	v0 =	vld.idx.msk [tilespmem:v48+s3+$0x0], $0xffff;
	_ =	sdelay $0x3  }
0x53: {  	v54 =	vld [tilespmem:$0x1FD20]  }
0x54: {  	[tilespmem:$0x6450] =	vst v0  }
0x55: {  	v0 =	vld.idx.msk [tilespmem:v53+s3+$0x0], $0xffff;
	_ =	sdelay $0x4  }
0x56: {  	v55 =	vld [tilespmem:$0x1FD30];
	[tilespmem:$0x6460] =	vst v0  }
0x57: {  	v0 =	vld.idx.msk [tilespmem:v54+s3+$0x0], $0xffff;
	_ =	sdelay $0x4  }
0x58: {  	v56 =	vld [tilespmem:$0x1FD40];
	[tilespmem:$0x6470] =	vst v0  }
0x59: {  	[tilespmem:s12], [sflag:$0x1] =	stream.indirect.gather [hbm4b:s4+s10], $0x40, s11, s10, $0xb8;
	[tilespmem:$0xE900] =	vst v63  }
0x5a: {  	v0 =	vld.idx.msk [tilespmem:v55+s3+$0x0], $0xffff;
	_ =	sdelay $0x3  }
0x5b: {  	v57 =	vld [tilespmem:$0x1FD50]  }
0x5c: {  	[tilespmem:$0x6480] =	vst v0  }
0x5d: {  	v0 =	vld.idx.msk [tilespmem:v56+s3+$0x0], $0xffff;
	_ =	sdelay $0x3  }
0x5e: {  	v58 =	vld [tilespmem:$0x1FD60]  }
0x5f: {  	[tilespmem:$0x6490] =	vst v0  }
0x60: {  	v0 =	vld.idx.msk [tilespmem:v57+s3+$0x0], $0xffff;
	_ =	sdelay $0x3  }
0x61: {  	v59 =	vld [tilespmem:$0x1FD70]  }
0x62: {  	[tilespmem:$0x64A0] =	vst v0  }
0x63: {  	v0 =	vld.idx.msk [tilespmem:v58+s3+$0x0], $0xffff;
	_ =	sdelay $0x3  }
0x64: {  	v60 =	vld [tilespmem:$0x1FD80]  }
0x65: {  	[tilespmem:$0x64B0] =	vst v0  }
0x66: {  	v0 =	vld.idx.msk [tilespmem:v59+s3+$0x0], $0xffff;
	_ =	sdelay $0x3  }
0x67: {  	v61 =	vld [tilespmem:$0x1FD90]  }
0x68: {  	[tilespmem:$0x64C0] =	vst v0  }
0x69: {  	v0 =	vld.idx.msk [tilespmem:v60+s3+$0x0], $0xffff;
	_ =	sdelay $0x3  }
0x6a: {  	v62 =	vld [tilespmem:$0x1FDB0]  }
0x6b: {  	[tilespmem:$0x64D0] =	vst v0  }
0x6c: {  	v0 =	vld.idx.msk [tilespmem:v61+s3+$0x0], $0xffff;
	_ =	sdelay $0x4  }
0x6d: {  	[tilespmem:$0x64E0] =	vst v0  }
0x6e: {  	v0 =	vld.idx.msk [tilespmem:v62+s3+$0x0], $0xffff;
	_ =	sdelay $0x4  }
0x6f: {  	s22 =	simm.s32 $0x0;
	[tilespmem:$0x64F0] =	vst v0  }
0x70: {  	[tilespmem:s14], [sflag:$0x2] =	stream.indirect.gather [hbm4b:s4+s10], $0x40, s13, s10, $0xb8;
	[tilespmem:$0xE900] =	vst v63  }
.LBB2_2:
0x71: {  	_ =	swait.ge [sflag:s15], $0x2000  }
0x72: {  	p0 =	seq.s32 s22, $0x0;
	[sflag:s15] =	ssyncset.done $0x0  }
0x73: {  	s23 =	simm.s32 @!p0 $0x3;
	[sflag:s15] =	ssyncadd.s32 $0xFFFFE000  }
0x74: {  	_ =	swait.ge @!p0 [sflag:s23], $0x2000  }
0x75: {  	[sflag:s23] =	ssyncset.done @!p0 $0x0  }
0x76: {  	s29 =	simm.s32 $0x6600;
	[sflag:s23] =	ssyncadd.s32 @!p0 $0xFFFFE000  }
0x77: {  	v55 =	vld [tilespmem:s29+$0xC0]  }
0x78: {  	v54 =	vld [tilespmem:s29+$0xD0];
	_ =	sdelay $0x1  }
0x79: {  	v53 =	vld [tilespmem:s29+$0xE0];
	_ =	sdelay $0x1  }
0x7a: {  	v39 =	vld [tilespmem:s29+$0xF0]  }
0x7b: {  	v0 =	vmul.f32 v55, v55;
	v1 =	vmul.f32 v54, v54  }
0x7c: {  	v19 =	vld [tilespmem:s29+$0xFFFFFF10]  }
0x7d: {  	v11 =	vld [tilespmem:s29+$0xFFFFFF40];
	v0 =	vadd.f32 v1, v0;
	v1 =	vmul.f32 v53, v53  }
0x7e: {  	v10 =	vld [tilespmem:s29+$0xFFFFFF50]  }
0x7f: {  	v5 =	vld [tilespmem:s29+$0xFFFFFF80];
	v3 =	vmul.f32 v39, v39;
	v1 =	vadd.f32 v1, v0  }
0x80: {  	v6 =	vld [tilespmem:s29+$0xFFFFFF90]  }
0x81: {  	v20 =	vmov v18;
	s25 =	simm.s32 $0x1;
	v18 =	vld [tilespmem:s29+$0xFFFFFFC0];
	v4 =	vadd.f32 v3, v1  }
0x82: {  	s30 =	simm.s32 $0x2;
	v7 =	vmov s25;
	v34 =	vld [tilespmem:s29+$0xFFFFFFD0]  }
0x83: {  	s31 =	simm.s32 $0x3;
	v14 =	vmov s30;
	s25 =	simm.s32 $0x4;
	v8 =	vshrl.u32 v7, $0x3;
	v43 =	vld [tilespmem:s29+$0x0];
	v9 =	vperm.xlane v4, v51  }
0x84: {  	s24 =	simm.s32 $0x0;
	v46 =	vmovc v25;
	v15 =	vmov s31;
	v13 =	vshll.u32 v8, v50;
	v25 =	vld [tilespmem:s29+$0x10];
	v0 =	vmov s25  }
0x85: {  	v28 =	vld [tilespmem:s29+$0x40];
	v3 =	vmov s24;
	v22 =	vadd.f32 v4, v9;
	v4 =	vshrl.u32 v14, $0x3  }
0x86: {  	v23 =	vbroadcast v13, $0x0;
	v8 =	vld [tilespmem:s29+$0x50];
	[tilespmem:$0x1FC90] =	vst v0;
	v3 =	vshrl.u32 v3, $0x3;
	v0 =	vshll.u32 v4, v50  }
0x87: {  	v13 =	vmul.f32 v5, v5;
	v12 =	vshll.u32 v3, v50;
	v9 =	vld [tilespmem:s29+$0x80];
	[tilespmem:$0x1FCA0] =	vst v0;
	v0 =	vshrl.u32 v15, $0x3  }
0x88: {  	v47 =	vmov v35;
	v29 =	vmul.f32 v6, v6;
	v35 =	vbroadcast v12, $0x0;
	v27 =	vld [tilespmem:s29+$0x90];
	[tilespmem:$0x1FCB0] =	vst v0  }
0x89: {  	v31 =	vmul.f32 v43, v43;
	v12 =	vperm.xlane v22, v52;
	v37 =	vld [tilespmem:s29+$0xFFFFFF00]  }
0x8a: {  	v48 =	vmovc v36;
	v14 =	vmul.f32 v11, v11;
	v15 =	vmul.f32 v10, v10;
	v0 =	vadd.s32 v49, v35;
	v36 =	vld [tilespmem:s29+$0xFFFFFF20]  }
0x8b: {  	v32 =	vmul.f32 v25, v25;
	v33 =	vmul.f32 v28, v28;
	v12 =	vadd.f32 v22, v12;
	v24 =	vld [tilespmem:s29+$0xFFFFFF60];
	[tilespmem:$0x1FC80] =	vst v0  }
0x8c: {  	v38 =	vmul.f32 v8, v8;
	v30 =	vadd.f32 v15, v14;
	v14 =	vmul.f32 v18, v18;
	v22 =	vld [tilespmem:s29+$0xFFFFFFA0]  }
0x8d: {  	v29 =	vadd.f32 v29, v13;
	v15 =	vmul.f32 v34, v34;
	v13 =	vperm.xlane v12, v16  }
0x8e: {  	v58 =	vadd.f32 v32, v31;
	v59 =	vadd.f32 v38, v33;
	v31 =	vmul.f32 v9, v9;
	v38 =	vld [tilespmem:s29+$0xFFFFFF30]  }
0x8f: {  	v56 =	vadd.f32 v15, v14;
	v15 =	vld [tilespmem:s29+$0xFFFFFFE0];
	v57 =	vadd.f32 v12, v13;
	v33 =	vmul.f32 v27, v27  }
0x90: {  	v26 =	vmul.f32 v19, v19;
	v13 =	vld [tilespmem:s29+$0x60];
	v32 =	vmul.f32 v37, v37  }
0x91: {  	v12 =	vld [tilespmem:s29+$0xA0];
	v60 =	vperm.xlane v57, v17;
	v62 =	vadd.f32 v33, v31;
	v31 =	vmul.f32 v22, v22  }
0x92: {  	v14 =	vld [tilespmem:s29+$0x20];
	v61 =	vmul.f32 v36, v36;
	v26 =	vadd.f32 v26, v32;
	v32 =	vmul.f32 v24, v24  }
0x93: {  	v41 =	vmovc v21;
	v21 =	vmov v63;
	v33 =	vld [tilespmem:s29+$0xFFFFFF70];
	v57 =	vadd.f32 v57, v60;
	v63 =	vadd.f32 v31, v29  }
0x94: {  	v31 =	vld [tilespmem:s29+$0xFFFFFFF0];
	v60 =	vadd.f32 v61, v26;
	v26 =	vmul.f32 v15, v15;
	v61 =	vadd.f32 v32, v30  }
0x95: {  	v32 =	vld [tilespmem:s29+$0xFFFFFFB0];
	v1 =	vmul.f32 v13, v13;
	v29 =	vshrl.u32 v57, $0x1;
	v57 =	vmul.f32 $5.000000000e-01, v57  }
0x96: {  	v30 =	vld [tilespmem:s29+$0x30];
	v29 =	vsub.s32 $0x5F3759DF, v29;
	v3 =	vadd.f32 v26, v56;
	v26 =	vmul.f32 v12, v12  }
0x97: {  	v0 =	vmul.f32 v14, v14;
	v56 =	vld [tilespmem:s29+$0x70];
	v4 =	vadd.f32 v1, v59;
	v57 =	vmul.f32 v29, v57  }
0x98: {  	v7 =	vld [tilespmem:s29+$0xB0];
	v59 =	vmul.f32 v38, v38;
	v26 =	vadd.f32 v26, v62;
	v62 =	vmul.f32 v33, v33  }
0x99: {  	v58 =	vadd.f32 v0, v58;
	v2 =	vmul.f32 v31, v31;
	v57 =	vmul.f32 v29, v57  }
0x9a: {  	v59 =	vadd.f32 v59, v60;
	v1 =	vmul.f32 v32, v32;
	v61 =	vadd.f32 v62, v61  }
0x9b: {  	v60 =	vmul.f32 v30, v30;
	v2 =	vadd.f32 v2, v3;
	v57 =	vsub.f32 $1.500000000e+00, v57  }
0x9c: {  	v62 =	vmul.f32 v56, v56;
	v1 =	vadd.f32 v1, v63;
	v63 =	vperm.xlane v59, v51  }
0x9d: {  	v58 =	vadd.f32 v60, v58;
	v29 =	vmul.f32 v29, v57;
	v57 =	vmul.f32 v7, v7  }
0x9e: {  	v60 =	vperm.xlane v1, v51;
	v4 =	vadd.f32 v62, v4;
	v59 =	vadd.f32 v59, v63  }
0x9f: {  	v62 =	vperm.xlane v2, v51;
	v3 =	vmin.f32 v29, $9.999999950e+11;
	v29 =	vperm.xlane v61, v51  }
0xa0: {  	v1 =	vadd.f32 v1, v60;
	v60 =	vperm.xlane v59, v52;
	v55 =	vmul.f32 v3, v55  }
0xa1: {  	v54 =	vmul.f32 v3, v54;
	v53 =	vmul.f32 v3, v53  }
0xa2: {  	v2 =	vadd.f32 v2, v62;
	v3 =	vmul.f32 v3, v39;
	v39 =	vperm.xlane v4, v51  }
0xa3: {  	v26 =	vadd.f32 v57, v26;
	v57 =	vperm.xlane v58, v51;
	v29 =	vadd.f32 v61, v29  }
0xa4: {  	v4 =	vadd.f32 v4, v39;
	v39 =	vadd.f32 v59, v60;
	v60 =	vperm.xlane v2, v52  }
0xa5: {  	v57 =	vadd.f32 v58, v57;
	v59 =	vperm.xlane v1, v52;
	v58 =	vperm.xlane v29, v52  }
0xa6: {  	v61 =	vperm.xlane v4, v52;
	v2 =	vadd.f32 v2, v60;
	v60 =	vperm.xlane v39, v16  }
0xa7: {  	v1 =	vadd.f32 v1, v59;
	v29 =	vadd.f32 v29, v58;
	v58 =	vperm.xlane v57, v52  }
0xa8: {  	v63 =	vperm.xlane v26, v51;
	v4 =	vadd.f32 v4, v61;
	v39 =	vadd.f32 v39, v60  }
0xa9: {  	v61 =	vperm.xlane v1, v16;
	v57 =	vadd.f32 v57, v58;
	v58 =	vperm.xlane v29, v16  }
0xaa: {  	v26 =	vadd.f32 v26, v63;
	v63 =	vperm.xlane v39, v17  }
0xab: {  	s26 =	simm.s32 $0x7;
	v1 =	vadd.f32 v1, v61;
	v29 =	vadd.f32 v29, v58;
	v58 =	vperm.xlane v4, v16  }
0xac: {  	v0 =	vmov s26;
	v59 =	vperm.xlane v26, v52  }
0xad: {  	v39 =	vadd.f32 v39, v63;
	v4 =	vadd.f32 v4, v58;
	v58 =	vperm.xlane v1, v17  }
0xae: {  	v26 =	vadd.f32 v26, v59;
	v59 =	vperm.xlane v2, v16;
	v60 =	vperm.xlane v57, v16  }
0xaf: {  	v1 =	vadd.f32 v1, v58;
	v58 =	vshrl.u32 v39, $0x1;
	v39 =	vmul.f32 $5.000000000e-01, v39  }
0xb0: {  	v2 =	vadd.f32 v2, v59;
	v59 =	vperm.xlane v29, v17;
	v58 =	vsub.s32 $0x5F3759DF, v58  }
0xb1: {  	v0 =	vshrl.u32 v0, $0x3;
	v62 =	vperm.xlane v26, v16;
	v39 =	vmul.f32 v58, v39  }
0xb2: {  	v16 =	vld [tilespmem:$0x1FF60];
	v57 =	vadd.f32 v57, v60;
	v60 =	vperm.xlane v2, v17;
	v29 =	vadd.f32 v29, v59  }
0xb3: {  	v0 =	vshll.u32 v0, v50;
	v39 =	vmul.f32 v58, v39  }
0xb4: {  	v2 =	vadd.f32 v2, v60;
	v60 =	vshrl.u32 v29, $0x1;
	v29 =	vmul.f32 $5.000000000e-01, v29  }
0xb5: {  	v0 =	vbroadcast v0, $0x0;
	v60 =	vsub.s32 $0x5F3759DF, v60;
	v39 =	vsub.f32 $1.500000000e+00, v39  }
0xb6: {  	v29 =	vmul.f32 v60, v29  }
0xb7: {  	v39 =	vmul.f32 v58, v39;
	v58 =	vadd.s32 v16, v0;
	v16 =	vld [tilespmem:$0x1FF70]  }
0xb8: {  	v29 =	vmul.f32 v60, v29  }
0xb9: {  	v26 =	vadd.f32 v26, v62;
	v62 =	vshrl.u32 v1, $0x1;
	v1 =	vmul.f32 $5.000000000e-01, v1  }
0xba: {  	v62 =	vsub.s32 $0x5F3759DF, v62;
	v29 =	vsub.f32 $1.500000000e+00, v29  }
0xbb: {  	v1 =	vmul.f32 v62, v1  }
0xbc: {  	v29 =	vmul.f32 v60, v29;
	v60 =	vadd.s32 v16, v0;
	v16 =	vld [tilespmem:$0x1FF80]  }
0xbd: {  	v1 =	vmul.f32 v62, v1;
	_ =	sdelay $0x1  }
0xbe: {  	v1 =	vsub.f32 $1.500000000e+00, v1;
	_ =	sdelay $0x1  }
0xbf: {  	v1 =	vmul.f32 v62, v1;
	v62 =	vadd.s32 v16, v0;
	v16 =	vld [tilespmem:$0x1FF90];
	_ =	sdelay $0x4  }
0xc0: {  	v0 =	vadd.s32 v16, v0;
	_ =	sdelay $0x1  }
0xc1: {  	[tilespmem:v58+s16+$0x0] =	vst.idx.msk $0xffff, v55  }
0xc2: {  	[tilespmem:v60+s16+$0x0] =	vst.idx.msk $0xffff, v54  }
0xc3: {  	[tilespmem:v62+s16+$0x0] =	vst.idx.msk $0xffff, v53  }
0xc4: {  	[tilespmem:v0+s16+$0x0] =	vst.idx.msk $0xffff, v3  }
0xc5: {  	v16 =	vld [tilespmem:$0x1FC80];
	_ =	sdelay $0x1  }
0xc6: {  	v61 =	vperm.xlane v57, v17;
	v63 =	vshrl.u32 v2, $0x1;
	v2 =	vmul.f32 $5.000000000e-01, v2  }
0xc7: {  	v63 =	vsub.s32 $0x5F3759DF, v63  }
0xc8: {  	v57 =	vadd.f32 v57, v61;
	v61 =	vadd.s32 v20, v35;
	v2 =	vmul.f32 v63, v2  }
0xc9: {  	v39 =	vmin.f32 v39, $9.999999950e+11  }
0xca: {  	v2 =	vmul.f32 v63, v2;
	v37 =	vmul.f32 v39, v37  }
0xcb: {  	v19 =	vmul.f32 v39, v19  }
0xcc: {  	v2 =	vsub.f32 $1.500000000e+00, v2;
	[tilespmem:v16+s16+$0x0] =	vst.idx.msk $0xffff, v37  }
0xcd: {  	[tilespmem:v61+s16+$0x0] =	vst.idx.msk $0xffff, v19  }
0xce: {  	v2 =	vmul.f32 v63, v2;
	v63 =	vperm.xlane v26, v17;
	v16 =	vld [tilespmem:$0x1FC90]  }
0xcf: {  	v59 =	vperm.xlane v4, v17  }
0xd0: {  	v26 =	vadd.f32 v26, v63  }
0xd1: {  	v4 =	vadd.f32 v4, v59;
	v59 =	vadd.s32 v21, v35  }
0xd2: {  	v35 =	vadd.s32 v40, v35;
	v0 =	vshrl.u32 v26, $0x1;
	v3 =	vmul.f32 $5.000000000e-01, v26  }
0xd3: {  	v36 =	vmul.f32 v39, v36;
	v0 =	vsub.s32 $0x5F3759DF, v0;
	v19 =	vshrl.u32 v16, $0x3;
	v16 =	vld [tilespmem:$0x1FCA0]  }
0xd4: {  	v38 =	vmul.f32 v39, v38;
	v39 =	vadd.s32 v41, v23;
	v3 =	vmul.f32 v0, v3  }
0xd5: {  	v62 =	vshrl.u32 v4, $0x1;
	v4 =	vmul.f32 $5.000000000e-01, v4  }
0xd6: {  	v29 =	vmin.f32 v29, $9.999999950e+11;
	v26 =	vsub.s32 $0x5F3759DF, v62;
	v3 =	vmul.f32 v0, v3  }
0xd7: {  	v11 =	vmul.f32 v29, v11;
	v4 =	vmul.f32 v26, v4;
	[tilespmem:v59+s16+$0x0] =	vst.idx.msk $0xffff, v36  }
0xd8: {  	v3 =	vsub.f32 $1.500000000e+00, v3;
	v41 =	vbroadcast v16, $0x0;
	v16 =	vld [tilespmem:$0x1FCB0];
	[tilespmem:v35+s16+$0x0] =	vst.idx.msk $0xffff, v38  }
0xd9: {  	v4 =	vmul.f32 v26, v4;
	[tilespmem:v39+s16+$0x0] =	vst.idx.msk $0xffff, v11  }
0xda: {  	v0 =	vmul.f32 v0, v3;
	v3 =	vld [tilespmem:$0x1FE10]  }
0xdb: {  	v4 =	vsub.f32 $1.500000000e+00, v4  }
0xdc: {  	v63 =	vmul.f32 $5.000000000e-01, v57;
	v58 =	vshrl.u32 v57, $0x1;
	v59 =	vadd.s32 v42, v23  }
0xdd: {  	v60 =	vsub.s32 $0x5F3759DF, v58;
	v4 =	vmul.f32 v26, v4;
	v26 =	vadd.s32 v46, v23  }
0xde: {  	v55 =	vmul.f32 v60, v63;
	v23 =	vadd.s32 v44, v23  }
0xdf: {  	v10 =	vmul.f32 v29, v10;
	v57 =	vshll.u32 v16, v50;
	v16 =	vld [tilespmem:$0x1FE20];
	v3 =	vadd.s32 v3, v41  }
0xe0: {  	v24 =	vmul.f32 v29, v24;
	v40 =	vmul.f32 v60, v55  }
0xe1: {  	v1 =	vmin.f32 v1, $9.999999950e+11;
	v29 =	vmul.f32 v29, v33;
	[tilespmem:v59+s16+$0x0] =	vst.idx.msk $0xffff, v10  }
0xe2: {  	v5 =	vmul.f32 v1, v5;
	v55 =	vsub.f32 $1.500000000e+00, v40;
	[tilespmem:v26+s16+$0x0] =	vst.idx.msk $0xffff, v24  }
0xe3: {  	[tilespmem:v23+s16+$0x0] =	vst.idx.msk $0xffff, v29  }
0xe4: {  	v58 =	vmul.f32 v60, v55;
	v60 =	vadd.s32 v16, v41;
	v16 =	vld [tilespmem:$0x1FE80];
	[tilespmem:v3+s16+$0x0] =	vst.idx.msk $0xffff, v5  }
0xe5: {  	v3 =	vld [tilespmem:$0x1FE90];
	_ =	sdelay $0x1  }
0xe6: {  	v2 =	vmin.f32 v2, $9.999999950e+11  }
0xe7: {  	v6 =	vmul.f32 v1, v6;
	v11 =	vshll.u32 v19, v50;
	v19 =	vbroadcast v57, $0x0  }
0xe8: {  	v22 =	vmul.f32 v1, v22;
	v1 =	vmul.f32 v1, v32;
	v23 =	vmin.f32 v58, $9.999999950e+11  }
0xe9: {  	v15 =	vmul.f32 v2, v15;
	v5 =	vmul.f32 v23, v30;
	v30 =	vadd.s32 v3, v19;
	v3 =	vld [tilespmem:$0x1FEA0]  }
0xea: {  	v62 =	vmul.f32 v2, v34;
	v4 =	vmin.f32 v4, $9.999999950e+11;
	v10 =	vadd.s32 v47, v41  }
0xeb: {  	v26 =	vmul.f32 v2, v18;
	v2 =	vmul.f32 v2, v31;
	v24 =	vadd.s32 v45, v19  }
0xec: {  	v61 =	vadd.s32 v48, v41;
	v31 =	vmul.f32 v23, v43;
	v63 =	vmul.f32 v23, v25  }
0xed: {  	v35 =	vmul.f32 v23, v14;
	v25 =	vmul.f32 v4, v8;
	v29 =	vadd.s32 v16, v19  }
0xee: {  	v23 =	vmul.f32 v4, v13;
	[tilespmem:v60+s16+$0x0] =	vst.idx.msk $0xffff, v6;
	v37 =	vadd.s32 v3, v19  }
0xef: {  	v3 =	vmul.f32 v4, v28;
	v19 =	vmul.f32 v4, v56;
	v4 =	vld [tilespmem:$0x1FEB0];
	[tilespmem:v10+s16+$0x0] =	vst.idx.msk $0xffff, v22  }
0xf0: {  	[tilespmem:v24+s16+$0x0] =	vst.idx.msk $0xffff, v26  }
0xf1: {  	s29 =	simm.s32 $0x5;
	v0 =	vmin.f32 v0, $9.999999950e+11;
	[tilespmem:v61+s16+$0x0] =	vst.idx.msk $0xffff, v1  }
0xf2: {  	v8 =	vmov s29;
	v10 =	vmul.f32 v0, v7;
	v7 =	vld [tilespmem:$0x1FEC0];
	[tilespmem:v29+s16+$0x0] =	vst.idx.msk $0xffff, v62  }
0xf3: {  	v1 =	vshrl.u32 v8, $0x3;
	v8 =	vld [tilespmem:$0x1FDC0];
	_ =	sdelay $0x1  }
0xf4: {  	s24 =	simm.s32 $0x8;
	v11 =	vbroadcast v11, $0x0;
	v14 =	vmul.f32 v0, v9  }
0xf5: {  	v9 =	vmul.f32 v0, v12;
	v6 =	vmul.f32 v0, v27;
	v0 =	vmov s24  }
0xf6: {  	v0 =	vshrl.u32 v0, $0x3;
	[tilespmem:v30+s16+$0x0] =	vst.idx.msk $0xffff, v15  }
0xf7: {  	v4 =	vadd.s32 v4, v11;
	v22 =	vadd.s32 v8, v11;
	v8 =	vshll.u32 v0, v50;
	v0 =	vld [tilespmem:$0x1FED0]  }
0xf8: {  	v7 =	vadd.s32 v7, v11;
	_ =	sdelay $0x1  }
0xf9: {  	s30 =	simm.s32 $0x6  }
0xfa: {  	v12 =	vmov s30;
	[tilespmem:v37+s16+$0x0] =	vst.idx.msk $0xffff, v2  }
0xfb: {  	v2 =	vld [tilespmem:$0x1FEE0];
	[tilespmem:v4+s16+$0x0] =	vst.idx.msk $0xffff, v31;
	v26 =	vadd.s32 v0, v11;
	v0 =	vshrl.u32 v12, $0x3  }
0xfc: {  	v4 =	vld [tilespmem:$0x1FEF0];
	[tilespmem:v7+s16+$0x0] =	vst.idx.msk $0xffff, v63;
	v0 =	vshll.u32 v0, v50  }
0xfd: {  	v12 =	vbroadcast v0, $0x0;
	v0 =	vld [tilespmem:$0x1FF00];
	_ =	sdelay $0x1  }
0xfe: {  	v1 =	vshll.u32 v1, v50  }
0xff: {  	v1 =	vbroadcast v1, $0x0  }
0x100: {  	[tilespmem:v22+s16+$0x0] =	vst.idx.msk $0xffff, v35  }
0x101: {  	v28 =	vadd.s32 v0, v1;
	v0 =	vld [tilespmem:$0x1FF10];
	_ =	sdelay $0x4  }
0x102: {  	s25 =	simm.s32 $0x6800;
	v22 =	vadd.s32 v0, v1;
	v0 =	vld [tilespmem:$0x1FF20]  }
0x103: {  	v54 =	vld [tilespmem:s25+$0xFFFFFF10]  }
0x104: {  	s31 =	simm.s32 $0x9;
	v55 =	vld [tilespmem:s25+$0xC0]  }
0x105: {  	v57 =	vld [tilespmem:s25+$0xE0];
	v11 =	vmov s31  }
0x106: {  	v56 =	vld [tilespmem:s25+$0xD0];
	v13 =	vadd.s32 v2, v1;
	v2 =	vshrl.u32 v11, $0x3  }
0x107: {  	s28 =	simm.s32 $0xA;
	s23 =	sshll.u32 s22, $0x1;
	s26 =	simm.s32 $0x10;
	v53 =	vmovc v17;
	v31 =	vld [tilespmem:s25+$0xFFFFFF40];
	v11 =	vshll.u32 v2, v50;
	v29 =	vadd.s32 v4, v1;
	v63 =	vadd.s32 v0, v12  }
.LBB2_3:
0x108: {  	_ =	sdelay $0x2  }
0x109: {  	v38 =	vld [tilespmem:s25+$0xF0]  }
0x10a: {  	[tilespmem:v26+s16+$0x0] =	vst.idx.msk $0xffff, v5;
	v1 =	vld [tilespmem:$0x1FF30];
	v5 =	vmul.f32 v55, v55;
	v7 =	vmul.f32 v56, v56;
	_ =	sdelay $0x1  }
0x10b: {  	v5 =	vadd.f32 v7, v5;
	v7 =	vmul.f32 v57, v57  }
0x10c: {  	v2 =	vld [tilespmem:$0x1FF40]  }
0x10d: {  	v0 =	vmov s28;
	s28 =	sadd.s32 $0x3, s24;
	v15 =	vld [tilespmem:$0x1FF50];
	v5 =	vadd.f32 v7, v5;
	v7 =	vmul.f32 v38, v38  }
0x10e: {  	v58 =	vld [tilespmem:s25+$0xFFFFFF50];
	[tilespmem:v63+s16+$0x0] =	vst.idx.msk $0xffff, v14;
	v4 =	vmov s28;
	s28 =	sadd.s32 $0x4, s24;
	v1 =	vadd.s32 v1, v12  }
0x10f: {  	v59 =	vld [tilespmem:s25+$0xFFFFFF80];
	[tilespmem:v13+s16+$0x0] =	vst.idx.msk $0xffff, v3;
	v3 =	vmov s28;
	v5 =	vadd.f32 v7, v5  }
0x110: {  	v60 =	vld [tilespmem:s25+$0xFFFFFF90];
	[tilespmem:v29+s16+$0x0] =	vst.idx.msk $0xffff, v25;
	v3 =	vshrl.u32 v3, $0x3  }
0x111: {  	v61 =	vld [tilespmem:s25+$0xFFFFFFC0];
	v39 =	vshll.u32 v3, v50;
	v2 =	vadd.s32 v2, v12;
	v3 =	vperm.xlane v5, v51  }
0x112: {  	v62 =	vld [tilespmem:s25+$0xFFFFFFD0];
	[tilespmem:v28+s16+$0x0] =	vst.idx.msk $0xffff, v23;
	v12 =	vadd.s32 v15, v12  }
0x113: {  	[tilespmem:v1+s16+$0x0] =	vst.idx.msk $0xffff, v6;
	v6 =	vadd.f32 v5, v3;
	v3 =	vld [tilespmem:$0x1FFF0]  }
0x114: {  	v0 =	vshrl.u32 v0, $0x3;
	v63 =	vld [tilespmem:s25+$0x0];
	[tilespmem:$0x1FC50] =	vst v31  }
0x115: {  	v14 =	vbroadcast v8, $0x0;
	v8 =	vld [tilespmem:s25+$0x10];
	v0 =	vshll.u32 v0, v50;
	[tilespmem:v22+s16+$0x0] =	vst.idx.msk $0xffff, v19;
	v15 =	vmul.f32 v31, v31  }
0x116: {  	v4 =	vshrl.u32 v4, $0x3;
	v1 =	vmul.f32 v59, v59;
	[tilespmem:v2+s16+$0x0] =	vst.idx.msk $0xffff, v9;
	v2 =	vmul.f32 v60, v60;
	v9 =	vld [tilespmem:s25+$0x40]  }
0x117: {  	v4 =	vshll.u32 v4, v50;
	v31 =	vbroadcast v0, $0x0;
	v0 =	vmul.f32 v61, v61;
	[tilespmem:v12+s16+$0x0] =	vst.idx.msk $0xffff, v10;
	v12 =	vld [tilespmem:s25+$0x50]  }
0x118: {  	v29 =	vadd.f32 v2, v1;
	v2 =	vmul.f32 v62, v62;
	v3 =	vadd.s32 v3, v14  }
0x119: {  	v34 =	vbroadcast v4, $0x0;
	v19 =	vmul.f32 v58, v58;
	[tilespmem:$0x1FC60] =	vst v3;
	v3 =	vld [tilespmem:$0x1FDD0]  }
0x11a: {  	v4 =	vmul.f32 v63, v63;
	v30 =	vadd.f32 v2, v0;
	v0 =	vmul.f32 v8, v8  }
0x11b: {  	v24 =	vbroadcast v11, $0x0;
	v26 =	vld [tilespmem:s25+$0xFFFFFF20];
	v28 =	vadd.f32 v19, v15  }
0x11c: {  	v37 =	vld [tilespmem:s25+$0xFFFFFF30];
	v19 =	vmul.f32 v9, v9;
	v40 =	vadd.f32 v0, v4;
	v0 =	vmul.f32 v12, v12  }
0x11d: {  	v16 =	vld [tilespmem:$0x1FE30]  }
0x11e: {  	v41 =	vadd.f32 v0, v19;
	v0 =	vld [tilespmem:$0x1FDF0];
	v3 =	vadd.s32 v3, v24  }
0x11f: {  	[tilespmem:$0x1FC70] =	vst v3;
	v3 =	vld [tilespmem:$0x1FDE0]  }
0x120: {  	v18 =	vld [tilespmem:$0x1FE70]  }
0x121: {  	v25 =	vld [tilespmem:s25+$0xFFFFFF00]  }
0x122: {  	v23 =	vld [tilespmem:s25+$0xFFFFFF60]  }
0x123: {  	v1 =	vld [tilespmem:$0x1FFC0]  }
0x124: {  	v7 =	vperm.xlane v6, v52;
	v5 =	vadd.s32 v3, v24;
	v3 =	vadd.s32 v0, v24;
	v0 =	vld [tilespmem:$0x1FFA0]  }
0x125: {  	v2 =	vld [tilespmem:$0x1FFE0]  }
0x126: {  	v32 =	vadd.f32 v6, v7;
	v6 =	vld [tilespmem:$0x1FE00]  }
0x127: {  	v10 =	vld [tilespmem:s25+$0x80]  }
0x128: {  	v11 =	vld [tilespmem:s25+$0x90]  }
0x129: {  	v13 =	vmul.f32 v54, v54;
	v22 =	vld [tilespmem:s25+$0xFFFFFFA0];
	v15 =	vadd.s32 v49, v14;
	v36 =	vperm.xlane v32, v0  }
0x12a: {  	v35 =	vmul.f32 v25, v25;
	v1 =	vadd.s32 v1, v14;
	v2 =	vadd.s32 v2, v14;
	v14 =	vld [tilespmem:s25+$0x60]  }
0x12b: {  	v42 =	vmul.f32 v26, v26;
	v19 =	vadd.s32 v6, v24;
	v6 =	vld [tilespmem:$0x1FE10];
	v32 =	vadd.f32 v32, v36  }
0x12c: {  	v50 =	vmul.f32 v23, v23;
	v48 =	vadd.f32 v13, v35;
	v4 =	vld [tilespmem:s25+$0x20];
	v27 =	vmul.f32 v10, v10  }
0x12d: {  	v7 =	vld [tilespmem:s25+$0xFFFFFFE0];
	v33 =	vmul.f32 v11, v11;
	v46 =	vperm.xlane v32, v53  }
0x12e: {  	v44 =	vmul.f32 v22, v22;
	v35 =	vld [tilespmem:s25+$0xFFFFFFB0];
	v47 =	vadd.f32 v50, v28;
	v42 =	vadd.f32 v42, v48  }
0x12f: {  	v28 =	vadd.s32 v16, v31;
	v43 =	vadd.f32 v33, v27;
	v33 =	vld [tilespmem:s25+$0xFFFFFFF0];
	v46 =	vadd.f32 v32, v46  }
0x130: {  	v44 =	vadd.f32 v44, v29;
	v48 =	vmul.f32 v14, v14;
	v27 =	vadd.s32 v6, v31;
	v6 =	vld [tilespmem:$0x1FE20]  }
0x131: {  	v16 =	vld [tilespmem:$0x1FE40];
	v29 =	vmul.f32 v4, v4;
	v52 =	vshrl.u32 v46, $0x1;
	v46 =	vmul.f32 $5.000000000e-01, v46  }
0x132: {  	v13 =	vld [tilespmem:s25+$0xA0];
	v45 =	vmul.f32 v7, v7;
	v41 =	vadd.f32 v48, v41;
	v48 =	vsub.s32 $0x5F3759DF, v52  }
0x133: {  	v50 =	vmul.f32 v37, v37;
	v40 =	vadd.f32 v29, v40;
	v29 =	vld [tilespmem:s25+$0xB0];
	v46 =	vmul.f32 v48, v46  }
0x134: {  	v45 =	vadd.f32 v45, v30;
	v30 =	vld [tilespmem:s25+$0x70];
	v52 =	vmul.f32 v33, v33  }
0x135: {  	s28 =	sadd.s32 $0x7, s24;
	v42 =	vadd.f32 v50, v42;
	v6 =	vadd.s32 v6, v31;
	v32 =	vld [tilespmem:s25+$0x30];
	v46 =	vmul.f32 v48, v46  }
0x136: {  	v31 =	vadd.s32 v16, v31;
	v16 =	vmov s28;
	v45 =	vadd.f32 v52, v45;
	v52 =	vld [tilespmem:$0x1FF60]  }
0x137: {  	v24 =	vmovc v49;
	v49 =	vmul.f32 v13, v13;
	v16 =	vshrl.u32 v16, $0x3;
	v46 =	vsub.f32 $1.500000000e+00, v46  }
0x138: {  	v21 =	vmovc v51;
	v51 =	vmul.f32 v35, v35;
	v16 =	vshll.u32 v16, v18;
	v18 =	vmul.f32 v29, v29  }
0x139: {  	v43 =	vadd.f32 v49, v43;
	v16 =	vbroadcast v16, $0x0;
	v46 =	vmul.f32 v48, v46  }
0x13a: {  	v44 =	vadd.f32 v51, v44;
	v51 =	vld [tilespmem:$0x1FF70];
	v50 =	vmul.f32 v30, v30;
	v17 =	vmul.f32 v32, v32  }
0x13b: {  	v18 =	vadd.f32 v18, v43;
	v48 =	vadd.s32 v52, v16;
	v52 =	vld [tilespmem:$0x1FF80];
	v43 =	vmin.f32 v46, $9.999999950e+11  }
0x13c: {  	v17 =	vadd.f32 v17, v40;
	v40 =	vadd.f32 v50, v41;
	v50 =	vmul.f32 v43, v55;
	v55 =	vld [tilespmem:$0x1FF90]  }
0x13d: {  	v36 =	vld [tilespmem:s25+$0xFFFFFF70];
	_ =	sdelay $0x1  }
0x13e: {  	v41 =	vadd.s32 v51, v16  }
0x13f: {  	v46 =	vadd.s32 v52, v16  }
0x140: {  	v16 =	vadd.s32 v55, v16  }
0x141: {  	v49 =	vmul.f32 v36, v36;
	v55 =	vmul.f32 v43, v56  }
0x142: {  	v52 =	vperm.xlane v45, v21;
	[tilespmem:v48+s16+$0x0] =	vst.idx.msk $0xffff, v50;
	v56 =	vmul.f32 v43, v57  }
0x143: {  	v20 =	vperm.xlane v42, v21;
	v38 =	vmul.f32 v43, v38;
	[tilespmem:v41+s16+$0x0] =	vst.idx.msk $0xffff, v55  }
0x144: {  	v47 =	vadd.f32 v49, v47;
	v57 =	vadd.f32 v45, v52;
	v52 =	vld [tilespmem:$0x1FE60];
	[tilespmem:v46+s16+$0x0] =	vst.idx.msk $0xffff, v56  }
0x145: {  	v50 =	vperm.xlane v17, v21;
	[tilespmem:v16+s16+$0x0] =	vst.idx.msk $0xffff, v38;
	v16 =	vld [tilespmem:$0x1FE60]  }
0x146: {  	v20 =	vadd.f32 v42, v20;
	v42 =	vperm.xlane v44, v21;
	v49 =	vperm.xlane v47, v21  }
0x147: {  	v17 =	vadd.f32 v17, v50;
	v41 =	vperm.xlane v40, v21  }
0x148: {  	v42 =	vadd.f32 v44, v42;
	v43 =	vperm.xlane v18, v21;
	v46 =	vadd.f32 v47, v49  }
0x149: {  	v56 =	vbroadcast v39, $0x0;
	v40 =	vadd.f32 v40, v41;
	v50 =	vperm.xlane v17, v52  }
0x14a: {  	v18 =	vadd.f32 v18, v43;
	v49 =	vperm.xlane v57, v52;
	v16 =	vperm.xlane v20, v16  }
0x14b: {  	v48 =	vperm.xlane v46, v52;
	v55 =	vperm.xlane v40, v52;
	v17 =	vadd.f32 v17, v50  }
0x14c: {  	v38 =	vadd.f32 v57, v49;
	v57 =	vperm.xlane v18, v52;
	v16 =	vadd.f32 v20, v16  }
0x14d: {  	v39 =	vadd.f32 v46, v48;
	v40 =	vadd.f32 v40, v55;
	v55 =	vperm.xlane v17, v0  }
0x14e: {  	v18 =	vadd.f32 v18, v57;
	v20 =	vperm.xlane v42, v52;
	v48 =	vperm.xlane v16, v0  }
0x14f: {  	v49 =	vperm.xlane v39, v0;
	v17 =	vadd.f32 v17, v55  }
0x150: {  	v20 =	vadd.f32 v42, v20;
	v16 =	vadd.f32 v16, v48;
	v48 =	vperm.xlane v18, v0  }
0x151: {  	v50 =	vperm.xlane v38, v0;
	v57 =	vperm.xlane v40, v0  }
0x152: {  	v44 =	vperm.xlane v20, v0;
	v0 =	vld [tilespmem:$0x1FE50];
	v18 =	vadd.f32 v18, v48;
	v48 =	vperm.xlane v17, v53;
	_ =	sdelay $0x1  }
0x153: {  	v17 =	vadd.f32 v17, v48  }
0x154: {  	v20 =	vadd.f32 v20, v44  }
0x155: {  	v48 =	vshrl.u32 v17, $0x1  }
0x156: {  	v55 =	vperm.xlane v20, v53;
	v45 =	vsub.s32 $0x5F3759DF, v48;
	v48 =	vadd.s32 v0, v34;
	v0 =	vld [tilespmem:$0x1FE80];
	_ =	sdelay $0x1  }
0x157: {  	v20 =	vadd.f32 v20, v55  }
0x158: {  	v38 =	vadd.f32 v38, v50  }
0x159: {  	v39 =	vadd.f32 v39, v49;
	v40 =	vadd.f32 v40, v57;
	v55 =	vshrl.u32 v20, $0x1  }
0x15a: {  	v57 =	vperm.xlane v38, v53;
	v43 =	vsub.s32 $0x5F3759DF, v55;
	v55 =	vadd.s32 v0, v34;
	v0 =	vld [tilespmem:$0x1FE90]  }
0x15b: {  	v50 =	vperm.xlane v39, v53  }
0x15c: {  	v38 =	vadd.f32 v38, v57;
	v49 =	vperm.xlane v16, v53  }
0x15d: {  	v39 =	vadd.f32 v39, v50;
	v50 =	vperm.xlane v18, v53  }
0x15e: {  	v57 =	vshrl.u32 v38, $0x1;
	v16 =	vadd.f32 v16, v49  }
0x15f: {  	v44 =	vsub.s32 $0x5F3759DF, v57;
	v18 =	vadd.f32 v18, v50;
	v57 =	vadd.s32 v0, v34;
	v0 =	vld [tilespmem:$0x1FEA0]  }
0x160: {  	v41 =	vshrl.u32 v39, $0x1;
	v42 =	vshrl.u32 v16, $0x1  }
0x161: {  	v16 =	vmul.f32 $5.000000000e-01, v16;
	v50 =	vshrl.u32 v18, $0x1;
	v18 =	vmul.f32 $5.000000000e-01, v18  }
0x162: {  	v39 =	vmul.f32 $5.000000000e-01, v39;
	v42 =	vsub.s32 $0x5F3759DF, v42;
	v47 =	vsub.s32 $0x5F3759DF, v50  }
0x163: {  	v41 =	vsub.s32 $0x5F3759DF, v41;
	v16 =	vmul.f32 v42, v16;
	v18 =	vmul.f32 v47, v18  }
0x164: {  	v39 =	vmul.f32 v41, v39;
	v34 =	vadd.s32 v0, v34;
	v0 =	vld [tilespmem:$0x1FEB0]  }
0x165: {  	v16 =	vmul.f32 v42, v16;
	v18 =	vmul.f32 v47, v18  }
0x166: {  	v49 =	vperm.xlane v40, v53;
	v39 =	vmul.f32 v41, v39  }
0x167: {  	v16 =	vsub.f32 $1.500000000e+00, v16;
	v18 =	vsub.f32 $1.500000000e+00, v18  }
0x168: {  	v40 =	vadd.f32 v40, v49;
	v39 =	vsub.f32 $1.500000000e+00, v39  }
0x169: {  	v16 =	vmul.f32 v42, v16;
	v18 =	vmul.f32 v47, v18;
	v47 =	vadd.s32 v0, v56;
	v0 =	vld [tilespmem:$0x1FC50]  }
0x16a: {  	v49 =	vshrl.u32 v40, $0x1;
	v40 =	vmul.f32 $5.000000000e-01, v40  }
0x16b: {  	v46 =	vsub.s32 $0x5F3759DF, v49;
	v39 =	vmul.f32 v41, v39;
	v16 =	vmin.f32 v16, $9.999999950e+11  }
0x16c: {  	v40 =	vmul.f32 v46, v40;
	v25 =	vmul.f32 v16, v25  }
0x16d: {  	v20 =	vmul.f32 $5.000000000e-01, v20;
	v39 =	vmin.f32 v39, $9.999999950e+11  }
0x16e: {  	v40 =	vmul.f32 v46, v40;
	[tilespmem:v15+s16+$0x0] =	vst.idx.msk $0xffff, v25;
	v15 =	vmul.f32 v39, v0;
	v0 =	vld [tilespmem:$0x1FC60]  }
0x16f: {  	v20 =	vmul.f32 v43, v20  }
0x170: {  	v40 =	vsub.f32 $1.500000000e+00, v40  }
0x171: {  	v20 =	vmul.f32 v43, v20  }
0x172: {  	v40 =	vmul.f32 v46, v40;
	v46 =	vmul.f32 v16, v54  }
0x173: {  	v38 =	vmul.f32 $5.000000000e-01, v38;
	v20 =	vsub.f32 $1.500000000e+00, v20;
	v26 =	vmul.f32 v16, v26  }
0x174: {  	v16 =	vmul.f32 v16, v37;
	[tilespmem:v1+s16+$0x0] =	vst.idx.msk $0xffff, v46  }
0x175: {  	v38 =	vmul.f32 v44, v38;
	v20 =	vmul.f32 v43, v20;
	[tilespmem:v2+s16+$0x0] =	vst.idx.msk $0xffff, v26  }
0x176: {  	v17 =	vmul.f32 $5.000000000e-01, v17;
	[tilespmem:v0+s16+$0x0] =	vst.idx.msk $0xffff, v16;
	v0 =	vld [tilespmem:$0x1FC70]  }
0x177: {  	v38 =	vmul.f32 v44, v38;
	v20 =	vmin.f32 v20, $9.999999950e+11  }
0x178: {  	v17 =	vmul.f32 v45, v17;
	v2 =	vmul.f32 v20, v59  }
0x179: {  	v38 =	vsub.f32 $1.500000000e+00, v38;
	v26 =	vmul.f32 v20, v60  }
0x17a: {  	v17 =	vmul.f32 v45, v17;
	v18 =	vmin.f32 v18, $9.999999950e+11;
	[tilespmem:v27+s16+$0x0] =	vst.idx.msk $0xffff, v2  }
0x17b: {  	v38 =	vmul.f32 v44, v38;
	[tilespmem:v6+s16+$0x0] =	vst.idx.msk $0xffff, v26;
	v6 =	vmul.f32 v18, v11;
	v11 =	vld [tilespmem:$0x1FEC0]  }
0x17c: {  	v17 =	vsub.f32 $1.500000000e+00, v17  }
0x17d: {  	v38 =	vmin.f32 v38, $9.999999950e+11  }
0x17e: {  	v17 =	vmul.f32 v45, v17;
	[tilespmem:v0+s16+$0x0] =	vst.idx.msk $0xffff, v15;
	v15 =	vmul.f32 v38, v61  }
0x17f: {  	v25 =	vmul.f32 v39, v58  }
0x180: {  	v17 =	vmin.f32 v17, $9.999999950e+11;
	v1 =	vmul.f32 v39, v23;
	[tilespmem:v48+s16+$0x0] =	vst.idx.msk $0xffff, v15;
	v15 =	vadd.s32 v11, v56;
	v11 =	vld [tilespmem:$0x1FE70]  }
0x181: {  	v0 =	vmul.f32 v17, v63;
	[tilespmem:v5+s16+$0x0] =	vst.idx.msk $0xffff, v25  }
0x182: {  	s28 =	sadd.s32 $0x5, s24;
	[tilespmem:v3+s16+$0x0] =	vst.idx.msk $0xffff, v1  }
0x183: {  	v1 =	vmul.f32 v17, v8;
	v8 =	vmov s28;
	[tilespmem:v47+s16+$0x0] =	vst.idx.msk $0xffff, v0;
	v0 =	vld [tilespmem:$0x1FEF0]  }
0x184: {  	v8 =	vshrl.u32 v8, $0x3  }
0x185: {  	v4 =	vmul.f32 v17, v4;
	v23 =	vmul.f32 v39, v36;
	v8 =	vshll.u32 v8, v11  }
0x186: {  	v40 =	vmin.f32 v40, $9.999999950e+11;
	v5 =	vmul.f32 v17, v32;
	v17 =	vbroadcast v8, $0x0  }
0x187: {  	[tilespmem:v19+s16+$0x0] =	vst.idx.msk $0xffff, v23;
	v23 =	vmul.f32 v40, v14;
	v8 =	vld [tilespmem:$0x1FE70]  }
0x188: {  	v14 =	vmul.f32 v18, v10;
	v10 =	vmul.f32 v18, v29;
	v29 =	vadd.s32 v0, v17;
	v0 =	vld [tilespmem:$0x1FF00];
	_ =	sdelay $0x1  }
0x189: {  	v2 =	vmov s26  }
0x18a: {  	v2 =	vshrl.u32 v2, $0x3;
	v16 =	vmul.f32 v20, v22;
	v11 =	vld [tilespmem:$0x1FDC0]  }
0x18b: {  	v8 =	vshll.u32 v2, v8;
	v2 =	vld [tilespmem:$0x1FED0]  }
0x18c: {  	[tilespmem:v28+s16+$0x0] =	vst.idx.msk $0xffff, v16;
	v28 =	vadd.s32 v0, v17;
	v0 =	vld [tilespmem:$0x1FF10];
	_ =	sdelay $0x1  }
0x18d: {  	v50 =	vld [tilespmem:$0x1FE70];
	v20 =	vmul.f32 v20, v35;
	s28 =	sadd.s32 $0x6, s24  }
0x18e: {  	v22 =	vmul.f32 v38, v62;
	v16 =	vadd.s32 v11, v56;
	v11 =	vmov s28  }
0x18f: {  	v7 =	vmul.f32 v38, v7;
	[tilespmem:v31+s16+$0x0] =	vst.idx.msk $0xffff, v20;
	v26 =	vadd.s32 v2, v56;
	v2 =	vshrl.u32 v11, $0x3;
	v11 =	vld [tilespmem:$0x1FEE0]  }
0x190: {  	p1 =	slt.u32 s26, $0x78;
	s25 =	sadd.s32 $0x200, s25;
	v33 =	vmul.f32 v38, v33;
	[tilespmem:v55+s16+$0x0] =	vst.idx.msk $0xffff, v22;
	v22 =	vadd.s32 v0, v17;
	v0 =	vld [tilespmem:$0x1FF20]  }
.Ltmp2:
0x191: {  	v54 =	vld [tilespmem:s25+$0xFFFFFF10];
	[tilespmem:v57+s16+$0x0] =	vst.idx.msk $0xffff, v7;
	(pc) =	sbr.rel @p1 .LBB2_3-.Ltmp2, $4  }
0x192: {  	v25 =	vmul.f32 v40, v12;
	v55 =	vld [tilespmem:s25+$0xC0];
	[tilespmem:v34+s16+$0x0] =	vst.idx.msk $0xffff, v33;
	s28 =	sadd.s32 $0x1, s26;
	v2 =	vshll.u32 v2, v50  }
0x193: {  	v51 =	vmovc v21;
	v3 =	vmul.f32 v40, v9;
	v57 =	vld [tilespmem:s25+$0xE0];
	[tilespmem:v15+s16+$0x0] =	vst.idx.msk $0xffff, v1;
	v7 =	vmov s28;
	v12 =	vbroadcast v2, $0x0  }
0x194: {  	v9 =	vmul.f32 v18, v13;
	s24 =	smov.u32 s26;
	v19 =	vmul.f32 v40, v30;
	v31 =	vld [tilespmem:s25+$0xFFFFFF40];
	v7 =	vshrl.u32 v7, $0x3;
	[tilespmem:v16+s16+$0x0] =	vst.idx.msk $0xffff, v4  }
0x195: {  	v49 =	vmovc v24;
	s26 =	sadd.s32 $0x8, s26;
	s28 =	sadd.s32 $0x2, s24;
	v56 =	vld [tilespmem:s25+$0xD0];
	v13 =	vadd.s32 v11, v17;
	v11 =	vshll.u32 v7, v50;
	v63 =	vadd.s32 v0, v12  }
0x196: {  	v39 =	vld [tilespmem:s25+$0xF0]  }
0x197: {  	v24 =	vld [tilespmem:s25+$0xFFFFFF50]  }
0x198: {  	v15 =	vld [tilespmem:s25+$0xFFFFFF80]  }
0x199: {  	v47 =	vld [tilespmem:$0x1FF30]  }
0x19a: {  	v48 =	vld [tilespmem:$0x1FF40]  }
0x19b: {  	v59 =	vld [tilespmem:$0x1FF50];
	v0 =	vmul.f32 v55, v55;
	v1 =	vmul.f32 v56, v56  }
0x19c: {  	v7 =	vld [tilespmem:s25+$0xFFFFFF90]  }
0x19d: {  	v42 =	vld [tilespmem:s25+$0x50];
	v46 =	vmul.f32 v57, v57;
	v0 =	vadd.f32 v1, v0  }
0x19e: {  	v4 =	vld [tilespmem:s25+$0xFFFFFFC0]  }
0x19f: {  	v58 =	vld [tilespmem:s25+$0xFFFFFFD0];
	v2 =	vmul.f32 v39, v39;
	v1 =	vadd.f32 v46, v0  }
0x1a0: {  	v18 =	vadd.s32 v47, v12;
	v60 =	vadd.s32 v48, v12;
	v62 =	vadd.s32 v59, v12;
	v12 =	vld [tilespmem:s25+$0x40]  }
0x1a1: {  	v16 =	vadd.f32 v2, v1;
	v1 =	vld [tilespmem:s25+$0x0]  }
0x1a2: {  	v2 =	vld [tilespmem:s25+$0x10];
	[tilespmem:$0x1FC30] =	vst v42  }
0x1a3: {  	v44 =	vld [tilespmem:s25+$0x80]  }
0x1a4: {  	s31 =	sadd.s32 $0x4, s24  }
0x1a5: {  	v30 =	vmov s31  }
0x1a6: {  	v48 =	vshrl.u32 v30, $0x3  }
0x1a7: {  	[tilespmem:$0x1FC20] =	vst v48  }
0x1a8: {  	v17 =	vmov s28;
	s26 =	sadd.s32 $0x3, s24;
	v34 =	vmul.f32 v54, v54;
	v27 =	vperm.xlane v16, v51;
	[tilespmem:$0x1FC40] =	vst v44  }
0x1a9: {  	v38 =	vbroadcast v8, $0x0;
	v33 =	vbroadcast v11, $0x0;
	v20 =	vmov s26;
	[tilespmem:v26+s16+$0x0] =	vst.idx.msk $0xffff, v5  }
0x1aa: {  	v17 =	vshrl.u32 v17, $0x3;
	v61 =	vmul.f32 v31, v31;
	v16 =	vadd.f32 v16, v27;
	[tilespmem:v13+s16+$0x0] =	vst.idx.msk $0xffff, v3  }
0x1ab: {  	v17 =	vshll.u32 v17, v50;
	v41 =	vmul.f32 v24, v24;
	v32 =	vmul.f32 v15, v15;
	v8 =	vld [tilespmem:$0x1FFA0]  }
0x1ac: {  	v20 =	vshrl.u32 v20, $0x3;
	v36 =	vmul.f32 v7, v7;
	v59 =	vperm.xlane v16, v52  }
0x1ad: {  	v45 =	vmul.f32 v4, v4;
	v40 =	vadd.f32 v41, v61;
	v46 =	vmul.f32 v58, v58;
	v11 =	vld [tilespmem:s25+$0x90]  }
0x1ae: {  	v0 =	vmovc v31;
	v31 =	vbroadcast v17, $0x0;
	v41 =	vmul.f32 v12, v12;
	v37 =	vld [tilespmem:s25+$0xFFFFFF00];
	v61 =	vadd.f32 v16, v59  }
0x1af: {  	v20 =	vshll.u32 v20, v50;
	v42 =	vmul.f32 v42, v42;
	v48 =	vmul.f32 v2, v2;
	v35 =	vld [tilespmem:s25+$0xFFFFFF20]  }
0x1b0: {  	v17 =	vadd.f32 v36, v32;
	v36 =	vmul.f32 v44, v44;
	v32 =	vld [tilespmem:s25+$0xFFFFFF60];
	v47 =	vperm.xlane v61, v8  }
0x1b1: {  	v41 =	vadd.f32 v42, v41;
	v26 =	vbroadcast v20, $0x0;
	v20 =	vmul.f32 v1, v1;
	v13 =	vld [tilespmem:s25+$0x20]  }
0x1b2: {  	v30 =	vld [tilespmem:s25+$0xFFFFFFA0];
	v16 =	vadd.f32 v46, v45;
	[tilespmem:v29+s16+$0x0] =	vst.idx.msk $0xffff, v25;
	v43 =	vadd.f32 v61, v47  }
0x1b3: {  	s26 =	sadd.s32 $0x7, s24;
	v27 =	vld [tilespmem:s25+$0xFFFFFFE0];
	v20 =	vadd.f32 v48, v20;
	[tilespmem:v28+s16+$0x0] =	vst.idx.msk $0xffff, v23;
	v42 =	vmul.f32 v11, v11  }
0x1b4: {  	v5 =	vld [tilespmem:s25+$0x60];
	[tilespmem:v22+s16+$0x0] =	vst.idx.msk $0xffff, v19;
	v22 =	vmov s26;
	v61 =	vmul.f32 v37, v37;
	v45 =	vperm.xlane v43, v53  }
0x1b5: {  	v3 =	vld [tilespmem:s25+$0xA0];
	v22 =	vshrl.u32 v22, $0x3;
	v46 =	vmul.f32 v35, v35;
	v48 =	vmul.f32 v32, v32  }
0x1b6: {  	v23 =	vmul.f32 v13, v13;
	v34 =	vadd.f32 v34, v61;
	v61 =	vld [tilespmem:s25+$0xFFFFFF30];
	v43 =	vadd.f32 v43, v45  }
0x1b7: {  	v42 =	vadd.f32 v42, v36;
	v36 =	vld [tilespmem:s25+$0xFFFFFF70];
	v40 =	vadd.f32 v48, v40;
	v47 =	vmul.f32 v30, v30  }
0x1b8: {  	v45 =	vadd.f32 v46, v34;
	v34 =	vld [tilespmem:s25+$0xFFFFFFB0];
	v48 =	vshrl.u32 v43, $0x1;
	v43 =	vmul.f32 $5.000000000e-01, v43  }
0x1b9: {  	v44 =	vmul.f32 v5, v5;
	v17 =	vadd.f32 v47, v17;
	v47 =	vsub.s32 $0x5F3759DF, v48  }
0x1ba: {  	v28 =	vld [tilespmem:s25+$0x30];
	v20 =	vadd.f32 v23, v20;
	v46 =	vmul.f32 v27, v27;
	v43 =	vmul.f32 v47, v43  }
0x1bb: {  	v41 =	vadd.f32 v44, v41;
	v48 =	vmul.f32 v3, v3;
	v44 =	vmul.f32 v61, v61  }
0x1bc: {  	v29 =	vld [tilespmem:s25+$0xFFFFFFF0];
	v16 =	vadd.f32 v46, v16;
	v46 =	vmul.f32 v36, v36;
	v43 =	vmul.f32 v47, v43  }
0x1bd: {  	v25 =	vld [tilespmem:s25+$0x70];
	v42 =	vadd.f32 v48, v42;
	v48 =	vmul.f32 v34, v34;
	v44 =	vadd.f32 v44, v45  }
0x1be: {  	[tilespmem:v63+s16+$0x0] =	vst.idx.msk $0xffff, v14;
	v22 =	vshll.u32 v22, v50;
	v19 =	vadd.f32 v46, v40;
	v46 =	vsub.f32 $1.500000000e+00, v43  }
0x1bf: {  	v23 =	vld [tilespmem:s25+$0xB0];
	v63 =	vmul.f32 v28, v28;
	v17 =	vadd.f32 v48, v17;
	v48 =	vperm.xlane v44, v51  }
0x1c0: {  	[tilespmem:v18+s16+$0x0] =	vst.idx.msk $0xffff, v6;
	v6 =	vbroadcast v22, $0x0;
	v40 =	vmul.f32 v47, v46  }
0x1c1: {  	v14 =	vadd.f32 v63, v20;
	v45 =	vmul.f32 v29, v29;
	v48 =	vadd.f32 v44, v48  }
0x1c2: {  	v20 =	vperm.xlane v19, v51;
	v43 =	vmul.f32 v25, v25;
	v63 =	vmin.f32 v40, $9.999999950e+11  }
0x1c3: {  	v16 =	vadd.f32 v45, v16;
	v44 =	vmul.f32 v63, v56;
	v56 =	vperm.xlane v48, v52  }
0x1c4: {  	v19 =	vadd.f32 v19, v20;
	v46 =	vmul.f32 v23, v23;
	v41 =	vadd.f32 v43, v41  }
0x1c5: {  	v20 =	vperm.xlane v14, v51;
	v22 =	vmul.f32 v63, v55;
	v40 =	vadd.f32 v48, v56  }
0x1c6: {  	v42 =	vadd.f32 v46, v42;
	v55 =	vperm.xlane v17, v51;
	v48 =	vperm.xlane v41, v51  }
0x1c7: {  	v14 =	vadd.f32 v14, v20;
	v45 =	vmul.f32 v63, v57;
	v57 =	vld [tilespmem:$0x1FFC0];
	v20 =	vperm.xlane v40, v8  }
0x1c8: {  	v17 =	vadd.f32 v17, v55;
	v55 =	vperm.xlane v42, v51;
	v41 =	vadd.f32 v41, v48  }
0x1c9: {  	v56 =	vperm.xlane v19, v52;
	v20 =	vadd.f32 v40, v20  }
0x1ca: {  	v18 =	vmul.f32 v63, v39;
	v42 =	vadd.f32 v42, v55;
	v55 =	vperm.xlane v41, v52  }
0x1cb: {  	v63 =	vperm.xlane v16, v51;
	v19 =	vadd.f32 v19, v56;
	v56 =	vperm.xlane v20, v53  }
0x1cc: {  	v47 =	vadd.s32 v57, v38;
	v57 =	vperm.xlane v17, v52;
	v40 =	vadd.f32 v41, v55;
	v55 =	vld [tilespmem:$0x1FF60]  }
0x1cd: {  	v16 =	vadd.f32 v16, v63;
	v20 =	vadd.f32 v20, v56;
	v56 =	vld [tilespmem:$0x1FF70]  }
0x1ce: {  	v17 =	vadd.f32 v17, v57;
	v57 =	vld [tilespmem:$0x1FFE0]  }
0x1cf: {  	v63 =	vperm.xlane v16, v52;
	v48 =	vperm.xlane v14, v52;
	_ =	sdelay $0x1  }
0x1d0: {  	v16 =	vadd.f32 v16, v63;
	v14 =	vadd.f32 v14, v48;
	v41 =	vadd.s32 v55, v6  }
0x1d1: {  	v48 =	vperm.xlane v19, v8;
	[tilespmem:v60+s16+$0x0] =	vst.idx.msk $0xffff, v9;
	v43 =	vadd.s32 v56, v6  }
0x1d2: {  	v60 =	vperm.xlane v17, v8;
	v63 =	vmovc v57;
	v46 =	vadd.s32 v57, v38;
	v57 =	vperm.xlane v42, v52  }
0x1d3: {  	v19 =	vadd.f32 v19, v48;
	v55 =	vshrl.u32 v20, $0x1;
	v20 =	vmul.f32 $5.000000000e-01, v20  }
0x1d4: {  	[tilespmem:v62+s16+$0x0] =	vst.idx.msk $0xffff, v10;
	v9 =	vadd.f32 v17, v60;
	v10 =	vadd.f32 v42, v57;
	v42 =	vsub.s32 $0x5F3759DF, v55  }
0x1d5: {  	v56 =	vperm.xlane v19, v53;
	v60 =	vmul.f32 v42, v20;
	v20 =	vld [tilespmem:$0x1FF80];
	[tilespmem:v41+s16+$0x0] =	vst.idx.msk $0xffff, v22  }
0x1d6: {  	[tilespmem:v43+s16+$0x0] =	vst.idx.msk $0xffff, v44  }
0x1d7: {  	v19 =	vadd.f32 v19, v56;
	v56 =	vld [tilespmem:$0x1FF90];
	_ =	sdelay $0x1  }
0x1d8: {  	v17 =	vmul.f32 v42, v60  }
0x1d9: {  	v59 =	vadd.s32 v49, v38  }
0x1da: {  	v62 =	vperm.xlane v14, v8;
	v17 =	vsub.f32 $1.500000000e+00, v17;
	v20 =	vadd.s32 v20, v6  }
0x1db: {  	v22 =	vshrl.u32 v19, $0x1;
	v19 =	vmul.f32 $5.000000000e-01, v19;
	v6 =	vadd.s32 v56, v6  }
0x1dc: {  	v57 =	vperm.xlane v16, v8;
	v22 =	vsub.s32 $0x5F3759DF, v22;
	v17 =	vmul.f32 v42, v17  }
0x1dd: {  	v55 =	vperm.xlane v40, v8;
	v19 =	vmul.f32 v22, v19;
	v41 =	vld [tilespmem:$0x1FFF0]  }
0x1de: {  	v16 =	vadd.f32 v16, v57;
	v57 =	vperm.xlane v10, v8;
	v48 =	vld [tilespmem:$0x1FDD0];
	v17 =	vmin.f32 v17, $9.999999950e+11  }
0x1df: {  	v19 =	vmul.f32 v22, v19;
	[tilespmem:v20+s16+$0x0] =	vst.idx.msk $0xffff, v45;
	v56 =	vmul.f32 v17, v37  }
0x1e0: {  	v10 =	vadd.f32 v10, v57;
	v57 =	vmul.f32 v17, v54;
	[tilespmem:v6+s16+$0x0] =	vst.idx.msk $0xffff, v18  }
0x1e1: {  	v39 =	vadd.f32 v40, v55;
	v35 =	vmul.f32 v17, v35;
	v55 =	vsub.f32 $1.500000000e+00, v19;
	v6 =	vld [tilespmem:$0x1FDE0];
	[tilespmem:v59+s16+$0x0] =	vst.idx.msk $0xffff, v56  }
0x1e2: {  	v44 =	vperm.xlane v9, v53;
	v38 =	vadd.s32 v41, v38;
	[tilespmem:v47+s16+$0x0] =	vst.idx.msk $0xffff, v57  }
0x1e3: {  	v40 =	vadd.s32 v48, v33;
	v18 =	vmul.f32 v22, v55;
	v22 =	vld [tilespmem:$0x1FDF0];
	[tilespmem:v46+s16+$0x0] =	vst.idx.msk $0xffff, v35  }
0x1e4: {  	v9 =	vadd.f32 v9, v44;
	v37 =	vld [tilespmem:$0x1FE00]  }
0x1e5: {  	v14 =	vadd.f32 v14, v62;
	v17 =	vmul.f32 v17, v61;
	v18 =	vmin.f32 v18, $9.999999950e+11  }
0x1e6: {  	v59 =	vshrl.u32 v9, $0x1;
	v9 =	vmul.f32 $5.000000000e-01, v9;
	v62 =	vmul.f32 v18, v0  }
0x1e7: {  	v19 =	vsub.s32 $0x5F3759DF, v59;
	[tilespmem:v38+s16+$0x0] =	vst.idx.msk $0xffff, v17  }
0x1e8: {  	v20 =	vperm.xlane v16, v53;
	v9 =	vmul.f32 v19, v9;
	[tilespmem:v40+s16+$0x0] =	vst.idx.msk $0xffff, v62  }
0x1e9: {  	v6 =	vadd.s32 v6, v33;
	v22 =	vadd.s32 v22, v33;
	v33 =	vadd.s32 v37, v33;
	v37 =	vld [tilespmem:$0x1FE10]  }
0x1ea: {  	v60 =	vmov v41;
	v9 =	vmul.f32 v19, v9;
	v41 =	vld [tilespmem:$0x1FE20]  }
0x1eb: {  	v16 =	vadd.f32 v16, v20;
	v20 =	vperm.xlane v14, v53  }
0x1ec: {  	v9 =	vsub.f32 $1.500000000e+00, v9  }
0x1ed: {  	v14 =	vadd.f32 v14, v20;
	v20 =	vperm.xlane v39, v53  }
0x1ee: {  	v24 =	vmul.f32 v18, v24;
	v9 =	vmul.f32 v19, v9;
	v37 =	vadd.s32 v37, v31  }
0x1ef: {  	v32 =	vmul.f32 v18, v32;
	v42 =	vld [tilespmem:$0x1FE30];
	v35 =	vadd.s32 v41, v31  }
0x1f0: {  	v0 =	vadd.f32 v39, v20;
	v43 =	vmul.f32 v18, v36;
	v38 =	vld [tilespmem:$0x1FE40];
	[tilespmem:v6+s16+$0x0] =	vst.idx.msk $0xffff, v24;
	v9 =	vmin.f32 v9, $9.999999950e+11  }
0x1f1: {  	v20 =	vshrl.u32 v16, $0x1;
	v16 =	vmul.f32 $5.000000000e-01, v16;
	v15 =	vmul.f32 v9, v15;
	[tilespmem:v22+s16+$0x0] =	vst.idx.msk $0xffff, v32  }
0x1f2: {  	v20 =	vsub.s32 $0x5F3759DF, v20;
	v7 =	vmul.f32 v9, v7;
	[tilespmem:v33+s16+$0x0] =	vst.idx.msk $0xffff, v43  }
0x1f3: {  	v16 =	vmul.f32 v20, v16;
	[tilespmem:v37+s16+$0x0] =	vst.idx.msk $0xffff, v15  }
0x1f4: {  	[tilespmem:v35+s16+$0x0] =	vst.idx.msk $0xffff, v7  }
0x1f5: {  	v16 =	vmul.f32 v20, v16;
	v54 =	vld [tilespmem:$0x1FE50]  }
0x1f6: {  	v19 =	vadd.s32 v42, v31  }
0x1f7: {  	v16 =	vsub.f32 $1.500000000e+00, v16;
	v31 =	vadd.s32 v38, v31;
	_ =	sdelay $0x1  }
0x1f8: {  	v46 =	vmul.f32 v20, v16;
	v20 =	vmul.f32 v9, v30  }
0x1f9: {  	v9 =	vmul.f32 v9, v34;
	v18 =	vadd.s32 v54, v26  }
0x1fa: {  	[tilespmem:v19+s16+$0x0] =	vst.idx.msk $0xffff, v20  }
0x1fb: {  	v15 =	vmin.f32 v46, $9.999999950e+11;
	[tilespmem:v31+s16+$0x0] =	vst.idx.msk $0xffff, v9  }
0x1fc: {  	v4 =	vmul.f32 v15, v4;
	v22 =	vld [tilespmem:$0x1FE80]  }
0x1fd: {  	v61 =	vperm.xlane v10, v53;
	v24 =	vld [tilespmem:$0x1FC20]  }
0x1fe: {  	v59 =	vld [tilespmem:$0x1FE90];
	[tilespmem:v18+s16+$0x0] =	vst.idx.msk $0xffff, v4  }
0x1ff: {  	v10 =	vadd.f32 v10, v61;
	v61 =	vld [tilespmem:$0x1FEA0];
	_ =	sdelay $0x1  }
0x200: {  	v55 =	vadd.s32 v22, v26;
	_ =	sdelay $0x1  }
0x201: {  	v44 =	vshrl.u32 v14, $0x1;
	v14 =	vmul.f32 $5.000000000e-01, v14;
	v20 =	vadd.s32 v59, v26  }
0x202: {  	v48 =	vsub.s32 $0x5F3759DF, v44;
	v33 =	vmul.f32 v15, v58;
	v32 =	vadd.s32 v61, v26  }
0x203: {  	v14 =	vmul.f32 v48, v14  }
0x204: {  	v35 =	vmul.f32 v15, v27;
	v62 =	vld [tilespmem:$0x1FEB0];
	[tilespmem:v55+s16+$0x0] =	vst.idx.msk $0xffff, v33  }
0x205: {  	v14 =	vmul.f32 v48, v14;
	v15 =	vmul.f32 v15, v29;
	v9 =	vld [tilespmem:$0x1FEC0]  }
0x206: {  	v30 =	vshll.u32 v24, v50;
	[tilespmem:v20+s16+$0x0] =	vst.idx.msk $0xffff, v35  }
0x207: {  	v14 =	vsub.f32 $1.500000000e+00, v14;
	v31 =	vbroadcast v30, $0x0;
	v19 =	vld [tilespmem:$0x1FDC0];
	[tilespmem:v32+s16+$0x0] =	vst.idx.msk $0xffff, v15  }
0x208: {  	v15 =	vld [tilespmem:$0x1FED0]  }
0x209: {  	v7 =	vmul.f32 v48, v14;
	v34 =	vadd.s32 v62, v31  }
0x20a: {  	v9 =	vadd.s32 v9, v31  }
0x20b: {  	v47 =	vshrl.u32 v10, $0x1;
	v7 =	vmin.f32 v7, $9.999999950e+11  }
0x20c: {  	v45 =	vshrl.u32 v0, $0x1;
	v1 =	vmul.f32 v7, v1;
	v19 =	vadd.s32 v19, v31  }
0x20d: {  	s31 =	sadd.s32 $0x5, s24;
	v17 =	vmul.f32 $5.000000000e-01, v0;
	v2 =	vmul.f32 v7, v2;
	v4 =	vadd.s32 v15, v31  }
0x20e: {  	v10 =	vmul.f32 $5.000000000e-01, v10;
	v36 =	vmov s31;
	v6 =	vsub.s32 $0x5F3759DF, v45;
	[tilespmem:v34+s16+$0x0] =	vst.idx.msk $0xffff, v1  }
0x20f: {  	v0 =	vshrl.u32 v36, $0x3;
	v17 =	vmul.f32 v6, v17;
	v39 =	vmul.f32 v7, v13;
	[tilespmem:v9+s16+$0x0] =	vst.idx.msk $0xffff, v2  }
0x210: {  	v0 =	vshll.u32 v0, v50;
	v16 =	vsub.s32 $0x5F3759DF, v47;
	v7 =	vmul.f32 v7, v28;
	v41 =	vld [tilespmem:$0x1FEE0]  }
0x211: {  	v10 =	vmul.f32 v16, v10;
	v17 =	vmul.f32 v6, v17;
	v42 =	vld [tilespmem:$0x1FEF0];
	[tilespmem:v19+s16+$0x0] =	vst.idx.msk $0xffff, v39  }
0x212: {  	s25 =	sadd.s32 $0x6, s24;
	v0 =	vbroadcast v0, $0x0;
	v45 =	vld [tilespmem:$0x1FF00];
	[tilespmem:v4+s16+$0x0] =	vst.idx.msk $0xffff, v7  }
0x213: {  	v10 =	vmul.f32 v16, v10;
	v38 =	vmov s25;
	v17 =	vsub.f32 $1.500000000e+00, v17;
	v7 =	vld [tilespmem:$0x1FF10]  }
0x214: {  	v40 =	vshrl.u32 v38, $0x3;
	v47 =	vld [tilespmem:$0x1FC30]  }
0x215: {  	v6 =	vmul.f32 v6, v17;
	v37 =	vsub.f32 $1.500000000e+00, v10;
	v10 =	vadd.s32 v41, v0  }
0x216: {  	v9 =	vshll.u32 v40, v50;
	v13 =	vadd.s32 v42, v0  }
0x217: {  	v43 =	vmin.f32 v6, $9.999999950e+11;
	v44 =	vbroadcast v9, $0x0;
	v9 =	vadd.s32 v45, v0  }
0x218: {  	v46 =	vmul.f32 v43, v12  }
0x219: {  	v0 =	vadd.s32 v7, v0;
	v7 =	vmul.f32 v43, v47  }
0x21a: {  	v54 =	vmul.f32 v43, v5;
	v48 =	vld [tilespmem:$0x1FF20];
	[tilespmem:v10+s16+$0x0] =	vst.idx.msk $0xffff, v46  }
0x21b: {  	v55 =	vld [tilespmem:$0x1FF30];
	[tilespmem:v13+s16+$0x0] =	vst.idx.msk $0xffff, v7  }
0x21c: {  	v7 =	vld [tilespmem:$0x1FF40];
	[tilespmem:v9+s16+$0x0] =	vst.idx.msk $0xffff, v54  }
0x21d: {  	v4 =	vld [tilespmem:$0x1FC40]  }
0x21e: {  	v9 =	vld [tilespmem:$0x1FF50];
	_ =	sdelay $0x1  }
0x21f: {  	v1 =	vmul.f32 v16, v37;
	v12 =	vadd.s32 v48, v44  }
0x220: {  	v5 =	vadd.s32 v55, v44  }
0x221: {  	v2 =	vmul.f32 v43, v25;
	v1 =	vmin.f32 v1, $9.999999950e+11;
	v7 =	vadd.s32 v7, v44  }
0x222: {  	v4 =	vmul.f32 v1, v4;
	v6 =	vadd.s32 v9, v44  }
0x223: {  	v56 =	vmul.f32 v1, v11;
	[tilespmem:v0+s16+$0x0] =	vst.idx.msk $0xffff, v2  }
0x224: {  	v57 =	vmul.f32 v1, v3;
	[tilespmem:v12+s16+$0x0] =	vst.idx.msk $0xffff, v4  }
0x225: {  	s26 =	sshll.u32 s22, $0x10;
	v58 =	vmul.f32 v1, v23;
	[tilespmem:v5+s16+$0x0] =	vst.idx.msk $0xffff, v56  }
0x226: {  	s24 =	sor.u32 s6, s26;
	[tilespmem:v7+s16+$0x0] =	vst.idx.msk $0xffff, v57  }
0x227: {  	s26 =	sadd.s32 s2, s24;
	s31 =	simm.s32 $0xA500;
	[tilespmem:v6+s16+$0x0] =	vst.idx.msk $0xffff, v58  }
0x228: {  	[hbm4b:s26+s3] =	stream.linear.scatter [tilespmem:s31], [sflag:$0x3], $0x80, $0x38;
	[tilespmem:$0xE900] =	vst v63  }
0x229: {  	s28 =	sadd.s32 $0x10, s26;
	s31 =	simm.s32 $0xA588  }
0x22a: {  	[hbm4b:s28+s3] =	stream.linear.scatter [tilespmem:s31], [sflag:$0x3], $0x80, $0x38;
	[tilespmem:$0xE900] =	vst v63  }
0x22b: {  	s31 =	simm.s32 $0xA610;
	s28 =	sadd.s32 $0x20, s26  }
0x22c: {  	[hbm4b:s28+s3] =	stream.linear.scatter [tilespmem:s31], [sflag:$0x3], $0x80, $0x38;
	[tilespmem:$0xE900] =	vst v63  }
0x22d: {  	s31 =	simm.s32 $0xA698;
	s28 =	sadd.s32 $0x30, s26  }
0x22e: {  	[hbm4b:s28+s3] =	stream.linear.scatter [tilespmem:s31], [sflag:$0x3], $0x80, $0x38;
	[tilespmem:$0xE900] =	vst v63  }
0x22f: {  	s31 =	simm.s32 $0xA720;
	s28 =	sadd.s32 $0x40, s26  }
0x230: {  	[hbm4b:s28+s3] =	stream.linear.scatter [tilespmem:s31], [sflag:$0x3], $0x80, $0x38;
	[tilespmem:$0xE900] =	vst v63  }
0x231: {  	s29 =	simm.s32 $0xA8B8;
	s31 =	simm.s32 $0xA7A8;
	s28 =	sadd.s32 $0x50, s26  }
0x232: {  	[hbm4b:s28+s3] =	stream.linear.scatter [tilespmem:s31], [sflag:$0x3], $0x80, $0x38;
	[tilespmem:$0xE900] =	vst v63  }
0x233: {  	s30 =	sadd.s32 $0x70, s26;
	s31 =	simm.s32 $0xA830;
	s28 =	sadd.s32 $0x60, s26  }
0x234: {  	[hbm4b:s28+s3] =	stream.linear.scatter [tilespmem:s31], [sflag:$0x3], $0x80, $0x38;
	[tilespmem:$0xE900] =	vst v63  }
0x235: {  	s25 =	simm.s32 $0x440;
	v38 =	vmov v53;
	v56 =	vmov v8;
	v58 =	vmov v22;
	s26 =	sadd.s32 $0x1000, s26;
	s28 =	simm.s32 $0x2200  }
.LBB2_5:
0x236: {  	[hbm4b:s30+s3] =	stream.linear.scatter [tilespmem:s29], [sflag:$0x3], $0x80, $0x38;
	[tilespmem:$0xE900] =	vst v63  }
0x237: {  	s29 =	smov.u32 s25;
	s25 =	smov.u32 s28  }
0x238: {  	s31 =	sadd.s32 $0x1100, s28;
	s25 =	sshra.s32 s25, $0x2;
	s30 =	sadd.s32 $0xA500, s29  }
0x239: {  	[hbm4b:s26+s3] =	stream.linear.scatter [tilespmem:s30], [sflag:$0x3], $0x80, $0x38;
	[tilespmem:$0xE900] =	vst v63  }
0x23a: {  	p1 =	sne.s32 s28, $0x7700;
	s28 =	sadd.s32 $0xA588, s29;
	s30 =	sadd.s32 $0x10, s26  }
0x23b: {  	[hbm4b:s30+s3] =	stream.linear.scatter [tilespmem:s28], [sflag:$0x3], $0x80, $0x38;
	[tilespmem:$0xE900] =	vst v63  }
0x23c: {  	s28 =	sadd.s32 $0xA610, s29;
	s30 =	sadd.s32 $0x20, s26  }
0x23d: {  	[hbm4b:s30+s3] =	stream.linear.scatter [tilespmem:s28], [sflag:$0x3], $0x80, $0x38;
	[tilespmem:$0xE900] =	vst v63  }
0x23e: {  	s28 =	sadd.s32 $0xA698, s29;
	s30 =	sadd.s32 $0x30, s26  }
0x23f: {  	[hbm4b:s30+s3] =	stream.linear.scatter [tilespmem:s28], [sflag:$0x3], $0x80, $0x38;
	[tilespmem:$0xE900] =	vst v63  }
0x240: {  	s28 =	sadd.s32 $0xA720, s29;
	s30 =	sadd.s32 $0x40, s26  }
0x241: {  	[hbm4b:s30+s3] =	stream.linear.scatter [tilespmem:s28], [sflag:$0x3], $0x80, $0x38;
	[tilespmem:$0xE900] =	vst v63  }
.Ltmp3:
0x242: {  	s28 =	sadd.s32 $0xA7A8, s29;
	s30 =	sadd.s32 $0x50, s26;
	(pc) =	sbr.rel @p1 .LBB2_5-.Ltmp3, $4  }
0x243: {  	[hbm4b:s30+s3] =	stream.linear.scatter [tilespmem:s28], [sflag:$0x3], $0x80, $0x38;
	[tilespmem:$0xE900] =	vst v63  }
0x244: {  	s28 =	sadd.s32 $0xA830, s29;
	s30 =	sadd.s32 $0x60, s26;
	s29 =	sadd.s32 $0xA8B8, s29  }
0x245: {  	[hbm4b:s30+s3] =	stream.linear.scatter [tilespmem:s28], [sflag:$0x3], $0x80, $0x38;
	[tilespmem:$0xE900] =	vst v63  }
0x246: {  	s30 =	sadd.s32 $0x70, s26;
	s26 =	sadd.s32 $0x1000, s26;
	s28 =	smov.u32 s31  }
0x247: {  	[hbm4b:s30+s3] =	stream.linear.scatter [tilespmem:s29], [sflag:$0x3], $0x80, $0x38;
	[tilespmem:$0xE900] =	vst v63  }
0x248: {  	s28 =	sadd.s32 $0xA500, s25  }
0x249: {  	[hbm4b:s26+s3] =	stream.linear.scatter [tilespmem:s28], [sflag:$0x3], $0x80, $0x38;
	[tilespmem:$0xE900] =	vst v63  }
0x24a: {  	s30 =	sadd.s32 $0xA588, s25;
	s31 =	sadd.s32 $0x10, s26  }
0x24b: {  	[hbm4b:s31+s3] =	stream.linear.scatter [tilespmem:s30], [sflag:$0x3], $0x80, $0x38;
	[tilespmem:$0xE900] =	vst v63  }
0x24c: {  	s30 =	sadd.s32 $0xA610, s25;
	s31 =	sadd.s32 $0x20, s26  }
0x24d: {  	[hbm4b:s31+s3] =	stream.linear.scatter [tilespmem:s30], [sflag:$0x3], $0x80, $0x38;
	[tilespmem:$0xE900] =	vst v63  }
0x24e: {  	s30 =	sadd.s32 $0xA698, s25;
	s31 =	sadd.s32 $0x30, s26  }
0x24f: {  	[hbm4b:s31+s3] =	stream.linear.scatter [tilespmem:s30], [sflag:$0x3], $0x80, $0x38;
	[tilespmem:$0xE900] =	vst v63  }
0x250: {  	s30 =	sadd.s32 $0xA720, s25;
	s31 =	sadd.s32 $0x40, s26  }
0x251: {  	[hbm4b:s31+s3] =	stream.linear.scatter [tilespmem:s30], [sflag:$0x3], $0x80, $0x38;
	[tilespmem:$0xE900] =	vst v63  }
0x252: {  	p1 =	sne.s32 s22, $0x63;
	s30 =	sadd.s32 $0xA7A8, s25;
	s31 =	sadd.s32 $0x50, s26  }
0x253: {  	[hbm4b:s31+s3] =	stream.linear.scatter [tilespmem:s30], [sflag:$0x3], $0x80, $0x38;
	[tilespmem:$0xE900] =	vst v63  }
.Ltmp4:
0x254: {  	_ = 	snop;
	(pc) =	sbr.rel @p1 .LBB2_8-.Ltmp4, $4  }
0x255: {  	s30 =	sadd.s32 $0xA830, s25;
	s31 =	sadd.s32 $0x60, s26  }
0x256: {  	[hbm4b:s31+s3] =	stream.linear.scatter [tilespmem:s30], [sflag:$0x3], $0x80, $0x38;
	[tilespmem:$0xE900] =	vst v63  }
0x257: {  	s30 =	sadd.s32 $0xA8B8, s25;
	s31 =	sadd.s32 $0x70, s26  }
0x258: {  	[hbm4b:s31+s3] =	stream.linear.scatter [tilespmem:s30], [sflag:$0x3], $0x80, $0x38;
	[tilespmem:$0xE900] =	vst v63  }
.Ltmp5:
0x259: {  	(pc) =	sbr.rel .LBB2_9-.Ltmp5, $4  }
0x25a: {  	_ = 	snop  }
0x25b: {  	_ =	swait.ge [sflag:s17], $0x2000  }
0x25c: {  	[sflag:s17] =	ssyncset.done $0x0  }
0x25d: {  	[sflag:s17] =	ssyncadd.s32 $0xFFFFE000  }
.LBB2_8:
0x25e: {  	v1 =	vld [tilespmem:$0x1FDA0];
	_ =	sdelay $0x1  }
0x25f: {  	s25 =	sadd.s32 $0x2, s23  }
0x260: {  	v0 =	vmov s25  }
0x261: {  	v0 =	vand.u32 $0x1FE, v0  }
0x262: {  	v1 =	vadd.s32 v1, v0  }
0x263: {  	v2 =	vld [tilespmem:$0x1FCC0];
	_ =	sdelay $0x3  }
0x264: {  	v1 =	vld.idx.msk [tilespmem:v1+s3+$0x0], $0xffff  }
0x265: {  	v2 =	vadd.s32 v2, v0  }
0x266: {  	v47 =	vld [tilespmem:$0x1FCD0];
	_ =	sdelay $0x2  }
0x267: {  	[tilespmem:$0x6400] =	vst v1  }
0x268: {  	v1 =	vld.idx.msk [tilespmem:v2+s3+$0x0], $0xffff  }
0x269: {  	v2 =	vadd.s32 v47, v0  }
0x26a: {  	v48 =	vld [tilespmem:$0x1FCE0];
	_ =	sdelay $0x2  }
0x26b: {  	[tilespmem:$0x6410] =	vst v1  }
0x26c: {  	v1 =	vld.idx.msk [tilespmem:v2+s3+$0x0], $0xffff  }
0x26d: {  	v2 =	vadd.s32 v48, v0  }
0x26e: {  	v53 =	vld [tilespmem:$0x1FCF0];
	_ =	sdelay $0x2  }
0x26f: {  	[tilespmem:$0x6420] =	vst v1  }
0x270: {  	v1 =	vld.idx.msk [tilespmem:v2+s3+$0x0], $0xffff  }
0x271: {  	v2 =	vadd.s32 v53, v0  }
0x272: {  	v54 =	vld [tilespmem:$0x1FD00];
	_ =	sdelay $0x2  }
0x273: {  	[tilespmem:$0x6430] =	vst v1  }
0x274: {  	v1 =	vld.idx.msk [tilespmem:v2+s3+$0x0], $0xffff  }
0x275: {  	v2 =	vadd.s32 v54, v0  }
0x276: {  	v55 =	vld [tilespmem:$0x1FD10];
	_ =	sdelay $0x2  }
0x277: {  	[tilespmem:$0x6440] =	vst v1  }
0x278: {  	v1 =	vld.idx.msk [tilespmem:v2+s3+$0x0], $0xffff  }
0x279: {  	v2 =	vadd.s32 v55, v0  }
0x27a: {  	v57 =	vld [tilespmem:$0x1FD20];
	_ =	sdelay $0x2  }
0x27b: {  	[tilespmem:$0x6450] =	vst v1  }
0x27c: {  	v1 =	vld.idx.msk [tilespmem:v2+s3+$0x0], $0xffff  }
0x27d: {  	v0 =	vadd.s32 v57, v0;
	_ =	sdelay $0x3  }
0x27e: {  	[tilespmem:$0x6460] =	vst v1  }
0x27f: {  	v0 =	vld.idx.msk [tilespmem:v0+s3+$0x0], $0xffff;
	_ =	sdelay $0x4  }
.Ltmp6:
0x280: {  	[tilespmem:$0x6470] =	vst v0;
	(pc) =	sbr.rel @p0 .LBB2_10-.Ltmp6, $4  }
0x281: {  	[tilespmem:s12], [sflag:$0x1] =	stream.indirect.gather [hbm4b:s4+s10], $0x40, s11, s10, $0xb8;
	[tilespmem:$0xE900] =	vst v63  }
0x282: {  	_ =	swait.ge [sflag:s17], $0x2000  }
0x283: {  	[sflag:s17] =	ssyncset.done $0x0  }
0x284: {  	[sflag:s17] =	ssyncadd.s32 $0xFFFFE000  }
.LBB2_9:
0x285: {  	_ =	swait.ge [sflag:s18], $0x2000  }
0x286: {  	[sflag:s18] =	ssyncset.done $0x0  }
0x287: {  	[sflag:s18] =	ssyncadd.s32 $0xFFFFE000  }
.LBB2_10:
0x288: {  	s25 =	simm.s32 $0x8600  }
0x289: {  	v55 =	vld [tilespmem:s25+$0xC0]  }
0x28a: {  	v54 =	vld [tilespmem:s25+$0xD0];
	_ =	sdelay $0x1  }
0x28b: {  	v53 =	vld [tilespmem:s25+$0xE0];
	_ =	sdelay $0x1  }
0x28c: {  	v39 =	vld [tilespmem:s25+$0xF0]  }
0x28d: {  	v19 =	vld [tilespmem:s25+$0xFFFFFF10];
	v0 =	vmul.f32 v55, v55;
	v1 =	vmul.f32 v54, v54  }
0x28e: {  	v11 =	vld [tilespmem:s25+$0xFFFFFF40]  }
0x28f: {  	v10 =	vld [tilespmem:s25+$0xFFFFFF50];
	v0 =	vadd.f32 v1, v0;
	v1 =	vmul.f32 v53, v53  }
0x290: {  	v5 =	vld [tilespmem:s25+$0xFFFFFF80]  }
0x291: {  	v6 =	vld [tilespmem:s25+$0xFFFFFF90];
	v3 =	vmul.f32 v39, v39;
	v1 =	vadd.f32 v1, v0  }
0x292: {  	s28 =	simm.s32 $0x1;
	v2 =	vld [tilespmem:s25+$0xFFFFFFD0]  }
0x293: {  	v7 =	vmov s28;
	v37 =	vld [tilespmem:s25+$0xFFFFFF00];
	v4 =	vadd.f32 v3, v1  }
0x294: {  	s30 =	simm.s32 $0x3;
	v36 =	vld [tilespmem:s25+$0xFFFFFF20];
	v8 =	vshrl.u32 v7, $0x3  }
0x295: {  	s26 =	simm.s32 $0x0;
	v15 =	vmov s30;
	v7 =	vld [tilespmem:s25+$0x10];
	v13 =	vshll.u32 v8, v50;
	v9 =	vperm.xlane v4, v51  }
0x296: {  	v27 =	vshrl.u32 v15, $0x3;
	v23 =	vbroadcast v13, $0x0;
	v0 =	vld [tilespmem:s25+$0xFFFFFFC0];
	v3 =	vmov s26  }
0x297: {  	v16 =	vmul.f32 v19, v19;
	v1 =	vld [tilespmem:s25+$0x0];
	v3 =	vshrl.u32 v3, $0x3;
	v17 =	vadd.f32 v4, v9  }
0x298: {  	s31 =	simm.s32 $0x2;
	v8 =	vld [tilespmem:s25+$0x50];
	v15 =	vmul.f32 v10, v10;
	v13 =	vmul.f32 v5, v5;
	v12 =	vshll.u32 v3, v50  }
0x299: {  	v14 =	vmov s31;
	v3 =	vld [tilespmem:s25+$0x40];
	v35 =	vbroadcast v12, $0x0;
	v12 =	vperm.xlane v17, v52  }
0x29a: {  	v18 =	vmul.f32 v6, v6;
	v4 =	vshrl.u32 v14, $0x3;
	v14 =	vmul.f32 v11, v11;
	v9 =	vld [tilespmem:s25+$0x80]  }
0x29b: {  	v29 =	vmul.f32 v7, v7;
	v28 =	vshll.u32 v4, v50;
	v4 =	vld [tilespmem:s25+$0x90];
	v12 =	vadd.f32 v17, v12  }
0x29c: {  	v24 =	vld [tilespmem:s25+$0xFFFFFF60];
	v20 =	vmul.f32 v1, v1;
	v17 =	vadd.f32 v15, v14;
	v14 =	vmul.f32 v0, v0  }
0x29d: {  	v22 =	vld [tilespmem:s25+$0xFFFFFFA0];
	v18 =	vadd.f32 v18, v13;
	v15 =	vmul.f32 v2, v2;
	v13 =	vperm.xlane v12, v56  }
0x29e: {  	v57 =	vld [tilespmem:s25+$0xFFFFFF30];
	v31 =	vmul.f32 v8, v8;
	v30 =	vmul.f32 v3, v3;
	v20 =	vadd.f32 v29, v20  }
0x29f: {  	v33 =	vmul.f32 v37, v37;
	v26 =	vadd.f32 v15, v14;
	v15 =	vld [tilespmem:s25+$0xFFFFFFE0];
	v32 =	vadd.f32 v12, v13  }
0x2a0: {  	v29 =	vmul.f32 v9, v9;
	v40 =	vadd.f32 v31, v30;
	v14 =	vld [tilespmem:s25+$0x20];
	v30 =	vmul.f32 v4, v4  }
0x2a1: {  	v41 =	vmul.f32 v36, v36;
	v16 =	vadd.f32 v16, v33;
	v13 =	vld [tilespmem:s25+$0x60];
	v31 =	vperm.xlane v32, v38  }
0x2a2: {  	v42 =	vmul.f32 v24, v24;
	v12 =	vld [tilespmem:s25+$0xA0];
	v43 =	vadd.f32 v30, v29;
	v29 =	vmul.f32 v22, v22  }
0x2a3: {  	v33 =	vld [tilespmem:s25+$0xFFFFFF70];
	v16 =	vadd.f32 v41, v16;
	s26 =	simm.s32 $0x7;
	v34 =	vadd.s32 v49, v35;
	v30 =	vadd.f32 v32, v31  }
0x2a4: {  	v52 =	vmov s26;
	v17 =	vadd.f32 v42, v17;
	v18 =	vadd.f32 v29, v18;
	v32 =	vld [tilespmem:s25+$0xFFFFFFB0]  }
0x2a5: {  	v48 =	vmul.f32 v15, v15;
	v31 =	vld [tilespmem:s25+$0xFFFFFFF0];
	v29 =	vshrl.u32 v30, $0x1;
	v49 =	vmul.f32 $5.000000000e-01, v30  }
0x2a6: {  	v44 =	vmul.f32 v14, v14;
	v45 =	vmul.f32 v13, v13;
	v30 =	vld [tilespmem:s25+$0x30];
	v46 =	vsub.s32 $0x5F3759DF, v29  }
0x2a7: {  	v41 =	vadd.f32 v48, v26;
	v47 =	vmul.f32 v12, v12;
	v42 =	vmul.f32 v46, v49  }
0x2a8: {  	v20 =	vadd.f32 v44, v20;
	v44 =	vmul.f32 v57, v57;
	v29 =	vld [tilespmem:s25+$0x70];
	v40 =	vadd.f32 v45, v40  }
0x2a9: {  	v26 =	vld [tilespmem:s25+$0xB0];
	v43 =	vadd.f32 v47, v43;
	v45 =	vmul.f32 v33, v33;
	v42 =	vmul.f32 v46, v42  }
0x2aa: {  	v16 =	vadd.f32 v44, v16;
	v49 =	vshrl.u32 v52, $0x3;
	v47 =	vmul.f32 v32, v32  }
0x2ab: {  	v48 =	vmul.f32 v31, v31;
	v44 =	vmul.f32 v30, v30;
	v42 =	vsub.f32 $1.500000000e+00, v42  }
0x2ac: {  	v17 =	vadd.f32 v45, v17;
	v18 =	vadd.f32 v47, v18;
	v47 =	vperm.xlane v16, v51  }
0x2ad: {  	v52 =	vmul.f32 v29, v29;
	v20 =	vadd.f32 v44, v20;
	v42 =	vmul.f32 v46, v42  }
0x2ae: {  	v41 =	vadd.f32 v48, v41;
	v48 =	vperm.xlane v17, v51;
	v46 =	vmul.f32 v26, v26  }
0x2af: {  	v40 =	vadd.f32 v52, v40;
	v52 =	vperm.xlane v20, v21;
	v42 =	vmin.f32 v42, $9.999999950e+11  }
0x2b0: {  	v43 =	vadd.f32 v46, v43;
	v44 =	vmul.f32 v42, v55;
	v45 =	vmul.f32 v42, v54;
	v54 =	vld [tilespmem:$0x1FE60]  }
0x2b1: {  	v49 =	vshll.u32 v49, v50;
	v46 =	vmul.f32 v42, v53;
	v39 =	vmul.f32 v42, v39;
	v55 =	vld [tilespmem:$0x1FE60]  }
0x2b2: {  	v42 =	vperm.xlane v40, v21;
	v20 =	vadd.f32 v20, v52;
	v52 =	vld [tilespmem:$0x1FE60];
	v53 =	vperm.xlane v43, v21  }
0x2b3: {  	v50 =	vperm.xlane v18, v51;
	v16 =	vadd.f32 v16, v47;
	v17 =	vadd.f32 v17, v48  }
0x2b4: {  	v40 =	vadd.f32 v40, v42;
	v42 =	vadd.f32 v43, v53;
	v53 =	vld [tilespmem:$0x1FE60]  }
0x2b5: {  	v18 =	vadd.f32 v18, v50;
	v48 =	vperm.xlane v16, v54;
	v54 =	vld [tilespmem:$0x1FE60]  }
0x2b6: {  	v51 =	vperm.xlane v41, v21;
	v50 =	vperm.xlane v17, v55;
	v55 =	vld [tilespmem:$0x1FE60]  }
0x2b7: {  	v43 =	vperm.xlane v18, v52;
	v52 =	vld [tilespmem:$0x1FE60]  }
0x2b8: {  	v41 =	vadd.f32 v41, v51;
	v16 =	vadd.f32 v16, v48  }
0x2b9: {  	v49 =	vbroadcast v49, $0x0  }
0x2ba: {  	v17 =	vadd.f32 v17, v50;
	v47 =	vperm.xlane v41, v53;
	v53 =	vperm.xlane v16, v56  }
0x2bb: {  	v18 =	vadd.f32 v18, v43;
	v48 =	vperm.xlane v20, v54;
	v50 =	vperm.xlane v40, v55  }
0x2bc: {  	v41 =	vadd.f32 v41, v47;
	v43 =	vperm.xlane v42, v52;
	v16 =	vadd.f32 v16, v53  }
0x2bd: {  	v54 =	vperm.xlane v17, v56;
	v20 =	vadd.f32 v20, v48;
	v40 =	vadd.f32 v40, v50  }
0x2be: {  	v50 =	vperm.xlane v18, v56;
	v42 =	vadd.f32 v42, v43;
	v43 =	vperm.xlane v41, v56  }
0x2bf: {  	v17 =	vadd.f32 v17, v54;
	v52 =	vperm.xlane v16, v38;
	v47 =	vperm.xlane v20, v56  }
0x2c0: {  	v48 =	vperm.xlane v40, v56;
	v51 =	vperm.xlane v42, v56;
	v18 =	vadd.f32 v18, v50  }
0x2c1: {  	v41 =	vadd.f32 v41, v43;
	v55 =	vperm.xlane v17, v38;
	v16 =	vadd.f32 v16, v52  }
0x2c2: {  	v20 =	vadd.f32 v20, v47;
	v40 =	vadd.f32 v40, v48;
	v53 =	vperm.xlane v18, v38  }
0x2c3: {  	v54 =	vperm.xlane v41, v38;
	v42 =	vadd.f32 v42, v51;
	v17 =	vadd.f32 v17, v55  }
0x2c4: {  	v47 =	vshrl.u32 v16, $0x1;
	v16 =	vmul.f32 $5.000000000e-01, v16;
	v50 =	vperm.xlane v20, v38  }
0x2c5: {  	v48 =	vshrl.u32 v17, $0x1;
	v17 =	vmul.f32 $5.000000000e-01, v17;
	v47 =	vsub.s32 $0x5F3759DF, v47  }
0x2c6: {  	v55 =	vld [tilespmem:$0x1FFC0];
	v18 =	vadd.f32 v18, v53;
	v48 =	vsub.s32 $0x5F3759DF, v48;
	v16 =	vmul.f32 v47, v16  }
0x2c7: {  	v43 =	vperm.xlane v40, v38;
	v41 =	vadd.f32 v41, v54;
	v53 =	vld [tilespmem:$0x1FF60];
	v17 =	vmul.f32 v48, v17  }
0x2c8: {  	v54 =	vld [tilespmem:$0x1FF70];
	v51 =	vshrl.u32 v18, $0x1;
	v18 =	vmul.f32 $5.000000000e-01, v18;
	v16 =	vmul.f32 v47, v16  }
0x2c9: {  	v20 =	vadd.f32 v20, v50;
	v40 =	vadd.f32 v40, v43;
	v17 =	vmul.f32 v48, v17  }
0x2ca: {  	v43 =	vadd.s32 v63, v35;
	v51 =	vsub.s32 $0x5F3759DF, v51;
	v16 =	vsub.f32 $1.500000000e+00, v16  }
0x2cb: {  	v50 =	vadd.s32 v55, v35;
	v18 =	vmul.f32 v51, v18;
	v17 =	vsub.f32 $1.500000000e+00, v17  }
0x2cc: {  	v55 =	vld [tilespmem:$0x1FF80];
	v35 =	vadd.s32 v60, v35;
	v16 =	vmul.f32 v47, v16;
	v47 =	vadd.s32 v53, v49  }
0x2cd: {  	v60 =	vld [tilespmem:$0x1FF90];
	v18 =	vmul.f32 v51, v18;
	v17 =	vmul.f32 v48, v17;
	v48 =	vadd.s32 v54, v49  }
0x2ce: {  	v52 =	vshrl.u32 v41, $0x1;
	v41 =	vmul.f32 $5.000000000e-01, v41  }
0x2cf: {  	v52 =	vsub.s32 $0x5F3759DF, v52;
	v18 =	vsub.f32 $1.500000000e+00, v18  }
0x2d0: {  	v63 =	vperm.xlane v42, v38;
	v41 =	vmul.f32 v52, v41  }
0x2d1: {  	v18 =	vmul.f32 v51, v18;
	v51 =	vadd.s32 v55, v49;
	[tilespmem:v47+s19+$0x0] =	vst.idx.msk $0xffff, v44  }
0x2d2: {  	v42 =	vadd.f32 v42, v63;
	v63 =	vmul.f32 $5.000000000e-01, v20;
	v49 =	vadd.s32 v60, v49;
	[tilespmem:v48+s19+$0x0] =	vst.idx.msk $0xffff, v45  }
0x2d3: {  	v20 =	vshrl.u32 v20, $0x1;
	v41 =	vmul.f32 v52, v41;
	v16 =	vmin.f32 v16, $9.999999950e+11;
	v47 =	vld [tilespmem:$0x1FDD0]  }
0x2d4: {  	v20 =	vsub.s32 $0x5F3759DF, v20;
	v37 =	vmul.f32 v16, v37  }
0x2d5: {  	v41 =	vsub.f32 $1.500000000e+00, v41;
	v19 =	vmul.f32 v16, v19;
	v36 =	vmul.f32 v16, v36  }
0x2d6: {  	v16 =	vmul.f32 v16, v57;
	v57 =	vmul.f32 v20, v63;
	[tilespmem:v51+s19+$0x0] =	vst.idx.msk $0xffff, v46  }
0x2d7: {  	v41 =	vmul.f32 v52, v41;
	v52 =	vld [tilespmem:$0x1FE60];
	[tilespmem:v49+s19+$0x0] =	vst.idx.msk $0xffff, v39  }
0x2d8: {  	[tilespmem:v34+s19+$0x0] =	vst.idx.msk $0xffff, v37;
	v38 =	vadd.s32 v47, v23;
	v47 =	vmul.f32 v20, v57  }
0x2d9: {  	[tilespmem:v50+s19+$0x0] =	vst.idx.msk $0xffff, v19  }
0x2da: {  	v50 =	vld [tilespmem:$0x1FE70];
	[tilespmem:v43+s19+$0x0] =	vst.idx.msk $0xffff, v36;
	v49 =	vsub.f32 $1.500000000e+00, v47  }
0x2db: {  	[tilespmem:v35+s19+$0x0] =	vst.idx.msk $0xffff, v16  }
0x2dc: {  	v16 =	vmul.f32 v20, v49;
	v20 =	vld [tilespmem:$0x1FDE0];
	_ =	sdelay $0x1  }
0x2dd: {  	v17 =	vmin.f32 v17, $9.999999950e+11  }
0x2de: {  	v11 =	vmul.f32 v17, v11;
	_ =	sdelay $0x1  }
0x2df: {  	[tilespmem:v38+s19+$0x0] =	vst.idx.msk $0xffff, v11;
	v20 =	vadd.s32 v20, v23  }
0x2e0: {  	s31 =	simm.s32 $0x4;
	v54 =	vld [tilespmem:$0x1FDF0]  }
0x2e1: {  	v25 =	vmov s31;
	v60 =	vshrl.u32 v42, $0x1  }
0x2e2: {  	v42 =	vmul.f32 $5.000000000e-01, v42;
	v63 =	vsub.s32 $0x5F3759DF, v60;
	v10 =	vmul.f32 v17, v10;
	v55 =	vld [tilespmem:$0x1FE00]  }
0x2e3: {  	v24 =	vmul.f32 v17, v24;
	v48 =	vshrl.u32 v40, $0x1;
	v40 =	vmul.f32 $5.000000000e-01, v40;
	v57 =	vld [tilespmem:$0x1FE10]  }
0x2e4: {  	v17 =	vmul.f32 v17, v33;
	v18 =	vmin.f32 v18, $9.999999950e+11;
	v44 =	vsub.s32 $0x5F3759DF, v48;
	v60 =	vld [tilespmem:$0x1FE20];
	[tilespmem:v20+s19+$0x0] =	vst.idx.msk $0xffff, v10  }
0x2e5: {  	v5 =	vmul.f32 v18, v5;
	v46 =	vmul.f32 v44, v40;
	v35 =	vadd.s32 v54, v23;
	v10 =	vld [tilespmem:$0x1FE30]  }
0x2e6: {  	v19 =	vshrl.u32 v25, $0x3;
	v25 =	vbroadcast v28, $0x0;
	v28 =	vmul.f32 v63, v42;
	v20 =	vld [tilespmem:$0x1FE40]  }
0x2e7: {  	v6 =	vmul.f32 v18, v6;
	v48 =	vmul.f32 v44, v46  }
0x2e8: {  	v22 =	vmul.f32 v18, v22;
	v28 =	vmul.f32 v63, v28;
	v27 =	vshll.u32 v27, v50  }
0x2e9: {  	v53 =	vsub.f32 $1.500000000e+00, v48;
	v11 =	vshll.u32 v19, v50;
	v19 =	vbroadcast v27, $0x0  }
0x2ea: {  	v27 =	vsub.f32 $1.500000000e+00, v28;
	v23 =	vadd.s32 v55, v23;
	v34 =	vadd.s32 v57, v25;
	[tilespmem:v35+s19+$0x0] =	vst.idx.msk $0xffff, v24  }
0x2eb: {  	v33 =	vadd.s32 v60, v25;
	v10 =	vadd.s32 v10, v25;
	v20 =	vadd.s32 v20, v25;
	v25 =	vld [tilespmem:$0x1FE50]  }
0x2ec: {  	v18 =	vmul.f32 v18, v32;
	v28 =	vmul.f32 v44, v53;
	v16 =	vmin.f32 v16, $9.999999950e+11  }
0x2ed: {  	v27 =	vmul.f32 v63, v27;
	v1 =	vmul.f32 v16, v1;
	v24 =	vmin.f32 v41, $9.999999950e+11  }
0x2ee: {  	v7 =	vmul.f32 v16, v7;
	v0 =	vmul.f32 v24, v0  }
0x2ef: {  	v2 =	vmul.f32 v24, v2;
	v15 =	vmul.f32 v24, v15  }
0x2f0: {  	[tilespmem:v23+s19+$0x0] =	vst.idx.msk $0xffff, v17;
	v17 =	vmul.f32 v24, v31;
	v63 =	vadd.s32 v25, v19  }
0x2f1: {  	v24 =	vadd.s32 v58, v19;
	[tilespmem:v34+s19+$0x0] =	vst.idx.msk $0xffff, v5;
	v31 =	vmul.f32 v16, v14  }
0x2f2: {  	v5 =	vmul.f32 v16, v30;
	v16 =	vadd.s32 v59, v19;
	[tilespmem:v33+s19+$0x0] =	vst.idx.msk $0xffff, v6  }
0x2f3: {  	v27 =	vmin.f32 v27, $9.999999950e+11;
	[tilespmem:v10+s19+$0x0] =	vst.idx.msk $0xffff, v22  }
0x2f4: {  	s30 =	simm.s32 $0x5;
	s25 =	simm.s32 $0x8;
	v28 =	vmin.f32 v28, $9.999999950e+11;
	v6 =	vmul.f32 v27, v4;
	[tilespmem:v20+s19+$0x0] =	vst.idx.msk $0xffff, v18  }
0x2f5: {  	v4 =	vmov s25;
	v25 =	vmul.f32 v28, v8;
	v8 =	vmov s30;
	[tilespmem:v63+s19+$0x0] =	vst.idx.msk $0xffff, v0  }
0x2f6: {  	v8 =	vshrl.u32 v8, $0x3;
	v0 =	vshrl.u32 v4, $0x3;
	v4 =	vld [tilespmem:$0x1FEC0];
	[tilespmem:v24+s19+$0x0] =	vst.idx.msk $0xffff, v2  }
0x2f7: {  	v30 =	vadd.s32 v61, v19;
	v8 =	vshll.u32 v8, v50;
	v2 =	vld [tilespmem:$0x1FDC0];
	[tilespmem:v16+s19+$0x0] =	vst.idx.msk $0xffff, v15  }
0x2f8: {  	v18 =	vbroadcast v8, $0x0;
	v8 =	vshll.u32 v0, v50;
	v0 =	vld [tilespmem:$0x1FED0]  }
0x2f9: {  	v11 =	vbroadcast v11, $0x0  }
0x2fa: {  	v3 =	vmul.f32 v28, v3;
	v23 =	vmul.f32 v28, v13  }
0x2fb: {  	s31 =	simm.s32 $0x6;
	v14 =	vmul.f32 v27, v9;
	v19 =	vmul.f32 v28, v29;
	v28 =	vadd.s32 v62, v11  }
0x2fc: {  	v9 =	vmul.f32 v27, v12;
	v12 =	vmov s31;
	[tilespmem:v30+s19+$0x0] =	vst.idx.msk $0xffff, v17;
	v4 =	vadd.s32 v4, v11  }
0x2fd: {  	v10 =	vmul.f32 v27, v26;
	v26 =	vadd.s32 v0, v11;
	v0 =	vshrl.u32 v12, $0x3;
	v12 =	vld [tilespmem:$0x1FEE0];
	_ =	sdelay $0x1  }
0x2fe: {  	s28 =	simm.s32 $0x9  }
0x2ff: {  	v2 =	vadd.s32 v2, v11;
	v11 =	vmov s28;
	[tilespmem:v28+s19+$0x0] =	vst.idx.msk $0xffff, v1  }
0x300: {  	v0 =	vshll.u32 v0, v50;
	v1 =	vshrl.u32 v11, $0x3;
	v11 =	vld [tilespmem:$0x1FEF0];
	[tilespmem:v4+s19+$0x0] =	vst.idx.msk $0xffff, v7  }
0x301: {  	v13 =	vadd.s32 v12, v18;
	v12 =	vbroadcast v0, $0x0;
	v0 =	vld [tilespmem:$0x1FF00];
	_ =	sdelay $0x3  }
0x302: {  	[tilespmem:v2+s19+$0x0] =	vst.idx.msk $0xffff, v31  }
0x303: {  	v28 =	vadd.s32 v0, v18;
	v0 =	vld [tilespmem:$0x1FF10];
	_ =	sdelay $0x4  }
0x304: {  	s26 =	simm.s32 $0x8800;
	v22 =	vadd.s32 v0, v18;
	v0 =	vld [tilespmem:$0x1FF20]  }
0x305: {  	v53 =	vmov v56;
	v56 =	vld [tilespmem:s26+$0xD0]  }
0x306: {  	v55 =	vld [tilespmem:s26+$0xC0]  }
0x307: {  	v54 =	vld [tilespmem:s26+$0xFFFFFF10]  }
0x308: {  	v57 =	vld [tilespmem:s26+$0xE0]  }
0x309: {  	s29 =	simm.s32 $0xA;
	v51 =	vmovc v21;
	s28 =	simm.s32 $0x10;
	v31 =	vld [tilespmem:s26+$0xFFFFFF40];
	v29 =	vadd.s32 v11, v18;
	v11 =	vshll.u32 v1, v50;
	v63 =	vadd.s32 v0, v12  }
.LBB2_11:
0x30a: {  	v1 =	vld [tilespmem:$0x1FF30]  }
0x30b: {  	v2 =	vld [tilespmem:$0x1FF40];
	_ =	sdelay $0x2  }
0x30c: {  	v38 =	vld [tilespmem:s26+$0xF0]  }
0x30d: {  	v59 =	vld [tilespmem:s26+$0xFFFFFF80];
	[tilespmem:v26+s19+$0x0] =	vst.idx.msk $0xffff, v5;
	v1 =	vadd.s32 v1, v12  }
0x30e: {  	v60 =	vld [tilespmem:s26+$0xFFFFFF90];
	v5 =	vmul.f32 v55, v55;
	v7 =	vmul.f32 v56, v56;
	v2 =	vadd.s32 v2, v12;
	_ =	sdelay $0x1  }
0x30f: {  	v15 =	vld [tilespmem:$0x1FF50];
	v5 =	vadd.f32 v7, v5;
	v7 =	vmul.f32 v57, v57  }
0x310: {  	v0 =	vmov s29;
	v61 =	vld [tilespmem:s26+$0xFFFFFFC0];
	[tilespmem:v63+s19+$0x0] =	vst.idx.msk $0xffff, v14  }
0x311: {  	s29 =	sadd.s32 $0x3, s25;
	v62 =	vld [tilespmem:s26+$0xFFFFFFD0];
	v14 =	vbroadcast v8, $0x0;
	v5 =	vadd.f32 v7, v5;
	v7 =	vmul.f32 v38, v38;
	[tilespmem:v1+s19+$0x0] =	vst.idx.msk $0xffff, v6  }
0x312: {  	v58 =	vld [tilespmem:s26+$0xFFFFFF50];
	v4 =	vmov s29;
	s29 =	sadd.s32 $0x4, s25;
	v1 =	vmul.f32 v59, v59;
	[tilespmem:v2+s19+$0x0] =	vst.idx.msk $0xffff, v9;
	v2 =	vmul.f32 v60, v60  }
0x313: {  	[tilespmem:v13+s19+$0x0] =	vst.idx.msk $0xffff, v3;
	v0 =	vshrl.u32 v0, $0x3;
	v3 =	vmov s29;
	v5 =	vadd.f32 v7, v5  }
0x314: {  	v0 =	vshll.u32 v0, v50;
	v3 =	vshrl.u32 v3, $0x3;
	v20 =	vadd.f32 v2, v1;
	v1 =	vld [tilespmem:$0x1FFD0]  }
0x315: {  	[tilespmem:v29+s19+$0x0] =	vst.idx.msk $0xffff, v25;
	v63 =	vld [tilespmem:s26+$0x0];
	v18 =	vbroadcast v0, $0x0;
	v39 =	vshll.u32 v3, v50;
	v3 =	vperm.xlane v5, v51  }
0x316: {  	v8 =	vld [tilespmem:s26+$0x10];
	v12 =	vadd.s32 v15, v12;
	v0 =	vmul.f32 v61, v61;
	v2 =	vmul.f32 v62, v62  }
0x317: {  	v15 =	vmul.f32 v31, v31;
	v16 =	vmul.f32 v58, v58;
	v6 =	vadd.f32 v5, v3;
	v3 =	vld [tilespmem:$0x1FFF0]  }
0x318: {  	[tilespmem:v28+s19+$0x0] =	vst.idx.msk $0xffff, v23;
	v28 =	vadd.f32 v2, v0;
	v2 =	vld [tilespmem:$0x1FFE0]  }
0x319: {  	[tilespmem:v22+s19+$0x0] =	vst.idx.msk $0xffff, v19;
	v16 =	vadd.f32 v16, v15;
	v15 =	vadd.s32 v1, v14;
	v1 =	vld [tilespmem:$0x1FFC0]  }
0x31a: {  	v4 =	vshrl.u32 v4, $0x3;
	v9 =	vld [tilespmem:s26+$0x40]  }
0x31b: {  	v4 =	vshll.u32 v4, v50;
	[tilespmem:v12+s19+$0x0] =	vst.idx.msk $0xffff, v10;
	v12 =	vld [tilespmem:s26+$0x50]  }
0x31c: {  	v34 =	vbroadcast v4, $0x0  }
0x31d: {  	v4 =	vmul.f32 v63, v63;
	v0 =	vmul.f32 v8, v8  }
0x31e: {  	v2 =	vadd.s32 v2, v14;
	v1 =	vadd.s32 v1, v14;
	v14 =	vadd.s32 v3, v14;
	v3 =	vld [tilespmem:$0x1FDD0];
	_ =	sdelay $0x1  }
0x31f: {  	v19 =	vmul.f32 v9, v9;
	v29 =	vadd.f32 v0, v4;
	v0 =	vmul.f32 v12, v12  }
0x320: {  	v17 =	vbroadcast v11, $0x0  }
0x321: {  	[tilespmem:$0x1FC00] =	vst v1;
	v1 =	vmov v31;
	v31 =	vadd.f32 v0, v19;
	v0 =	vld [tilespmem:$0x1FDF0]  }
0x322: {  	v5 =	vadd.s32 v3, v17;
	v3 =	vld [tilespmem:$0x1FDE0];
	_ =	sdelay $0x2  }
0x323: {  	v7 =	vperm.xlane v6, v52;
	_ =	sdelay $0x1  }
0x324: {  	v27 =	vadd.f32 v6, v7;
	v6 =	vadd.s32 v3, v17;
	v3 =	vadd.s32 v0, v17;
	v0 =	vld [tilespmem:$0x1FE00];
	_ =	sdelay $0x4  }
0x325: {  	v19 =	vadd.s32 v0, v17;
	v0 =	vld [tilespmem:$0x1FE10];
	_ =	sdelay $0x1  }
0x326: {  	v10 =	vld [tilespmem:s26+$0x80]  }
0x327: {  	v11 =	vld [tilespmem:s26+$0x90];
	v33 =	vperm.xlane v27, v53;
	_ =	sdelay $0x1  }
0x328: {  	v40 =	vadd.f32 v27, v33;
	v27 =	vadd.s32 v0, v18;
	v0 =	vld [tilespmem:$0x1FE20];
	_ =	sdelay $0x2  }
0x329: {  	v25 =	vld [tilespmem:s26+$0xFFFFFF00];
	v24 =	vmul.f32 v10, v10;
	v30 =	vmul.f32 v11, v11  }
0x32a: {  	v26 =	vld [tilespmem:s26+$0xFFFFFF20]  }
0x32b: {  	v17 =	vadd.f32 v30, v24;
	v24 =	vadd.s32 v0, v18;
	v0 =	vld [tilespmem:$0x1FFB0]  }
0x32c: {  	[tilespmem:$0x1FC10] =	vst v14;
	v14 =	vld [tilespmem:s26+$0x60]  }
0x32d: {  	v7 =	vld [tilespmem:s26+$0xFFFFFFE0]  }
0x32e: {  	v13 =	vmul.f32 v54, v54;
	v32 =	vmul.f32 v25, v25;
	v4 =	vld [tilespmem:s26+$0x20];
	_ =	sdelay $0x1  }
0x32f: {  	v35 =	vmul.f32 v26, v26;
	v30 =	vadd.f32 v13, v32;
	v42 =	vperm.xlane v40, v0  }
0x330: {  	v22 =	vld [tilespmem:s26+$0xFFFFFFA0];
	v45 =	vmul.f32 v14, v14  }
0x331: {  	v41 =	vadd.f32 v35, v30;
	v30 =	vmul.f32 v7, v7;
	v40 =	vadd.f32 v40, v42  }
0x332: {  	v23 =	vld [tilespmem:s26+$0xFFFFFF60];
	v43 =	vmul.f32 v4, v4  }
0x333: {  	v45 =	vadd.f32 v45, v31;
	v44 =	vadd.f32 v30, v28;
	v28 =	vld [tilespmem:$0x1FE30];
	v31 =	vshrl.u32 v40, $0x1  }
0x334: {  	v42 =	vadd.f32 v43, v29;
	v43 =	vsub.s32 $0x5F3759DF, v31;
	v31 =	vld [tilespmem:$0x1FE40]  }
0x335: {  	v51 =	vmul.f32 v22, v22;
	v35 =	vld [tilespmem:s26+$0xFFFFFFB0]  }
0x336: {  	v33 =	vld [tilespmem:s26+$0xFFFFFFF0]  }
0x337: {  	v20 =	vadd.f32 v51, v20;
	v51 =	vld [tilespmem:$0x1FE70];
	v40 =	vmul.f32 $5.000000000e-01, v40  }
0x338: {  	v13 =	vld [tilespmem:s26+$0xA0]  }
0x339: {  	v32 =	vld [tilespmem:s26+$0x30];
	v28 =	vadd.s32 v28, v18;
	v31 =	vadd.s32 v31, v18;
	v18 =	vmul.f32 v43, v40  }
0x33a: {  	s29 =	sadd.s32 $0x7, s25;
	v29 =	vld [tilespmem:s26+$0xB0];
	v40 =	vmul.f32 v35, v35  }
0x33b: {  	v49 =	vmov s29;
	v48 =	vmul.f32 v33, v33;
	v18 =	vmul.f32 v43, v18  }
0x33c: {  	v37 =	vld [tilespmem:s26+$0xFFFFFF30];
	v49 =	vshrl.u32 v49, $0x3;
	v50 =	vmul.f32 v23, v23;
	v20 =	vadd.f32 v40, v20  }
0x33d: {  	v52 =	vmul.f32 v13, v13;
	v40 =	vadd.f32 v48, v44;
	v48 =	vld [tilespmem:$0x1FF60];
	v18 =	vsub.f32 $1.500000000e+00, v18  }
0x33e: {  	v16 =	vadd.f32 v50, v16;
	v49 =	vshll.u32 v49, v51;
	v30 =	vld [tilespmem:s26+$0x70];
	v50 =	vmul.f32 v32, v32  }
0x33f: {  	v36 =	vld [tilespmem:s26+$0xFFFFFF70];
	v17 =	vadd.f32 v52, v17;
	v51 =	vmul.f32 v29, v29;
	v18 =	vmul.f32 v43, v18  }
0x340: {  	v49 =	vbroadcast v49, $0x0;
	v42 =	vadd.f32 v50, v42;
	v50 =	vld [tilespmem:$0x1FF70]  }
0x341: {  	v46 =	vmul.f32 v37, v37;
	v17 =	vadd.f32 v51, v17;
	v51 =	vld [tilespmem:$0x1FF80];
	v18 =	vmin.f32 v18, $9.999999950e+11  }
0x342: {  	v43 =	vadd.s32 v48, v49;
	v48 =	vmul.f32 v18, v55;
	v55 =	vld [tilespmem:$0x1FF90]  }
0x343: {  	v41 =	vadd.f32 v46, v41;
	v46 =	vmul.f32 v30, v30;
	_ =	sdelay $0x1  }
0x344: {  	v44 =	vadd.f32 v46, v45;
	v45 =	vadd.s32 v50, v49  }
0x345: {  	v52 =	vperm.xlane v41, v21;
	v46 =	vadd.s32 v51, v49  }
0x346: {  	v47 =	vmul.f32 v36, v36;
	v49 =	vadd.s32 v55, v49  }
0x347: {  	v41 =	vadd.f32 v41, v52;
	v52 =	vperm.xlane v40, v21;
	v55 =	vmul.f32 v18, v56  }
0x348: {  	v16 =	vadd.f32 v47, v16;
	[tilespmem:v43+s19+$0x0] =	vst.idx.msk $0xffff, v48;
	v56 =	vmul.f32 v18, v57  }
0x349: {  	v18 =	vmul.f32 v18, v38;
	v57 =	vadd.f32 v40, v52;
	v52 =	vld [tilespmem:$0x1FE60];
	[tilespmem:v45+s19+$0x0] =	vst.idx.msk $0xffff, v55  }
0x34a: {  	v47 =	vperm.xlane v16, v21;
	v50 =	vperm.xlane v20, v21;
	[tilespmem:v46+s19+$0x0] =	vst.idx.msk $0xffff, v56  }
0x34b: {  	v48 =	vperm.xlane v42, v21;
	[tilespmem:v49+s19+$0x0] =	vst.idx.msk $0xffff, v18;
	v18 =	vld [tilespmem:$0x1FE60]  }
0x34c: {  	v16 =	vadd.f32 v16, v47;
	v20 =	vadd.f32 v20, v50;
	v38 =	vperm.xlane v44, v21  }
0x34d: {  	v40 =	vadd.f32 v42, v48;
	v45 =	vperm.xlane v17, v21;
	v56 =	vbroadcast v39, $0x0  }
0x34e: {  	v38 =	vadd.f32 v44, v38;
	v48 =	vperm.xlane v16, v52;
	v49 =	vperm.xlane v20, v52  }
0x34f: {  	v17 =	vadd.f32 v17, v45;
	v50 =	vperm.xlane v57, v52;
	v55 =	vperm.xlane v40, v52  }
0x350: {  	v44 =	vperm.xlane v38, v52;
	v16 =	vadd.f32 v16, v48;
	v18 =	vperm.xlane v41, v18  }
0x351: {  	v20 =	vadd.f32 v20, v49;
	v39 =	vadd.f32 v57, v50;
	v57 =	vperm.xlane v17, v52  }
0x352: {  	v40 =	vadd.f32 v40, v55;
	v49 =	vperm.xlane v16, v53;
	v18 =	vadd.f32 v41, v18  }
0x353: {  	v38 =	vadd.f32 v38, v44;
	v44 =	vperm.xlane v20, v53;
	v50 =	vperm.xlane v39, v53  }
0x354: {  	v17 =	vadd.f32 v17, v57;
	v55 =	vperm.xlane v40, v53;
	v48 =	vperm.xlane v18, v53  }
0x355: {  	v57 =	vperm.xlane v38, v53;
	v16 =	vadd.f32 v16, v49;
	v20 =	vadd.f32 v20, v44  }
0x356: {  	v39 =	vadd.f32 v39, v50;
	v18 =	vadd.f32 v18, v48;
	v48 =	vperm.xlane v17, v53  }
0x357: {  	v40 =	vadd.f32 v40, v55;
	v38 =	vadd.f32 v38, v57;
	v50 =	vperm.xlane v16, v0  }
0x358: {  	v55 =	vperm.xlane v20, v0;
	v49 =	vperm.xlane v18, v0;
	v17 =	vadd.f32 v17, v48  }
0x359: {  	v57 =	vperm.xlane v39, v0;
	v16 =	vadd.f32 v16, v50;
	v48 =	vperm.xlane v40, v0  }
0x35a: {  	v18 =	vadd.f32 v18, v49;
	v49 =	vperm.xlane v38, v0;
	v50 =	vperm.xlane v17, v0;
	v0 =	vld [tilespmem:$0x1FE50];
	_ =	sdelay $0x1  }
0x35b: {  	v40 =	vadd.f32 v40, v48;
	_ =	sdelay $0x1  }
0x35c: {  	v48 =	vshrl.u32 v40, $0x1  }
0x35d: {  	v45 =	vsub.s32 $0x5F3759DF, v48;
	v48 =	vadd.s32 v0, v34;
	v0 =	vld [tilespmem:$0x1FE80];
	_ =	sdelay $0x1  }
0x35e: {  	v20 =	vadd.f32 v20, v55;
	_ =	sdelay $0x1  }
0x35f: {  	v55 =	vshrl.u32 v20, $0x1  }
0x360: {  	v43 =	vsub.s32 $0x5F3759DF, v55;
	v55 =	vadd.s32 v0, v34;
	v0 =	vld [tilespmem:$0x1FE90];
	_ =	sdelay $0x1  }
0x361: {  	v39 =	vadd.f32 v39, v57;
	_ =	sdelay $0x1  }
0x362: {  	v57 =	vshrl.u32 v39, $0x1  }
0x363: {  	v44 =	vsub.s32 $0x5F3759DF, v57;
	v17 =	vadd.f32 v17, v50;
	v57 =	vadd.s32 v0, v34;
	v0 =	vld [tilespmem:$0x1FEA0]  }
0x364: {  	v41 =	vshrl.u32 v16, $0x1;
	v42 =	vshrl.u32 v18, $0x1  }
0x365: {  	v18 =	vmul.f32 $5.000000000e-01, v18;
	v50 =	vshrl.u32 v17, $0x1;
	v17 =	vmul.f32 $5.000000000e-01, v17  }
0x366: {  	v16 =	vmul.f32 $5.000000000e-01, v16;
	v42 =	vsub.s32 $0x5F3759DF, v42;
	v47 =	vsub.s32 $0x5F3759DF, v50  }
0x367: {  	v41 =	vsub.s32 $0x5F3759DF, v41;
	v18 =	vmul.f32 v42, v18;
	v17 =	vmul.f32 v47, v17  }
0x368: {  	v16 =	vmul.f32 v41, v16;
	v38 =	vadd.f32 v38, v49;
	v34 =	vadd.s32 v0, v34;
	v0 =	vld [tilespmem:$0x1FEB0]  }
0x369: {  	v18 =	vmul.f32 v42, v18;
	v17 =	vmul.f32 v47, v17  }
0x36a: {  	v16 =	vmul.f32 v41, v16;
	v49 =	vshrl.u32 v38, $0x1;
	v38 =	vmul.f32 $5.000000000e-01, v38  }
0x36b: {  	v46 =	vsub.s32 $0x5F3759DF, v49;
	v18 =	vsub.f32 $1.500000000e+00, v18;
	v17 =	vsub.f32 $1.500000000e+00, v17  }
0x36c: {  	v39 =	vmul.f32 $5.000000000e-01, v39;
	v16 =	vsub.f32 $1.500000000e+00, v16;
	v38 =	vmul.f32 v46, v38  }
0x36d: {  	v18 =	vmul.f32 v42, v18;
	v17 =	vmul.f32 v47, v17;
	v47 =	vadd.s32 v0, v56;
	v0 =	vld [tilespmem:$0x1FC00]  }
0x36e: {  	v20 =	vmul.f32 $5.000000000e-01, v20;
	v39 =	vmul.f32 v44, v39  }
0x36f: {  	v16 =	vmul.f32 v41, v16;
	v38 =	vmul.f32 v46, v38;
	v18 =	vmin.f32 v18, $9.999999950e+11  }
0x370: {  	v20 =	vmul.f32 v43, v20;
	v25 =	vmul.f32 v18, v25  }
0x371: {  	v39 =	vmul.f32 v44, v39;
	v16 =	vmin.f32 v16, $9.999999950e+11;
	v38 =	vsub.f32 $1.500000000e+00, v38  }
0x372: {  	v40 =	vmul.f32 $5.000000000e-01, v40;
	[tilespmem:v15+s19+$0x0] =	vst.idx.msk $0xffff, v25;
	v15 =	vmul.f32 v16, v1  }
0x373: {  	v39 =	vsub.f32 $1.500000000e+00, v39;
	v38 =	vmul.f32 v46, v38;
	v46 =	vmul.f32 v18, v54  }
0x374: {  	v40 =	vmul.f32 v45, v40;
	v25 =	vmul.f32 v16, v58;
	[tilespmem:v5+s19+$0x0] =	vst.idx.msk $0xffff, v15  }
0x375: {  	v20 =	vmul.f32 v43, v20;
	v39 =	vmul.f32 v44, v39;
	v17 =	vmin.f32 v17, $9.999999950e+11;
	[tilespmem:v0+s19+$0x0] =	vst.idx.msk $0xffff, v46;
	v0 =	vld [tilespmem:$0x1FC10]  }
0x376: {  	v40 =	vmul.f32 v45, v40;
	[tilespmem:v6+s19+$0x0] =	vst.idx.msk $0xffff, v25;
	v6 =	vmul.f32 v17, v11;
	v11 =	vld [tilespmem:$0x1FEC0]  }
0x377: {  	v20 =	vsub.f32 $1.500000000e+00, v20  }
0x378: {  	v39 =	vmin.f32 v39, $9.999999950e+11;
	v40 =	vsub.f32 $1.500000000e+00, v40  }
0x379: {  	v20 =	vmul.f32 v43, v20;
	v15 =	vmul.f32 v39, v61  }
0x37a: {  	v40 =	vmul.f32 v45, v40;
	v26 =	vmul.f32 v18, v26  }
0x37b: {  	v18 =	vmul.f32 v18, v37;
	[tilespmem:v48+s19+$0x0] =	vst.idx.msk $0xffff, v15;
	v15 =	vadd.s32 v11, v56;
	v11 =	vld [tilespmem:$0x1FE70]  }
0x37c: {  	v40 =	vmin.f32 v40, $9.999999950e+11;
	v1 =	vmul.f32 v16, v23;
	[tilespmem:v2+s19+$0x0] =	vst.idx.msk $0xffff, v26  }
0x37d: {  	s29 =	sadd.s32 $0x5, s25;
	v20 =	vmin.f32 v20, $9.999999950e+11;
	v38 =	vmin.f32 v38, $9.999999950e+11;
	[tilespmem:v0+s19+$0x0] =	vst.idx.msk $0xffff, v18;
	v0 =	vmul.f32 v40, v63  }
0x37e: {  	[tilespmem:v3+s19+$0x0] =	vst.idx.msk $0xffff, v1;
	v1 =	vmul.f32 v40, v8;
	v8 =	vmov s29;
	v2 =	vmul.f32 v20, v59  }
0x37f: {  	v23 =	vmul.f32 v20, v60;
	v3 =	vmul.f32 v38, v9;
	v8 =	vshrl.u32 v8, $0x3;
	[tilespmem:v47+s19+$0x0] =	vst.idx.msk $0xffff, v0;
	v0 =	vld [tilespmem:$0x1FEF0]  }
0x380: {  	v9 =	vmul.f32 v17, v13;
	v8 =	vshll.u32 v8, v11;
	[tilespmem:v27+s19+$0x0] =	vst.idx.msk $0xffff, v2  }
0x381: {  	[tilespmem:v24+s19+$0x0] =	vst.idx.msk $0xffff, v23;
	v23 =	vmul.f32 v38, v14;
	v14 =	vmul.f32 v17, v10  }
0x382: {  	v10 =	vmul.f32 v17, v29;
	v17 =	vbroadcast v8, $0x0  }
0x383: {  	v8 =	vld [tilespmem:$0x1FE70]  }
0x384: {  	v29 =	vadd.s32 v0, v17;
	v0 =	vld [tilespmem:$0x1FF00];
	_ =	sdelay $0x1  }
0x385: {  	v2 =	vmov s28  }
0x386: {  	v49 =	vld [tilespmem:$0x1FDC0];
	v2 =	vshrl.u32 v2, $0x3;
	v18 =	vmul.f32 v20, v22  }
0x387: {  	v8 =	vshll.u32 v2, v8;
	v2 =	vld [tilespmem:$0x1FED0]  }
0x388: {  	[tilespmem:v28+s19+$0x0] =	vst.idx.msk $0xffff, v18;
	v28 =	vadd.s32 v0, v17;
	v0 =	vld [tilespmem:$0x1FF10]  }
0x389: {  	v16 =	vmul.f32 v16, v36  }
0x38a: {  	v50 =	vld [tilespmem:$0x1FE70];
	s29 =	sadd.s32 $0x6, s25;
	v22 =	vmul.f32 v39, v62  }
0x38b: {  	v7 =	vmul.f32 v39, v7;
	[tilespmem:v19+s19+$0x0] =	vst.idx.msk $0xffff, v16;
	v11 =	vmov s29;
	v20 =	vmul.f32 v20, v35  }
0x38c: {  	v16 =	vadd.s32 v49, v56;
	[tilespmem:v55+s19+$0x0] =	vst.idx.msk $0xffff, v22;
	v26 =	vadd.s32 v2, v56;
	v2 =	vshrl.u32 v11, $0x3;
	v11 =	vld [tilespmem:$0x1FEE0]  }
0x38d: {  	p0 =	slt.u32 s28, $0x78;
	s26 =	sadd.s32 $0x200, s26;
	[tilespmem:v31+s19+$0x0] =	vst.idx.msk $0xffff, v20;
	v22 =	vadd.s32 v0, v17;
	v0 =	vld [tilespmem:$0x1FF20]  }
.Ltmp7:
0x38e: {  	v33 =	vmul.f32 v39, v33;
	v54 =	vld [tilespmem:s26+$0xFFFFFF10];
	[tilespmem:v57+s19+$0x0] =	vst.idx.msk $0xffff, v7;
	(pc) =	sbr.rel @p0 .LBB2_11-.Ltmp7, $4  }
0x38f: {  	v4 =	vmul.f32 v40, v4;
	s29 =	sadd.s32 $0x1, s28;
	v55 =	vld [tilespmem:s26+$0xC0];
	[tilespmem:v15+s19+$0x0] =	vst.idx.msk $0xffff, v1;
	v2 =	vshll.u32 v2, v50  }
0x390: {  	v25 =	vmul.f32 v38, v12;
	v7 =	vmov s29;
	v57 =	vld [tilespmem:s26+$0xE0];
	[tilespmem:v34+s19+$0x0] =	vst.idx.msk $0xffff, v33;
	v12 =	vbroadcast v2, $0x0  }
0x391: {  	v5 =	vmul.f32 v40, v32;
	s25 =	smov.u32 s28;
	v19 =	vmul.f32 v38, v30;
	v31 =	vld [tilespmem:s26+$0xFFFFFF40];
	v7 =	vshrl.u32 v7, $0x3;
	[tilespmem:v16+s19+$0x0] =	vst.idx.msk $0xffff, v4  }
0x392: {  	v51 =	vmovc v21;
	s28 =	sadd.s32 $0x8, s28;
	s29 =	sadd.s32 $0x2, s25;
	v56 =	vld [tilespmem:s26+$0xD0];
	v13 =	vadd.s32 v11, v17;
	v11 =	vshll.u32 v7, v50;
	v63 =	vadd.s32 v0, v12  }
0x393: {  	_ =	sdelay $0x3  }
0x394: {  	v0 =	vmul.f32 v55, v55;
	v1 =	vmul.f32 v56, v56  }
0x395: {  	v39 =	vld [tilespmem:s26+$0xF0]  }
0x396: {  	v24 =	vld [tilespmem:s26+$0xFFFFFF50];
	v41 =	vmul.f32 v57, v57;
	v0 =	vadd.f32 v1, v0  }
0x397: {  	v15 =	vld [tilespmem:s26+$0xFFFFFF80]  }
0x398: {  	v1 =	vadd.f32 v41, v0;
	v41 =	vld [tilespmem:s26+$0xFFFFFFD0]  }
0x399: {  	v7 =	vld [tilespmem:s26+$0xFFFFFF90]  }
0x39a: {  	v4 =	vld [tilespmem:s26+$0xFFFFFFC0]  }
0x39b: {  	v42 =	vld [tilespmem:$0x1FF30]  }
0x39c: {  	v43 =	vld [tilespmem:$0x1FF40]  }
0x39d: {  	v58 =	vld [tilespmem:$0x1FF50];
	[tilespmem:$0x1FBE0] =	vst v41  }
0x39e: {  	v2 =	vmul.f32 v39, v39;
	v21 =	vld [tilespmem:s26+$0x50]  }
0x39f: {  	s28 =	sadd.s32 $0x3, s25  }
0x3a0: {  	v20 =	vmov s28;
	s28 =	sadd.s32 $0x4, s25;
	v16 =	vadd.f32 v2, v1  }
0x3a1: {  	v17 =	vmov s29;
	v34 =	vmul.f32 v54, v54;
	v30 =	vmov s28;
	v1 =	vld [tilespmem:s26+$0x0]  }
0x3a2: {  	v38 =	vbroadcast v8, $0x0;
	v30 =	vshrl.u32 v30, $0x3;
	v27 =	vperm.xlane v16, v51;
	v2 =	vld [tilespmem:s26+$0x10]  }
0x3a3: {  	v18 =	vadd.s32 v42, v12;
	v60 =	vadd.s32 v43, v12;
	v62 =	vadd.s32 v58, v12;
	v12 =	vld [tilespmem:s26+$0x40];
	[tilespmem:$0x1FBF0] =	vst v21  }
0x3a4: {  	v33 =	vbroadcast v11, $0x0;
	v17 =	vshrl.u32 v17, $0x3;
	v16 =	vadd.f32 v16, v27;
	v8 =	vld [tilespmem:s26+$0x80];
	[tilespmem:$0x1FBD0] =	vst v30  }
0x3a5: {  	v17 =	vshll.u32 v17, v50;
	v44 =	vmul.f32 v31, v31;
	v27 =	vmul.f32 v24, v24;
	v11 =	vld [tilespmem:s26+$0x90]  }
0x3a6: {  	v20 =	vshrl.u32 v20, $0x3;
	v32 =	vmul.f32 v15, v15;
	v45 =	vperm.xlane v16, v52;
	v37 =	vld [tilespmem:s26+$0xFFFFFF00]  }
0x3a7: {  	v36 =	vmul.f32 v7, v7;
	v0 =	vmov v31;
	v40 =	vadd.f32 v27, v44;
	[tilespmem:v26+s19+$0x0] =	vst.idx.msk $0xffff, v5;
	v35 =	vld [tilespmem:s26+$0xFFFFFF20]  }
0x3a8: {  	v31 =	vbroadcast v17, $0x0;
	v27 =	vmul.f32 v41, v41;
	v46 =	vadd.f32 v16, v45;
	[tilespmem:v13+s19+$0x0] =	vst.idx.msk $0xffff, v3;
	v30 =	vld [tilespmem:s26+$0xFFFFFFA0]  }
0x3a9: {  	v20 =	vshll.u32 v20, v50;
	v16 =	vmul.f32 v4, v4;
	v42 =	vmul.f32 v21, v21;
	v21 =	vld [tilespmem:$0x1FFB0]  }
0x3aa: {  	v17 =	vadd.f32 v36, v32;
	v61 =	vmul.f32 v12, v12;
	v47 =	vperm.xlane v46, v53;
	v13 =	vld [tilespmem:s26+$0x20]  }
0x3ab: {  	v48 =	vmul.f32 v2, v2;
	v16 =	vadd.f32 v27, v16;
	v26 =	vbroadcast v20, $0x0;
	v3 =	vld [tilespmem:$0x1FFD0]  }
0x3ac: {  	v32 =	vld [tilespmem:s26+$0xFFFFFF60];
	v20 =	vmul.f32 v1, v1;
	v41 =	vadd.f32 v42, v61;
	v43 =	vadd.f32 v46, v47  }
0x3ad: {  	v27 =	vld [tilespmem:s26+$0xFFFFFFE0];
	[tilespmem:v29+s19+$0x0] =	vst.idx.msk $0xffff, v25;
	v36 =	vmul.f32 v8, v8;
	v44 =	vmul.f32 v37, v37  }
0x3ae: {  	v5 =	vld [tilespmem:s26+$0x60];
	v20 =	vadd.f32 v48, v20;
	v48 =	vmul.f32 v11, v11;
	v45 =	vperm.xlane v43, v21  }
0x3af: {  	v61 =	vld [tilespmem:s26+$0xFFFFFF30];
	[tilespmem:v28+s19+$0x0] =	vst.idx.msk $0xffff, v23;
	v46 =	vmul.f32 v35, v35;
	v47 =	vmul.f32 v30, v30  }
0x3b0: {  	v28 =	vld [tilespmem:s26+$0x30];
	v23 =	vmul.f32 v13, v13;
	v59 =	vadd.s32 v3, v38;
	v43 =	vadd.f32 v43, v45  }
0x3b1: {  	v34 =	vadd.f32 v34, v44;
	v44 =	vmul.f32 v32, v32;
	v42 =	vadd.f32 v48, v36;
	v36 =	vld [tilespmem:s26+$0xFFFFFF70]  }
0x3b2: {  	v3 =	vld [tilespmem:s26+$0xA0];
	v17 =	vadd.f32 v47, v17;
	v25 =	vshrl.u32 v43, $0x1;
	v43 =	vmul.f32 $5.000000000e-01, v43  }
0x3b3: {  	v29 =	vld [tilespmem:s26+$0xFFFFFFF0];
	[tilespmem:v63+s19+$0x0] =	vst.idx.msk $0xffff, v14;
	v40 =	vadd.f32 v44, v40;
	v44 =	vmul.f32 v5, v5;
	v47 =	vsub.s32 $0x5F3759DF, v25  }
0x3b4: {  	v48 =	vmul.f32 v27, v27;
	v45 =	vadd.f32 v46, v34;
	v34 =	vld [tilespmem:s26+$0xFFFFFFB0];
	v43 =	vmul.f32 v47, v43  }
0x3b5: {  	v14 =	vmul.f32 v28, v28;
	v41 =	vadd.f32 v44, v41;
	v44 =	vmul.f32 v61, v61  }
0x3b6: {  	v20 =	vadd.f32 v23, v20;
	v46 =	vmul.f32 v36, v36;
	v43 =	vmul.f32 v47, v43  }
0x3b7: {  	v16 =	vadd.f32 v48, v16;
	v48 =	vmul.f32 v3, v3;
	v25 =	vld [tilespmem:s26+$0x70];
	v44 =	vadd.f32 v44, v45  }
0x3b8: {  	[tilespmem:v22+s19+$0x0] =	vst.idx.msk $0xffff, v19;
	v45 =	vmul.f32 v29, v29;
	v19 =	vadd.f32 v46, v40;
	v46 =	vsub.f32 $1.500000000e+00, v43  }
0x3b9: {  	v42 =	vadd.f32 v48, v42;
	v48 =	vmul.f32 v34, v34;
	v63 =	vperm.xlane v44, v51  }
0x3ba: {  	v14 =	vadd.f32 v14, v20;
	v16 =	vadd.f32 v45, v16;
	v40 =	vmul.f32 v47, v46  }
0x3bb: {  	v17 =	vadd.f32 v48, v17;
	v48 =	vadd.f32 v44, v63  }
0x3bc: {  	[tilespmem:v18+s19+$0x0] =	vst.idx.msk $0xffff, v6;
	v43 =	vmul.f32 v25, v25;
	v20 =	vperm.xlane v19, v51;
	v18 =	vmin.f32 v40, $9.999999950e+11  }
0x3bd: {  	v45 =	vmul.f32 v18, v57;
	v57 =	vperm.xlane v48, v52  }
0x3be: {  	v63 =	vperm.xlane v16, v51;
	v41 =	vadd.f32 v43, v41  }
0x3bf: {  	v19 =	vadd.f32 v19, v20;
	v20 =	vperm.xlane v14, v51;
	v40 =	vadd.f32 v48, v57  }
0x3c0: {  	v48 =	vperm.xlane v41, v51  }
0x3c1: {  	v23 =	vld [tilespmem:s26+$0xB0];
	v16 =	vadd.f32 v16, v63;
	v14 =	vadd.f32 v14, v20;
	v20 =	vperm.xlane v40, v53  }
0x3c2: {  	v57 =	vperm.xlane v19, v52;
	v41 =	vadd.f32 v41, v48  }
0x3c3: {  	v48 =	vperm.xlane v16, v52;
	v20 =	vadd.f32 v40, v20  }
0x3c4: {  	v19 =	vadd.f32 v19, v57;
	v57 =	vperm.xlane v41, v52  }
0x3c5: {  	s31 =	sadd.s32 $0x7, s25;
	v16 =	vadd.f32 v16, v48;
	v48 =	vperm.xlane v20, v21  }
0x3c6: {  	v22 =	vmov s31;
	v46 =	vmul.f32 v23, v23;
	v40 =	vadd.f32 v41, v57;
	v41 =	vld [tilespmem:$0x1FF60]  }
0x3c7: {  	v22 =	vshrl.u32 v22, $0x3;
	v43 =	vperm.xlane v17, v51;
	v20 =	vadd.f32 v20, v48;
	v48 =	vld [tilespmem:$0x1FF70]  }
0x3c8: {  	v22 =	vshll.u32 v22, v50;
	v42 =	vadd.f32 v46, v42  }
0x3c9: {  	v6 =	vbroadcast v22, $0x0;
	v17 =	vadd.f32 v17, v43  }
0x3ca: {  	v44 =	vmul.f32 v18, v56;
	v56 =	vperm.xlane v42, v51  }
0x3cb: {  	v63 =	vperm.xlane v17, v52;
	v41 =	vadd.s32 v41, v6  }
0x3cc: {  	v42 =	vadd.f32 v42, v56;
	v43 =	vadd.s32 v48, v6  }
0x3cd: {  	v22 =	vmul.f32 v18, v55;
	v55 =	vld [tilespmem:$0x1FFC0];
	v18 =	vmul.f32 v18, v39;
	v17 =	vadd.f32 v17, v63  }
0x3ce: {  	v63 =	vld [tilespmem:$0x1FFE0];
	v39 =	vperm.xlane v19, v53;
	v57 =	vperm.xlane v42, v52;
	[tilespmem:v60+s19+$0x0] =	vst.idx.msk $0xffff, v9  }
0x3cf: {  	v56 =	vperm.xlane v14, v52;
	[tilespmem:v62+s19+$0x0] =	vst.idx.msk $0xffff, v10;
	v60 =	vshrl.u32 v20, $0x1  }
0x3d0: {  	v19 =	vadd.f32 v19, v39;
	v10 =	vadd.f32 v42, v57;
	v42 =	vsub.s32 $0x5F3759DF, v60;
	v60 =	vld [tilespmem:$0x1FF80];
	[tilespmem:v41+s19+$0x0] =	vst.idx.msk $0xffff, v22  }
0x3d1: {  	v9 =	vperm.xlane v17, v53;
	v20 =	vmul.f32 $5.000000000e-01, v20;
	[tilespmem:v43+s19+$0x0] =	vst.idx.msk $0xffff, v44  }
0x3d2: {  	v14 =	vadd.f32 v14, v56;
	v56 =	vperm.xlane v19, v21;
	v62 =	vld [tilespmem:$0x1FF90]  }
0x3d3: {  	v9 =	vadd.f32 v17, v9;
	v17 =	vmul.f32 v42, v20  }
0x3d4: {  	v19 =	vadd.f32 v19, v56  }
0x3d5: {  	v57 =	vperm.xlane v16, v53;
	v17 =	vmul.f32 v42, v17  }
0x3d6: {  	v20 =	vadd.s32 v60, v6;
	v22 =	vshrl.u32 v19, $0x1;
	v19 =	vmul.f32 $5.000000000e-01, v19  }
0x3d7: {  	v17 =	vsub.f32 $1.500000000e+00, v17;
	v22 =	vsub.s32 $0x5F3759DF, v22;
	v6 =	vadd.s32 v62, v6  }
0x3d8: {  	v19 =	vmul.f32 v22, v19;
	v43 =	vld [tilespmem:$0x1FFF0]  }
0x3d9: {  	v16 =	vadd.f32 v16, v57;
	v57 =	vperm.xlane v40, v53;
	v17 =	vmul.f32 v42, v17;
	v42 =	vld [tilespmem:$0x1FDD0]  }
0x3da: {  	v47 =	vadd.s32 v55, v38;
	v19 =	vmul.f32 v22, v19  }
0x3db: {  	v46 =	vadd.s32 v63, v38;
	v39 =	vadd.f32 v40, v57;
	[tilespmem:v20+s19+$0x0] =	vst.idx.msk $0xffff, v45  }
0x3dc: {  	v60 =	vperm.xlane v10, v53;
	v17 =	vmin.f32 v17, $9.999999950e+11;
	[tilespmem:v6+s19+$0x0] =	vst.idx.msk $0xffff, v18;
	v18 =	vsub.f32 $1.500000000e+00, v19  }
0x3dd: {  	v38 =	vadd.s32 v43, v38;
	v62 =	vperm.xlane v9, v21;
	v19 =	vmul.f32 v17, v37  }
0x3de: {  	v57 =	vmul.f32 v17, v54;
	v48 =	vadd.s32 v42, v33;
	v18 =	vmul.f32 v22, v18  }
0x3df: {  	v35 =	vmul.f32 v17, v35;
	v9 =	vadd.f32 v9, v62;
	v41 =	vld [tilespmem:$0x1FDE0];
	[tilespmem:v59+s19+$0x0] =	vst.idx.msk $0xffff, v19  }
0x3e0: {  	v10 =	vadd.f32 v10, v60;
	v17 =	vmul.f32 v17, v61;
	[tilespmem:v47+s19+$0x0] =	vst.idx.msk $0xffff, v57;
	v18 =	vmin.f32 v18, $9.999999950e+11  }
0x3e1: {  	v19 =	vshrl.u32 v9, $0x1;
	v9 =	vmul.f32 $5.000000000e-01, v9;
	v44 =	vld [tilespmem:$0x1FDF0];
	[tilespmem:v46+s19+$0x0] =	vst.idx.msk $0xffff, v35;
	v60 =	vmul.f32 v18, v0  }
0x3e2: {  	v56 =	vperm.xlane v14, v53;
	v19 =	vsub.s32 $0x5F3759DF, v19;
	v45 =	vld [tilespmem:$0x1FE00];
	[tilespmem:v38+s19+$0x0] =	vst.idx.msk $0xffff, v17  }
0x3e3: {  	v9 =	vmul.f32 v19, v9;
	[tilespmem:v48+s19+$0x0] =	vst.idx.msk $0xffff, v60  }
0x3e4: {  	v14 =	vadd.f32 v14, v56;
	v20 =	vperm.xlane v16, v21;
	v38 =	vld [tilespmem:$0x1FE10]  }
0x3e5: {  	v9 =	vmul.f32 v19, v9;
	v62 =	vld [tilespmem:$0x1FE20]  }
0x3e6: {  	v16 =	vadd.f32 v16, v20;
	v20 =	vperm.xlane v14, v21;
	v56 =	vadd.s32 v41, v33  }
0x3e7: {  	v9 =	vsub.f32 $1.500000000e+00, v9;
	v22 =	vadd.s32 v44, v33  }
0x3e8: {  	v14 =	vadd.f32 v14, v20;
	v20 =	vperm.xlane v39, v21;
	v33 =	vadd.s32 v45, v33  }
0x3e9: {  	v24 =	vmul.f32 v18, v24;
	v9 =	vmul.f32 v19, v9;
	v61 =	vadd.s32 v38, v31  }
0x3ea: {  	v32 =	vmul.f32 v18, v32;
	v46 =	vld [tilespmem:$0x1FE30];
	v0 =	vadd.s32 v62, v31  }
0x3eb: {  	v17 =	vadd.f32 v39, v20;
	v36 =	vmul.f32 v18, v36;
	v47 =	vld [tilespmem:$0x1FE40];
	[tilespmem:v56+s19+$0x0] =	vst.idx.msk $0xffff, v24;
	v9 =	vmin.f32 v9, $9.999999950e+11  }
0x3ec: {  	v20 =	vshrl.u32 v16, $0x1;
	v16 =	vmul.f32 $5.000000000e-01, v16;
	v15 =	vmul.f32 v9, v15;
	[tilespmem:v22+s19+$0x0] =	vst.idx.msk $0xffff, v32  }
0x3ed: {  	v20 =	vsub.s32 $0x5F3759DF, v20;
	v7 =	vmul.f32 v9, v7;
	[tilespmem:v33+s19+$0x0] =	vst.idx.msk $0xffff, v36  }
0x3ee: {  	v16 =	vmul.f32 v20, v16;
	[tilespmem:v61+s19+$0x0] =	vst.idx.msk $0xffff, v15  }
0x3ef: {  	[tilespmem:v0+s19+$0x0] =	vst.idx.msk $0xffff, v7  }
0x3f0: {  	v16 =	vmul.f32 v20, v16;
	v48 =	vld [tilespmem:$0x1FE50]  }
0x3f1: {  	v19 =	vadd.s32 v46, v31  }
0x3f2: {  	v16 =	vsub.f32 $1.500000000e+00, v16;
	v31 =	vadd.s32 v47, v31;
	_ =	sdelay $0x1  }
0x3f3: {  	v18 =	vshrl.u32 v14, $0x1;
	v15 =	vmul.f32 v20, v16;
	v20 =	vmul.f32 v9, v30  }
0x3f4: {  	v39 =	vsub.s32 $0x5F3759DF, v18;
	v9 =	vmul.f32 v9, v34;
	v18 =	vadd.s32 v48, v26  }
0x3f5: {  	[tilespmem:v19+s19+$0x0] =	vst.idx.msk $0xffff, v20  }
0x3f6: {  	v15 =	vmin.f32 v15, $9.999999950e+11;
	[tilespmem:v31+s19+$0x0] =	vst.idx.msk $0xffff, v9  }
0x3f7: {  	v4 =	vmul.f32 v15, v4;
	v32 =	vld [tilespmem:$0x1FE80]  }
0x3f8: {  	v59 =	vperm.xlane v10, v21;
	v54 =	vld [tilespmem:$0x1FBD0]  }
0x3f9: {  	v56 =	vld [tilespmem:$0x1FE90];
	[tilespmem:v18+s19+$0x0] =	vst.idx.msk $0xffff, v4  }
0x3fa: {  	v10 =	vadd.f32 v10, v59;
	v59 =	vld [tilespmem:$0x1FBE0]  }
0x3fb: {  	v33 =	vld [tilespmem:$0x1FEA0]  }
0x3fc: {  	v40 =	vadd.s32 v32, v26  }
0x3fd: {  	v14 =	vmul.f32 $5.000000000e-01, v14;
	_ =	sdelay $0x1  }
0x3fe: {  	v14 =	vmul.f32 v39, v14;
	v20 =	vadd.s32 v56, v26;
	v0 =	vmul.f32 v15, v59  }
0x3ff: {  	v18 =	vadd.s32 v33, v26  }
0x400: {  	v14 =	vmul.f32 v39, v14;
	v19 =	vshll.u32 v54, v50;
	v31 =	vld [tilespmem:$0x1FEB0];
	[tilespmem:v40+s19+$0x0] =	vst.idx.msk $0xffff, v0  }
0x401: {  	v57 =	vbroadcast v19, $0x0;
	v19 =	vmul.f32 v15, v27;
	v22 =	vld [tilespmem:$0x1FEC0]  }
0x402: {  	v15 =	vmul.f32 v15, v29  }
0x403: {  	v14 =	vsub.f32 $1.500000000e+00, v14;
	[tilespmem:v20+s19+$0x0] =	vst.idx.msk $0xffff, v19  }
0x404: {  	[tilespmem:v18+s19+$0x0] =	vst.idx.msk $0xffff, v15  }
0x405: {  	v7 =	vmul.f32 v39, v14;
	v60 =	vadd.s32 v31, v57;
	v15 =	vld [tilespmem:$0x1FED0]  }
0x406: {  	v62 =	vadd.s32 v22, v57  }
0x407: {  	v7 =	vmin.f32 v7, $9.999999950e+11  }
0x408: {  	v38 =	vshrl.u32 v17, $0x1;
	v1 =	vmul.f32 v7, v1  }
0x409: {  	v17 =	vmul.f32 $5.000000000e-01, v17;
	v2 =	vmul.f32 v7, v2;
	v19 =	vadd.s32 v49, v57  }
0x40a: {  	v6 =	vsub.s32 $0x5F3759DF, v38;
	[tilespmem:v60+s19+$0x0] =	vst.idx.msk $0xffff, v1;
	v4 =	vadd.s32 v15, v57  }
0x40b: {  	s30 =	sadd.s32 $0x5, s25;
	v17 =	vmul.f32 v6, v17;
	[tilespmem:v62+s19+$0x0] =	vst.idx.msk $0xffff, v2  }
0x40c: {  	v61 =	vmov s30;
	v32 =	vmul.f32 v7, v13;
	v14 =	vld [tilespmem:$0x1FEE0]  }
0x40d: {  	v17 =	vmul.f32 v6, v17;
	v7 =	vmul.f32 v7, v28;
	v0 =	vshrl.u32 v61, $0x3;
	v24 =	vld [tilespmem:$0x1FEF0]  }
0x40e: {  	v0 =	vshll.u32 v0, v50;
	[tilespmem:v19+s19+$0x0] =	vst.idx.msk $0xffff, v32  }
0x40f: {  	v17 =	vsub.f32 $1.500000000e+00, v17;
	v0 =	vbroadcast v0, $0x0;
	v19 =	vld [tilespmem:$0x1FF00];
	[tilespmem:v4+s19+$0x0] =	vst.idx.msk $0xffff, v7  }
0x410: {  	v7 =	vld [tilespmem:$0x1FBF0]  }
0x411: {  	v6 =	vmul.f32 v6, v17;
	v34 =	vadd.s32 v14, v0  }
0x412: {  	v35 =	vadd.s32 v24, v0  }
0x413: {  	v16 =	vshrl.u32 v10, $0x1;
	v10 =	vmul.f32 $5.000000000e-01, v10;
	v36 =	vmin.f32 v6, $9.999999950e+11  }
0x414: {  	v16 =	vsub.s32 $0x5F3759DF, v16;
	v39 =	vmul.f32 v36, v12  }
0x415: {  	s31 =	sadd.s32 $0x6, s25;
	v10 =	vmul.f32 v16, v10;
	v26 =	vld [tilespmem:$0x1FF10];
	v7 =	vmul.f32 v36, v7  }
0x416: {  	v31 =	vmov s31;
	v27 =	vld [tilespmem:$0x1FF20];
	[tilespmem:v34+s19+$0x0] =	vst.idx.msk $0xffff, v39  }
0x417: {  	v10 =	vmul.f32 v16, v10;
	v33 =	vshrl.u32 v31, $0x3;
	v54 =	vld [tilespmem:$0x1FF30];
	[tilespmem:v35+s19+$0x0] =	vst.idx.msk $0xffff, v7  }
0x418: {  	v9 =	vshll.u32 v33, v50;
	v13 =	vld [tilespmem:$0x1FF40]  }
0x419: {  	v30 =	vsub.f32 $1.500000000e+00, v10;
	v37 =	vbroadcast v9, $0x0;
	v38 =	vadd.s32 v19, v0  }
0x41a: {  	v0 =	vadd.s32 v26, v0  }
0x41b: {  	v1 =	vmul.f32 v16, v30;
	v40 =	vadd.s32 v27, v37  }
0x41c: {  	v49 =	vmul.f32 v36, v5;
	v56 =	vadd.s32 v54, v37  }
0x41d: {  	v1 =	vmin.f32 v1, $9.999999950e+11;
	v2 =	vmul.f32 v36, v25;
	v57 =	vadd.s32 v13, v37  }
0x41e: {  	v6 =	vadd.s32 v58, v37;
	v59 =	vmul.f32 v1, v8;
	[tilespmem:v38+s19+$0x0] =	vst.idx.msk $0xffff, v49  }
0x41f: {  	v60 =	vmul.f32 v1, v11;
	[tilespmem:v0+s19+$0x0] =	vst.idx.msk $0xffff, v2  }
0x420: {  	v61 =	vmul.f32 v1, v3;
	[tilespmem:v40+s19+$0x0] =	vst.idx.msk $0xffff, v59  }
0x421: {  	v62 =	vmul.f32 v1, v23;
	[tilespmem:v56+s19+$0x0] =	vst.idx.msk $0xffff, v60  }
0x422: {  	[tilespmem:v57+s19+$0x0] =	vst.idx.msk $0xffff, v61  }
0x423: {  	s25 =	sadd.s32 s24, s7;
	s26 =	simm.s32 $0xC700;
	[tilespmem:v6+s19+$0x0] =	vst.idx.msk $0xffff, v62  }
0x424: {  	[hbm4b:s25+s3] =	stream.linear.scatter [tilespmem:s26], [sflag:$0x4], $0x80, $0x38;
	[tilespmem:$0xE900] =	vst v63  }
0x425: {  	s30 =	simm.s32 $0xC788;
	s31 =	sadd.s32 $0x10, s25  }
0x426: {  	[hbm4b:s31+s3] =	stream.linear.scatter [tilespmem:s30], [sflag:$0x4], $0x80, $0x38;
	[tilespmem:$0xE900] =	vst v63  }
0x427: {  	s28 =	simm.s32 $0xCAB8;
	s30 =	simm.s32 $0xC810;
	s31 =	sadd.s32 $0x20, s25  }
0x428: {  	[hbm4b:s31+s3] =	stream.linear.scatter [tilespmem:s30], [sflag:$0x4], $0x80, $0x38;
	[tilespmem:$0xE900] =	vst v63  }
0x429: {  	s24 =	simm.s32 $0x440;
	s30 =	simm.s32 $0xC898;
	s31 =	sadd.s32 $0x30, s25  }
0x42a: {  	[hbm4b:s31+s3] =	stream.linear.scatter [tilespmem:s30], [sflag:$0x4], $0x80, $0x38;
	[tilespmem:$0xE900] =	vst v63  }
0x42b: {  	s29 =	sadd.s32 $0x70, s25;
	s30 =	simm.s32 $0xC920;
	s31 =	sadd.s32 $0x40, s25  }
0x42c: {  	[hbm4b:s31+s3] =	stream.linear.scatter [tilespmem:s30], [sflag:$0x4], $0x80, $0x38;
	[tilespmem:$0xE900] =	vst v63  }
0x42d: {  	s26 =	simm.s32 $0x2200;
	s30 =	simm.s32 $0xC9A8;
	s31 =	sadd.s32 $0x50, s25  }
0x42e: {  	v17 =	vmov v21;
	[hbm4b:s31+s3] =	stream.linear.scatter [tilespmem:s30], [sflag:$0x4], $0x80, $0x38;
	[tilespmem:$0xE900] =	vst v63  }
0x42f: {  	v21 =	vmovc v42;
	v42 =	vmovc v41;
	v18 =	vmov v55;
	v16 =	vmov v53;
	v25 =	vmov v44;
	s30 =	simm.s32 $0xCA30;
	s31 =	sadd.s32 $0x60, s25;
	s25 =	sadd.s32 $0x1000, s25  }
0x430: {  	v44 =	vmovc v45;
	v45 =	vmovc v48;
	v36 =	vmov v47;
	v35 =	vmov v46;
	v40 =	vmov v43;
	v49 =	vld [tilespmem:$0x1FFD0];
	[hbm4b:s31+s3] =	stream.linear.scatter [tilespmem:s30], [sflag:$0x4], $0x80, $0x38  }
.LBB2_13:
0x431: {  	[hbm4b:s29+s3] =	stream.linear.scatter [tilespmem:s28], [sflag:$0x4], $0x80, $0x38;
	[tilespmem:$0xE900] =	vst v63  }
0x432: {  	s28 =	smov.u32 s24;
	s24 =	smov.u32 s26  }
0x433: {  	s30 =	sadd.s32 $0x1100, s26;
	s24 =	sshra.s32 s24, $0x2;
	s29 =	sadd.s32 $0xC700, s28  }
0x434: {  	[hbm4b:s25+s3] =	stream.linear.scatter [tilespmem:s29], [sflag:$0x4], $0x80, $0x38;
	[tilespmem:$0xE900] =	vst v63  }
0x435: {  	p0 =	sne.s32 s26, $0x7700;
	s26 =	sadd.s32 $0xC788, s28;
	s29 =	sadd.s32 $0x10, s25  }
0x436: {  	[hbm4b:s29+s3] =	stream.linear.scatter [tilespmem:s26], [sflag:$0x4], $0x80, $0x38;
	[tilespmem:$0xE900] =	vst v63  }
0x437: {  	s26 =	sadd.s32 $0xC810, s28;
	s29 =	sadd.s32 $0x20, s25  }
0x438: {  	[hbm4b:s29+s3] =	stream.linear.scatter [tilespmem:s26], [sflag:$0x4], $0x80, $0x38;
	[tilespmem:$0xE900] =	vst v63  }
0x439: {  	s26 =	sadd.s32 $0xC898, s28;
	s29 =	sadd.s32 $0x30, s25  }
0x43a: {  	[hbm4b:s29+s3] =	stream.linear.scatter [tilespmem:s26], [sflag:$0x4], $0x80, $0x38;
	[tilespmem:$0xE900] =	vst v63  }
0x43b: {  	s26 =	sadd.s32 $0xC920, s28;
	s29 =	sadd.s32 $0x40, s25  }
0x43c: {  	[hbm4b:s29+s3] =	stream.linear.scatter [tilespmem:s26], [sflag:$0x4], $0x80, $0x38;
	[tilespmem:$0xE900] =	vst v63  }
.Ltmp8:
0x43d: {  	s26 =	sadd.s32 $0xC9A8, s28;
	s29 =	sadd.s32 $0x50, s25;
	(pc) =	sbr.rel @p0 .LBB2_13-.Ltmp8, $4  }
0x43e: {  	[hbm4b:s29+s3] =	stream.linear.scatter [tilespmem:s26], [sflag:$0x4], $0x80, $0x38;
	[tilespmem:$0xE900] =	vst v63  }
0x43f: {  	s26 =	sadd.s32 $0xCA30, s28;
	s29 =	sadd.s32 $0x60, s25;
	s28 =	sadd.s32 $0xCAB8, s28  }
0x440: {  	[hbm4b:s29+s3] =	stream.linear.scatter [tilespmem:s26], [sflag:$0x4], $0x80, $0x38;
	[tilespmem:$0xE900] =	vst v63  }
0x441: {  	s29 =	sadd.s32 $0x70, s25;
	s25 =	sadd.s32 $0x1000, s25;
	s26 =	smov.u32 s30  }
0x442: {  	[hbm4b:s29+s3] =	stream.linear.scatter [tilespmem:s28], [sflag:$0x4], $0x80, $0x38;
	[tilespmem:$0xE900] =	vst v63  }
0x443: {  	s26 =	sadd.s32 $0xC700, s24  }
0x444: {  	[hbm4b:s25+s3] =	stream.linear.scatter [tilespmem:s26], [sflag:$0x4], $0x80, $0x38;
	[tilespmem:$0xE900] =	vst v63  }
0x445: {  	s30 =	sadd.s32 $0xC788, s24;
	s31 =	sadd.s32 $0x10, s25  }
0x446: {  	[hbm4b:s31+s3] =	stream.linear.scatter [tilespmem:s30], [sflag:$0x4], $0x80, $0x38;
	[tilespmem:$0xE900] =	vst v63  }
0x447: {  	s29 =	sadd.s32 $0xC810, s24;
	s30 =	sadd.s32 $0x20, s25  }
0x448: {  	[hbm4b:s30+s3] =	stream.linear.scatter [tilespmem:s29], [sflag:$0x4], $0x80, $0x38;
	[tilespmem:$0xE900] =	vst v63  }
0x449: {  	s31 =	sadd.s32 $0xC898, s24;
	s29 =	sadd.s32 $0x30, s25  }
0x44a: {  	[hbm4b:s29+s3] =	stream.linear.scatter [tilespmem:s31], [sflag:$0x4], $0x80, $0x38;
	[tilespmem:$0xE900] =	vst v63  }
0x44b: {  	s30 =	sadd.s32 $0xC920, s24;
	s31 =	sadd.s32 $0x40, s25  }
0x44c: {  	[hbm4b:s31+s3] =	stream.linear.scatter [tilespmem:s30], [sflag:$0x4], $0x80, $0x38;
	[tilespmem:$0xE900] =	vst v63  }
0x44d: {  	p0 =	seq.s32 s22, $0x63;
	s29 =	sadd.s32 $0xC9A8, s24;
	s30 =	sadd.s32 $0x50, s25  }
0x44e: {  	[hbm4b:s30+s3] =	stream.linear.scatter [tilespmem:s29], [sflag:$0x4], $0x80, $0x38;
	[tilespmem:$0xE900] =	vst v63  }
.Ltmp9:
0x44f: {  	_ = 	snop;
	(pc) =	sbr.rel @p0 .LBB2_16-.Ltmp9, $4  }
0x450: {  	s31 =	sadd.s32 $0xCA30, s24;
	s29 =	sadd.s32 $0x60, s25  }
0x451: {  	[hbm4b:s29+s3] =	stream.linear.scatter [tilespmem:s31], [sflag:$0x4], $0x80, $0x38;
	[tilespmem:$0xE900] =	vst v63  }
0x452: {  	s30 =	sadd.s32 $0xCAB8, s24;
	s31 =	sadd.s32 $0x70, s25  }
0x453: {  	[hbm4b:s31+s3] =	stream.linear.scatter [tilespmem:s30], [sflag:$0x4], $0x80, $0x38;
	[tilespmem:$0xE900] =	vst v63  }
0x454: {  	v1 =	vld [tilespmem:$0x1FDA0];
	_ =	sdelay $0x1  }
0x455: {  	s23 =	sadd.s32 $0x3, s23  }
0x456: {  	v0 =	vmov s23  }
0x457: {  	v0 =	vand.u32 $0x1FF, v0  }
0x458: {  	v1 =	vadd.s32 v1, v0  }
0x459: {  	v2 =	vld [tilespmem:$0x1FCC0];
	_ =	sdelay $0x3  }
0x45a: {  	v1 =	vld.idx.msk [tilespmem:v1+s3+$0x0], $0xffff  }
0x45b: {  	v2 =	vadd.s32 v2, v0  }
0x45c: {  	v57 =	vld [tilespmem:$0x1FCD0];
	_ =	sdelay $0x2  }
0x45d: {  	[tilespmem:$0x6480] =	vst v1  }
0x45e: {  	v1 =	vld.idx.msk [tilespmem:v2+s3+$0x0], $0xffff  }
0x45f: {  	v2 =	vadd.s32 v57, v0  }
0x460: {  	v58 =	vld [tilespmem:$0x1FCE0];
	_ =	sdelay $0x2  }
0x461: {  	[tilespmem:$0x6490] =	vst v1  }
0x462: {  	v1 =	vld.idx.msk [tilespmem:v2+s3+$0x0], $0xffff  }
0x463: {  	v2 =	vadd.s32 v58, v0  }
0x464: {  	v59 =	vld [tilespmem:$0x1FCF0];
	_ =	sdelay $0x2  }
0x465: {  	[tilespmem:$0x64A0] =	vst v1  }
0x466: {  	v1 =	vld.idx.msk [tilespmem:v2+s3+$0x0], $0xffff  }
0x467: {  	v2 =	vadd.s32 v59, v0  }
0x468: {  	v60 =	vld [tilespmem:$0x1FD00];
	_ =	sdelay $0x2  }
0x469: {  	[tilespmem:$0x64B0] =	vst v1  }
0x46a: {  	v1 =	vld.idx.msk [tilespmem:v2+s3+$0x0], $0xffff  }
0x46b: {  	v2 =	vadd.s32 v60, v0  }
0x46c: {  	v61 =	vld [tilespmem:$0x1FD10];
	_ =	sdelay $0x2  }
0x46d: {  	[tilespmem:$0x64C0] =	vst v1  }
0x46e: {  	v1 =	vld.idx.msk [tilespmem:v2+s3+$0x0], $0xffff  }
0x46f: {  	v2 =	vadd.s32 v61, v0  }
0x470: {  	v62 =	vld [tilespmem:$0x1FD20];
	_ =	sdelay $0x2  }
0x471: {  	[tilespmem:$0x64D0] =	vst v1  }
0x472: {  	v1 =	vld.idx.msk [tilespmem:v2+s3+$0x0], $0xffff  }
0x473: {  	v0 =	vadd.s32 v62, v0;
	_ =	sdelay $0x3  }
0x474: {  	[tilespmem:$0x64E0] =	vst v1  }
0x475: {  	v0 =	vld.idx.msk [tilespmem:v0+s3+$0x0], $0xffff;
	_ =	sdelay $0x1  }
.Ltmp10:
0x476: {  	_ = 	snop;
	(pc) =	sbr.rel .LBB2_2-.Ltmp10, $3  }
0x477: {  	_ =	sdelay $0x1  }
0x478: {  	s22 =	sadd.s32 $0x1, s22;
	[tilespmem:$0x64F0] =	vst v0  }
0x479: {  	[tilespmem:s14], [sflag:$0x2] =	stream.indirect.gather [hbm4b:s4+s10], $0x40, s13, s10, $0xb8;
	[tilespmem:$0xE900] =	vst v63  }
.LBB2_17:
0x47a: {  	_ =	sfence.sel $0x180000  }
0x47b: {  	[bflag:$0x0] =	sbarrier.arrive $0xFFFF  }
0x47c: {  	p0 =	sne.s32 s0, $0x0;
	_ =	strace $0x90000047  }
0x47d: {  	s0 =	sadd.s32 @!p0 $0x100000, s1;
	[bflag:$0x2] =	sbarrier.arrive $0xFFFF  }
0x47e: {  	[sflag:s0] =	ssyncadd.tile.s32 @!p0 $0x1;
	_ =	shalt  }
.Lfunc_end2:
_tile_overlayer_lowered:
.L_overlay_start_2:
0x47f: {  	(tag) =	ssettag $0x2  }
0x480: {  	s0 =	rddreg [dreg:$0x0];
	s2 =	stileid.u32  }
0x481: {  	s1 =	rddreg [dreg:$0x1];
	p0 =	sne.s32 s2, $0x0  }
0x482: {  	s3 =	rddreg [dreg:$0x2];
	[bflag:$0x3] =	sbarrier.arrive $0xFFFF;
	s2 =	simm.s32 @!p0 $0x1C05  }
0x483: {  	[timem:s3], [sflag:s2] =	dma.local @!p0 [hbm:s0], s1  }
0x484: {  	s0 =	simm.s32 @!p0 $0x5  }
0x485: {  	_ =	swait.ge @!p0 [sflag:s0], s1  }
0x486: {  	s1 =	ssub.s32 @!p0 $0x0, s1;
	[sflag:s0] =	ssyncset.done @!p0 $0x0  }
0x487: {  	[sflag:s0] =	ssyncadd.s32 @!p0 s1  }
0x488: {  	[bflag:$0x3] =	sbarrier.arrive $0xFFFF  }
0x489: {  	_ =	shalt  }

</sc_bundles>
